<compile_context>
chip_gen: v7x
topology: tpu7x:2x2x1
jax: 0.10.2.dev20260603
libtpu: 0.0.44.dev20260713+nightly
codegen_flags: <defaults>
</compile_context>

<pallas_src>
import jax
import jax.numpy as jnp
from jax import lax
from jax.experimental import pallas as pl
from jax.experimental.pallas import tpu as pltpu
from jax.experimental.pallas import tpu_sc as plsc

S = 64.0
M = 0.4

_W = 2048
_KCHUNKS = 48
_SC_COLS = _W * _KCHUNKS
_SC_ROWS = 512
_RG = 8
_NBUF = 3
_VPC = _W // 16
_UNROLL = 16
_TC_ROWBLK = 16
_TC_BLK = 128


def _sc_body(x_hbm, cmp_hbm, o_hbm, inbuf, outbuf, cmpbuf, insem, outsem):
    info = plsc.get_sparse_core_info()
    nc = info.num_cores
    wid = lax.axis_index("s") * nc + lax.axis_index("c")
    n_groups = _SC_ROWS // _RG // 32
    rows_per_worker = _SC_ROWS // 32
    n_chunks = n_groups * _KCHUNKS

    pltpu.sync_copy(cmp_hbm.at[pl.ds(n_groups * wid, n_groups), :, :], cmpbuf)

    def row0(t):
        return rows_per_worker * wid + _RG * (t // _KCHUNKS)

    def col0(t):
        return _W * lax.rem(t, _KCHUNKS)

    def in_cp(t, s):
        return pltpu.make_async_copy(
            x_hbm.at[pl.ds(row0(t), _RG), pl.ds(col0(t), _W)],
            inbuf.at[s], insem.at[s])

    def out_cp(t, s):
        return pltpu.make_async_copy(
            outbuf.at[s], o_hbm.at[pl.ds(row0(t), _RG), pl.ds(col0(t), _W)],
            outsem.at[s])

    for s in range(_NBUF):
        in_cp(s, s).start()

    scale = jnp.float32(S)
    marg = jnp.float32(M)
    zero = jnp.float32(0.0)

    def step(t, carry):
        s = lax.rem(t, _NBUF)
        in_cp(t, s).wait()

        @pl.when(t >= _NBUF)
        def _():
            out_cp(t - _NBUF, s).wait()

        g = t // _KCHUNKS
        base_gv = lax.rem(t, _KCHUNKS) * _VPC

        for r in range(_RG):
            cr = cmpbuf[g, r, :]

            @plsc.parallel_loop(0, _VPC, unroll=_UNROLL)
            def _(j, s=s, r=r, cr=cr):
                v = inbuf[s, r, pl.ds(j * 16, 16)]
                m = cr == base_gv + j
                outbuf[s, r, pl.ds(j * 16, 16)] = (
                    v - jnp.where(m, marg, zero)) * scale

        out_cp(t, s).start()

        @pl.when(t + _NBUF < n_chunks)
        def _():
            in_cp(t + _NBUF, s).start()

        return carry

    lax.fori_loop(0, n_chunks, step, 0)

    for s in range(_NBUF):
        out_cp(n_chunks - _NBUF + s, s).wait()


def _tc_a_body(lab_ref, x_ref, o_ref):
    x = x_ref[...]
    lab = lab_ref[...]
    cols = jax.lax.broadcasted_iota(jnp.int32, x.shape, 1)
    margin = jnp.where(cols == lab, jnp.float32(-M), jnp.float32(0.0))
    o_ref[...] = (x + margin) * jnp.float32(S)


def _tc_b_body(lab_ref, x_ref, alias_ref, o_ref):
    j = pl.program_id(0)
    x = x_ref[...]
    lab = lab_ref[...]
    cols = (jax.lax.broadcasted_iota(jnp.int32, x.shape, 1)
            + _SC_COLS + j * _TC_BLK)
    margin = jnp.where(cols == lab, jnp.float32(-M), jnp.float32(0.0))
    o_ref[...] = (x + margin) * jnp.float32(S)


def kernel(logits, labels):
    B, C = logits.shape
    lab = labels.astype(jnp.int32)
    valid = lab != -1
    top = lab[:_SC_ROWS]
    in_sc = valid[:_SC_ROWS] & (top < _SC_COLS)
    gv = jnp.where(in_sc, top // 16, -1)
    lanepos = jnp.where(in_sc, top % 16, -1)
    cmp = jnp.where(jnp.arange(16, dtype=jnp.int32)[None, :] == lanepos[:, None],
                    gv[:, None], -1)
    ngrp = _SC_ROWS // _RG
    cmp3 = cmp.reshape(ngrp, _RG, 16)

    mesh = plsc.VectorSubcoreMesh(core_axis_name="c", subcore_axis_name="s")
    sc_run = pl.kernel(
        _sc_body,
        mesh=mesh,
        out_type=jax.ShapeDtypeStruct((_SC_ROWS, _SC_COLS), logits.dtype),
        scratch_types=[
            pltpu.VMEM((_NBUF, _RG, _W), logits.dtype),
            pltpu.VMEM((_NBUF, _RG, _W), logits.dtype),
            pltpu.VMEM((ngrp // 32, _RG, 16), jnp.int32),
            pltpu.SemaphoreType.DMA((_NBUF,)),
            pltpu.SemaphoreType.DMA((_NBUF,)),
        ],
    )
    sc_out = sc_run(logits, cmp3)

    lab2d = lab.reshape(B, 1)
    row_base = _SC_ROWS // _TC_ROWBLK
    tc_a = pl.pallas_call(
        _tc_a_body,
        grid=((B - _SC_ROWS) // _TC_ROWBLK,),
        in_specs=[
            pl.BlockSpec((_TC_ROWBLK, 1), lambda i: (row_base + i, 0)),
            pl.BlockSpec((_TC_ROWBLK, C), lambda i: (row_base + i, 0)),
        ],
        out_specs=pl.BlockSpec((_TC_ROWBLK, C), lambda i: (row_base + i, 0)),
        out_shape=jax.ShapeDtypeStruct((B, C), logits.dtype),
        compiler_params=pltpu.CompilerParams(
            dimension_semantics=("arbitrary",),
        ),
    )(lab2d, logits)

    tail_blocks = -(-(C - _SC_COLS) // _TC_BLK)
    col_base = _SC_COLS // _TC_BLK
    tc_b = pl.pallas_call(
        _tc_b_body,
        grid=(tail_blocks,),
        in_specs=[
            pl.BlockSpec((_SC_ROWS, 1), lambda j: (0, 0)),
            pl.BlockSpec((_SC_ROWS, _TC_BLK), lambda j: (0, col_base + j)),
            pl.BlockSpec(memory_space=pl.ANY),
        ],
        out_specs=pl.BlockSpec((_SC_ROWS, _TC_BLK), lambda j: (0, col_base + j)),
        out_shape=jax.ShapeDtypeStruct((B, C), logits.dtype),
        input_output_aliases={2: 0},
        compiler_params=pltpu.CompilerParams(
            dimension_semantics=("arbitrary",),
        ),
    )(lab2d, logits, tc_a)
    return lax.dynamic_update_slice(tc_b, sc_out, (0, 0))

# --- scband reference (transcript-rebuilt; emitter-appended) ---
"""Pipeline reference for scband-cos-face-53326313947808 (READ-ONLY COPY).

The authoritative reference and input builder live on the scoring server;
editing this copy changes nothing except your own understanding.
"""

import jax, jax.numpy as jnp
import numpy as np

S = 64.0
M = 0.4
B = 1024
C = 100000

def setup_inputs(seed: int = 0) -> dict:
    key = jax.random.key(seed)
    k1, k2 = jax.random.split(key)
    logits = jax.random.normal(k1, (B, C), dtype=jnp.float32)
    labels = jax.random.randint(k2, (B,), 0, C, dtype=jnp.int64)
    return {"logits": logits, "labels": labels}

def reference(logits, labels):
    # index = where(labels != -1); target_logit = logits[index, labels[index]]
    # logits[index, labels[index]] = target_logit - m  -> scatter-add of -m at valid targets
    valid = labels != -1
    safe_labels = jnp.where(valid, labels, 0)
    row_idx = jnp.arange(logits.shape[0])
    adjust = jnp.where(valid, -M, 0.0).astype(logits.dtype)
    logits = logits.at[row_idx, safe_labels].add(adjust)
    logits = logits * S
    return logits

if __name__ == "__main__":
    import jax
    _d = setup_inputs()
    print(jax.jit(kernel)(*tuple(_d.values())))

</pallas_src>

<mosaic_0001>
#map = affine_map<(d0, d1) -> (0, 0)>
#map1 = affine_map<(d0, d1) -> (0, 0, 0)>
module attributes {stable_mosaic.version = 14 : i64} {
  func.func @_sc_body(%arg0: i32, %arg1: i32, %arg2: memref<1024x100000xf32, #tpu.memory_space<hbm>>, %arg3: memref<64x8x16xi32, #tpu.memory_space<hbm>>, %arg4: memref<512x98304xf32, #tpu.memory_space<hbm>>, %arg5: memref<3x8x2048xf32, #tpu.memory_space<vmem>>, %arg6: memref<3x8x2048xf32, #tpu.memory_space<vmem>>, %arg7: memref<2x8x16xi32, #tpu.memory_space<vmem>>, %arg8: memref<3x!tpu.dma_semaphore, #tpu.memory_space<semaphore_mem>>, %arg9: memref<3x!tpu.dma_semaphore, #tpu.memory_space<semaphore_mem>>) attributes {dimension_semantics = [#tpu.dimension_semantics<core_parallel>, #tpu.dimension_semantics<subcore_parallel>], iteration_bounds = array<i64: 2, 16>, scalar_prefetch = 0 : i64, scratch_operands = 5 : i64, tpu.core_type = #tpu.core_type<sc_vector_subcore>, window_params = [{transform_indices = #map}, {transform_indices = #map1}, {transform_indices = #map}]} {
    %mul3A = arith.constant 2 : i32
    %mul3A_0 = arith.muli %arg1, %mul3A : i32
    %add3A = arith.addi %mul3A_0, %arg0 : i32
    %mul3A_1 = arith.constant 2 : i32
    %mul3A_2 = arith.muli %mul3A_1, %add3A : i32
    "tpu.region"() ({
      %run_scoped3A = tpu.sem_alloc : memref<!tpu.dma_semaphore, #tpu.memory_space<semaphore_mem>>
      %dma_start3A_146 = arith.constant 0 : i32
      %dma_start3A_147 = arith.constant 0 : i32
      %dma_start3A_148 = tpu.memref_slice %arg3[%mul3A_2, %dma_start3A_146, %dma_start3A_147] : memref<64x8x16xi32, #tpu.memory_space<hbm>> -> memref<2x8x16xi32, #tpu.memory_space<hbm>>
      %dma_start3A_149 = arith.constant 0 : i32
      %dma_start3A_150 = arith.constant 0 : i32
      %dma_start3A_151 = tpu.memref_slice %arg3[%mul3A_2, %dma_start3A_149, %dma_start3A_150] : memref<64x8x16xi32, #tpu.memory_space<hbm>> -> memref<2x8x16xi32, #tpu.memory_space<hbm>>
      tpu.enqueue_dma source(%dma_start3A_151 : memref<2x8x16xi32, #tpu.memory_space<hbm>>) target(%arg7 : memref<2x8x16xi32, #tpu.memory_space<vmem>>) target_semaphore(%run_scoped3A : memref<!tpu.dma_semaphore, #tpu.memory_space<semaphore_mem>>)
      %dma_wait3A_152 = arith.constant 0 : i32
      %dma_wait3A_153 = arith.constant 0 : i32
      %dma_wait3A_154 = tpu.memref_slice %arg3[%mul3A_2, %dma_wait3A_152, %dma_wait3A_153] : memref<64x8x16xi32, #tpu.memory_space<hbm>> -> memref<2x8x16xi32, #tpu.memory_space<hbm>>
      %dma_wait3A_155 = arith.constant 0 : i32
      %dma_wait3A_156 = arith.constant 0 : i32
      %dma_wait3A_157 = tpu.memref_slice %arg3[%mul3A_2, %dma_wait3A_155, %dma_wait3A_156] : memref<64x8x16xi32, #tpu.memory_space<hbm>> -> memref<2x8x16xi32, #tpu.memory_space<hbm>>
      tpu.wait_dma2 semaphore(%run_scoped3A : memref<!tpu.dma_semaphore, #tpu.memory_space<semaphore_mem>>) src(%dma_wait3A_157 : memref<2x8x16xi32, #tpu.memory_space<hbm>>) dst(%arg7 : memref<2x8x16xi32, #tpu.memory_space<vmem>>)
      tpu.yield
    }) : () -> ()
    %mul3A_3 = arith.constant 16 : i32
    %mul3A_4 = arith.muli %mul3A_3, %add3A : i32
    %add3A_5 = arith.constant 0 : i32
    %add3A_6 = arith.addi %mul3A_4, %add3A_5 : i32
    %rem3A = arith.constant 0 : i32
    %rem3A_7 = arith.constant 48 : i32
    %rem3A_8 = arith.remsi %rem3A, %rem3A_7 : i32
    %mul3A_9 = arith.constant 2048 : i32
    %mul3A_10 = arith.muli %mul3A_9, %rem3A_8 : i32
    %dma_start3A = arith.constant 0 : i32
    %dma_start3A_11 = arith.constant 0 : i32
    %dma_start3A_12 = arith.constant 0 : i32
    %dma_start3A_13 = arith.constant 0 : i32
    %dma_start3A_14 = tpu.memref_slice %arg5[%dma_start3A, %dma_start3A_12, %dma_start3A_13] : memref<3x8x2048xf32, #tpu.memory_space<vmem>> -> memref<1x8x2048xf32, #tpu.memory_space<vmem>>
    %dma_start3A_15 = tpu.memref_squeeze %dma_start3A_14 : memref<1x8x2048xf32, #tpu.memory_space<vmem>> -> memref<8x2048xf32, #tpu.memory_space<vmem>>
    %dma_start3A_16 = tpu.memref_slice %arg2[%add3A_6, %mul3A_10] : memref<1024x100000xf32, #tpu.memory_space<hbm>> -> memref<8x2048xf32, #tpu.memory_space<hbm>>
    %dma_start3A_17 = tpu.memref_slice %arg8[%dma_start3A_11] : memref<3x!tpu.dma_semaphore, #tpu.memory_space<semaphore_mem>> -> memref<1x!tpu.dma_semaphore, #tpu.memory_space<semaphore_mem>>
    %dma_start3A_18 = tpu.memref_squeeze %dma_start3A_17 : memref<1x!tpu.dma_semaphore, #tpu.memory_space<semaphore_mem>> -> memref<!tpu.dma_semaphore, #tpu.memory_space<semaphore_mem>>
    %dma_start3A_19 = arith.constant 0 : i32
    %dma_start3A_20 = arith.constant 0 : i32
    %dma_start3A_21 = tpu.memref_slice %arg5[%dma_start3A, %dma_start3A_19, %dma_start3A_20] : memref<3x8x2048xf32, #tpu.memory_space<vmem>> -> memref<1x8x2048xf32, #tpu.memory_space<vmem>>
    %dma_start3A_22 = tpu.memref_squeeze %dma_start3A_21 : memref<1x8x2048xf32, #tpu.memory_space<vmem>> -> memref<8x2048xf32, #tpu.memory_space<vmem>>
    %dma_start3A_23 = tpu.memref_slice %arg2[%add3A_6, %mul3A_10] : memref<1024x100000xf32, #tpu.memory_space<hbm>> -> memref<8x2048xf32, #tpu.memory_space<hbm>>
    tpu.enqueue_dma source(%dma_start3A_23 : memref<8x2048xf32, #tpu.memory_space<hbm>>) target(%dma_start3A_22 : memref<8x2048xf32, #tpu.memory_space<vmem>>) target_semaphore(%dma_start3A_18 : memref<!tpu.dma_semaphore, #tpu.memory_space<semaphore_mem>>)
    %mul3A_24 = arith.constant 16 : i32
    %mul3A_25 = arith.muli %mul3A_24, %add3A : i32
    %add3A_26 = arith.constant 0 : i32
    %add3A_27 = arith.addi %mul3A_25, %add3A_26 : i32
    %rem3A_28 = arith.constant 1 : i32
    %rem3A_29 = arith.constant 48 : i32
    %rem3A_30 = arith.remsi %rem3A_28, %rem3A_29 : i32
    %mul3A_31 = arith.constant 2048 : i32
    %mul3A_32 = arith.muli %mul3A_31, %rem3A_30 : i32
    %dma_start3A_33 = arith.constant 1 : i32
    %dma_start3A_34 = arith.constant 1 : i32
    %dma_start3A_35 = arith.constant 0 : i32
    %dma_start3A_36 = arith.constant 0 : i32
    %dma_start3A_37 = tpu.memref_slice %arg5[%dma_start3A_33, %dma_start3A_35, %dma_start3A_36] : memref<3x8x2048xf32, #tpu.memory_space<vmem>> -> memref<1x8x2048xf32, #tpu.memory_space<vmem>>
    %dma_start3A_38 = tpu.memref_squeeze %dma_start3A_37 : memref<1x8x2048xf32, #tpu.memory_space<vmem>> -> memref<8x2048xf32, #tpu.memory_space<vmem>>
    %dma_start3A_39 = tpu.memref_slice %arg2[%add3A_27, %mul3A_32] : memref<1024x100000xf32, #tpu.memory_space<hbm>> -> memref<8x2048xf32, #tpu.memory_space<hbm>>
    %dma_start3A_40 = tpu.memref_slice %arg8[%dma_start3A_34] : memref<3x!tpu.dma_semaphore, #tpu.memory_space<semaphore_mem>> -> memref<1x!tpu.dma_semaphore, #tpu.memory_space<semaphore_mem>>
    %dma_start3A_41 = tpu.memref_squeeze %dma_start3A_40 : memref<1x!tpu.dma_semaphore, #tpu.memory_space<semaphore_mem>> -> memref<!tpu.dma_semaphore, #tpu.memory_space<semaphore_mem>>
    %dma_start3A_42 = arith.constant 0 : i32
    %dma_start3A_43 = arith.constant 0 : i32
    %dma_start3A_44 = tpu.memref_slice %arg5[%dma_start3A_33, %dma_start3A_42, %dma_start3A_43] : memref<3x8x2048xf32, #tpu.memory_space<vmem>> -> memref<1x8x2048xf32, #tpu.memory_space<vmem>>
    %dma_start3A_45 = tpu.memref_squeeze %dma_start3A_44 : memref<1x8x2048xf32, #tpu.memory_space<vmem>> -> memref<8x2048xf32, #tpu.memory_space<vmem>>
    %dma_start3A_46 = tpu.memref_slice %arg2[%add3A_27, %mul3A_32] : memref<1024x100000xf32, #tpu.memory_space<hbm>> -> memref<8x2048xf32, #tpu.memory_space<hbm>>
    tpu.enqueue_dma source(%dma_start3A_46 : memref<8x2048xf32, #tpu.memory_space<hbm>>) target(%dma_start3A_45 : memref<8x2048xf32, #tpu.memory_space<vmem>>) target_semaphore(%dma_start3A_41 : memref<!tpu.dma_semaphore, #tpu.memory_space<semaphore_mem>>)
    %mul3A_47 = arith.constant 16 : i32
    %mul3A_48 = arith.muli %mul3A_47, %add3A : i32
    %add3A_49 = arith.constant 0 : i32
    %add3A_50 = arith.addi %mul3A_48, %add3A_49 : i32
    %rem3A_51 = arith.constant 2 : i32
    %rem3A_52 = arith.constant 48 : i32
    %rem3A_53 = arith.remsi %rem3A_51, %rem3A_52 : i32
    %mul3A_54 = arith.constant 2048 : i32
    %mul3A_55 = arith.muli %mul3A_54, %rem3A_53 : i32
    %dma_start3A_56 = arith.constant 2 : i32
    %dma_start3A_57 = arith.constant 2 : i32
    %dma_start3A_58 = arith.constant 0 : i32
    %dma_start3A_59 = arith.constant 0 : i32
    %dma_start3A_60 = tpu.memref_slice %arg5[%dma_start3A_56, %dma_start3A_58, %dma_start3A_59] : memref<3x8x2048xf32, #tpu.memory_space<vmem>> -> memref<1x8x2048xf32, #tpu.memory_space<vmem>>
    %dma_start3A_61 = tpu.memref_squeeze %dma_start3A_60 : memref<1x8x2048xf32, #tpu.memory_space<vmem>> -> memref<8x2048xf32, #tpu.memory_space<vmem>>
    %dma_start3A_62 = tpu.memref_slice %arg2[%add3A_50, %mul3A_55] : memref<1024x100000xf32, #tpu.memory_space<hbm>> -> memref<8x2048xf32, #tpu.memory_space<hbm>>
    %dma_start3A_63 = tpu.memref_slice %arg8[%dma_start3A_57] : memref<3x!tpu.dma_semaphore, #tpu.memory_space<semaphore_mem>> -> memref<1x!tpu.dma_semaphore, #tpu.memory_space<semaphore_mem>>
    %dma_start3A_64 = tpu.memref_squeeze %dma_start3A_63 : memref<1x!tpu.dma_semaphore, #tpu.memory_space<semaphore_mem>> -> memref<!tpu.dma_semaphore, #tpu.memory_space<semaphore_mem>>
    %dma_start3A_65 = arith.constant 0 : i32
    %dma_start3A_66 = arith.constant 0 : i32
    %dma_start3A_67 = tpu.memref_slice %arg5[%dma_start3A_56, %dma_start3A_65, %dma_start3A_66] : memref<3x8x2048xf32, #tpu.memory_space<vmem>> -> memref<1x8x2048xf32, #tpu.memory_space<vmem>>
    %dma_start3A_68 = tpu.memref_squeeze %dma_start3A_67 : memref<1x8x2048xf32, #tpu.memory_space<vmem>> -> memref<8x2048xf32, #tpu.memory_space<vmem>>
    %dma_start3A_69 = tpu.memref_slice %arg2[%add3A_50, %mul3A_55] : memref<1024x100000xf32, #tpu.memory_space<hbm>> -> memref<8x2048xf32, #tpu.memory_space<hbm>>
    tpu.enqueue_dma source(%dma_start3A_69 : memref<8x2048xf32, #tpu.memory_space<hbm>>) target(%dma_start3A_68 : memref<8x2048xf32, #tpu.memory_space<vmem>>) target_semaphore(%dma_start3A_64 : memref<!tpu.dma_semaphore, #tpu.memory_space<semaphore_mem>>)
    %scan3A = arith.constant 0 : i32
    %scan3A_70 = arith.constant 4.000000e-01 : f32
    %scan3A_71 = arith.constant 0.000000e+00 : f32
    %scan3A_72 = arith.constant 6.400000e+01 : f32
    %scan3A_73 = arith.constant 0 : i32
    %scan3A_74 = arith.constant 96 : i32
    %scan3A_75 = arith.addi %scan3A_73, %scan3A_74 : i32
    %scan3A_76 = arith.constant 1 : i32
    scf.for %scan3A_146 = %scan3A_73 to %scan3A_75 step %scan3A_76  : i32 {
      %rem3A_147 = arith.constant 3 : i32
      %rem3A_148 = arith.remsi %scan3A_146, %rem3A_147 : i32
      %mul3A_149 = arith.constant 16 : i32
      %mul3A_150 = arith.muli %mul3A_149, %add3A : i32
      %jit3A = arith.constant 48 : i32
      %div3A = arith.divsi %scan3A_146, %jit3A : i32
      %sign3A = arith.constant 0 : i32
      %sign3A_151 = arith.cmpi sgt, %scan3A_146, %sign3A : i32
      %sign3A_152 = arith.extui %sign3A_151 : i1 to i32
      %sign3A_153 = arith.constant 0 : i32
      %sign3A_154 = arith.cmpi slt, %scan3A_146, %sign3A_153 : i32
      %sign3A_155 = arith.extui %sign3A_154 : i1 to i32
      %sign3A_156 = arith.subi %sign3A_152, %sign3A_155 : i32
      %sign3A_157 = arith.constant 0 : i32
      %sign3A_158 = arith.cmpi sgt, %jit3A, %sign3A_157 : i32
      %sign3A_159 = arith.extui %sign3A_158 : i1 to i32
      %sign3A_160 = arith.constant 0 : i32
      %sign3A_161 = arith.cmpi slt, %jit3A, %sign3A_160 : i32
      %sign3A_162 = arith.extui %sign3A_161 : i1 to i32
      %sign3A_163 = arith.subi %sign3A_159, %sign3A_162 : i32
      %ne3A = arith.cmpi ne, %sign3A_156, %sign3A_163 : i32
      %rem3A_164 = arith.remsi %scan3A_146, %jit3A : i32
      %ne3A_165 = arith.constant 0 : i32
      %ne3A_166 = arith.cmpi ne, %rem3A_164, %ne3A_165 : i32
      %and3A = arith.andi %ne3A, %ne3A_166 : i1
      %sub3A = arith.constant 1 : i32
      %sub3A_167 = arith.subi %div3A, %sub3A : i32
      %select_n3A = arith.select %and3A, %sub3A_167, %div3A : i32
      %mul3A_168 = arith.constant 8 : i32
      %mul3A_169 = arith.muli %mul3A_168, %select_n3A : i32
      %add3A_170 = arith.addi %mul3A_150, %mul3A_169 : i32
      %rem3A_171 = arith.constant 48 : i32
      %rem3A_172 = arith.remsi %scan3A_146, %rem3A_171 : i32
      %mul3A_173 = arith.constant 2048 : i32
      %mul3A_174 = arith.muli %mul3A_173, %rem3A_172 : i32
      %dma_wait3A_175 = arith.constant 0 : i32
      %dma_wait3A_176 = arith.constant 0 : i32
      %dma_wait3A_177 = tpu.memref_slice %arg5[%rem3A_148, %dma_wait3A_175, %dma_wait3A_176] : memref<3x8x2048xf32, #tpu.memory_space<vmem>> -> memref<1x8x2048xf32, #tpu.memory_space<vmem>>
      %dma_wait3A_178 = tpu.memref_squeeze %dma_wait3A_177 : memref<1x8x2048xf32, #tpu.memory_space<vmem>> -> memref<8x2048xf32, #tpu.memory_space<vmem>>
      %dma_wait3A_179 = tpu.memref_slice %arg2[%add3A_170, %mul3A_174] : memref<1024x100000xf32, #tpu.memory_space<hbm>> -> memref<8x2048xf32, #tpu.memory_space<hbm>>
      %dma_wait3A_180 = tpu.memref_slice %arg8[%rem3A_148] : memref<3x!tpu.dma_semaphore, #tpu.memory_space<semaphore_mem>> -> memref<1x!tpu.dma_semaphore, #tpu.memory_space<semaphore_mem>>
      %dma_wait3A_181 = tpu.memref_squeeze %dma_wait3A_180 : memref<1x!tpu.dma_semaphore, #tpu.memory_space<semaphore_mem>> -> memref<!tpu.dma_semaphore, #tpu.memory_space<semaphore_mem>>
      %dma_wait3A_182 = arith.constant 0 : i32
      %dma_wait3A_183 = arith.constant 0 : i32
      %dma_wait3A_184 = tpu.memref_slice %arg5[%rem3A_148, %dma_wait3A_182, %dma_wait3A_183] : memref<3x8x2048xf32, #tpu.memory_space<vmem>> -> memref<1x8x2048xf32, #tpu.memory_space<vmem>>
      %dma_wait3A_185 = tpu.memref_squeeze %dma_wait3A_184 : memref<1x8x2048xf32, #tpu.memory_space<vmem>> -> memref<8x2048xf32, #tpu.memory_space<vmem>>
      %dma_wait3A_186 = tpu.memref_slice %arg2[%add3A_170, %mul3A_174] : memref<1024x100000xf32, #tpu.memory_space<hbm>> -> memref<8x2048xf32, #tpu.memory_space<hbm>>
      tpu.wait_dma2 semaphore(%dma_wait3A_181 : memref<!tpu.dma_semaphore, #tpu.memory_space<semaphore_mem>>) src(%dma_wait3A_186 : memref<8x2048xf32, #tpu.memory_space<hbm>>) dst(%dma_wait3A_185 : memref<8x2048xf32, #tpu.memory_space<vmem>>)
      %ge3A = arith.constant 3 : i32
      %ge3A_187 = arith.cmpi sge, %scan3A_146, %ge3A : i32
      %convert_element_type3A = arith.extui %ge3A_187 : i1 to i32
      %cond3A = arith.constant 0 : i32
      %cond3A_188 = arith.cmpi ne, %convert_element_type3A, %cond3A : i32
      scf.if %cond3A_188 {
        %sub3A_338 = arith.constant 3 : i32
        %sub3A_339 = arith.subi %scan3A_146, %sub3A_338 : i32
        %mul3A_340 = arith.constant 16 : i32
        %mul3A_341 = arith.muli %mul3A_340, %add3A : i32
        %jit3A_342 = arith.constant 48 : i32
        %div3A_343 = arith.divsi %sub3A_339, %jit3A_342 : i32
        %sign3A_344 = arith.constant 0 : i32
        %sign3A_345 = arith.cmpi sgt, %sub3A_339, %sign3A_344 : i32
        %sign3A_346 = arith.extui %sign3A_345 : i1 to i32
        %sign3A_347 = arith.constant 0 : i32
        %sign3A_348 = arith.cmpi slt, %sub3A_339, %sign3A_347 : i32
        %sign3A_349 = arith.extui %sign3A_348 : i1 to i32
        %sign3A_350 = arith.subi %sign3A_346, %sign3A_349 : i32
        %sign3A_351 = arith.constant 0 : i32
        %sign3A_352 = arith.cmpi sgt, %jit3A_342, %sign3A_351 : i32
        %sign3A_353 = arith.extui %sign3A_352 : i1 to i32
        %sign3A_354 = arith.constant 0 : i32
        %sign3A_355 = arith.cmpi slt, %jit3A_342, %sign3A_354 : i32
        %sign3A_356 = arith.extui %sign3A_355 : i1 to i32
        %sign3A_357 = arith.subi %sign3A_353, %sign3A_356 : i32
        %ne3A_358 = arith.cmpi ne, %sign3A_350, %sign3A_357 : i32
        %rem3A_359 = arith.remsi %sub3A_339, %jit3A_342 : i32
        %ne3A_360 = arith.constant 0 : i32
        %ne3A_361 = arith.cmpi ne, %rem3A_359, %ne3A_360 : i32
        %and3A_362 = arith.andi %ne3A_358, %ne3A_361 : i1
        %sub3A_363 = arith.constant 1 : i32
        %sub3A_364 = arith.subi %div3A_343, %sub3A_363 : i32
        %select_n3A_365 = arith.select %and3A_362, %sub3A_364, %div3A_343 : i32
        %mul3A_366 = arith.constant 8 : i32
        %mul3A_367 = arith.muli %mul3A_366, %select_n3A_365 : i32
        %add3A_368 = arith.addi %mul3A_341, %mul3A_367 : i32
        %rem3A_369 = arith.constant 48 : i32
        %rem3A_370 = arith.remsi %sub3A_339, %rem3A_369 : i32
        %mul3A_371 = arith.constant 2048 : i32
        %mul3A_372 = arith.muli %mul3A_371, %rem3A_370 : i32
        %dma_wait3A_373 = arith.constant 0 : i32
        %dma_wait3A_374 = arith.constant 0 : i32
        %dma_wait3A_375 = tpu.memref_slice %arg6[%rem3A_148, %dma_wait3A_373, %dma_wait3A_374] : memref<3x8x2048xf32, #tpu.memory_space<vmem>> -> memref<1x8x2048xf32, #tpu.memory_space<vmem>>
        %dma_wait3A_376 = tpu.memref_squeeze %dma_wait3A_375 : memref<1x8x2048xf32, #tpu.memory_space<vmem>> -> memref<8x2048xf32, #tpu.memory_space<vmem>>
        %dma_wait3A_377 = tpu.memref_slice %arg4[%add3A_368, %mul3A_372] : memref<512x98304xf32, #tpu.memory_space<hbm>> -> memref<8x2048xf32, #tpu.memory_space<hbm>>
        %dma_wait3A_378 = tpu.memref_slice %arg9[%rem3A_148] : memref<3x!tpu.dma_semaphore, #tpu.memory_space<semaphore_mem>> -> memref<1x!tpu.dma_semaphore, #tpu.memory_space<semaphore_mem>>
        %dma_wait3A_379 = tpu.memref_squeeze %dma_wait3A_378 : memref<1x!tpu.dma_semaphore, #tpu.memory_space<semaphore_mem>> -> memref<!tpu.dma_semaphore, #tpu.memory_space<semaphore_mem>>
        %dma_wait3A_380 = tpu.memref_slice %arg4[%add3A_368, %mul3A_372] : memref<512x98304xf32, #tpu.memory_space<hbm>> -> memref<8x2048xf32, #tpu.memory_space<hbm>>
        %dma_wait3A_381 = arith.constant 0 : i32
        %dma_wait3A_382 = arith.constant 0 : i32
        %dma_wait3A_383 = tpu.memref_slice %arg6[%rem3A_148, %dma_wait3A_381, %dma_wait3A_382] : memref<3x8x2048xf32, #tpu.memory_space<vmem>> -> memref<1x8x2048xf32, #tpu.memory_space<vmem>>
        %dma_wait3A_384 = tpu.memref_squeeze %dma_wait3A_383 : memref<1x8x2048xf32, #tpu.memory_space<vmem>> -> memref<8x2048xf32, #tpu.memory_space<vmem>>
        tpu.wait_dma2 semaphore(%dma_wait3A_379 : memref<!tpu.dma_semaphore, #tpu.memory_space<semaphore_mem>>) src(%dma_wait3A_384 : memref<8x2048xf32, #tpu.memory_space<vmem>>) dst(%dma_wait3A_380 : memref<8x2048xf32, #tpu.memory_space<hbm>>)
      } else {
      }
      %jit3A_189 = arith.constant 48 : i32
      %div3A_190 = arith.divsi %scan3A_146, %jit3A_189 : i32
      %sign3A_191 = arith.constant 0 : i32
      %sign3A_192 = arith.cmpi sgt, %scan3A_146, %sign3A_191 : i32
      %sign3A_193 = arith.extui %sign3A_192 : i1 to i32
      %sign3A_194 = arith.constant 0 : i32
      %sign3A_195 = arith.cmpi slt, %scan3A_146, %sign3A_194 : i32
      %sign3A_196 = arith.extui %sign3A_195 : i1 to i32
      %sign3A_197 = arith.subi %sign3A_193, %sign3A_196 : i32
      %sign3A_198 = arith.constant 0 : i32
      %sign3A_199 = arith.cmpi sgt, %jit3A_189, %sign3A_198 : i32
      %sign3A_200 = arith.extui %sign3A_199 : i1 to i32
      %sign3A_201 = arith.constant 0 : i32
      %sign3A_202 = arith.cmpi slt, %jit3A_189, %sign3A_201 : i32
      %sign3A_203 = arith.extui %sign3A_202 : i1 to i32
      %sign3A_204 = arith.subi %sign3A_200, %sign3A_203 : i32
      %ne3A_205 = arith.cmpi ne, %sign3A_197, %sign3A_204 : i32
      %rem3A_206 = arith.remsi %scan3A_146, %jit3A_189 : i32
      %ne3A_207 = arith.constant 0 : i32
      %ne3A_208 = arith.cmpi ne, %rem3A_206, %ne3A_207 : i32
      %and3A_209 = arith.andi %ne3A_205, %ne3A_208 : i1
      %sub3A_210 = arith.constant 1 : i32
      %sub3A_211 = arith.subi %div3A_190, %sub3A_210 : i32
      %select_n3A_212 = arith.select %and3A_209, %sub3A_211, %div3A_190 : i32
      %rem3A_213 = arith.constant 48 : i32
      %rem3A_214 = arith.remsi %scan3A_146, %rem3A_213 : i32
      %mul3A_215 = arith.constant 128 : i32
      %mul3A_216 = arith.muli %rem3A_214, %mul3A_215 : i32
      %get3A = arith.constant 0 : i32
      %get3A_217 = arith.index_cast %select_n3A_212 : i32 to index
      %get3A_218 = arith.index_cast %get3A : i32 to index
      %get3A_219 = arith.constant 0 : index
      %get3A_220 = tpu.vector_load %arg7[%get3A_217, %get3A_218, %get3A_219] {strides = array<i32>} : memref<2x8x16xi32, #tpu.memory_space<vmem>>, vector<1x1x16xi32>,
      %get3A_221 = vector.shape_cast %get3A_220 : vector<1x1x16xi32> to vector<16xi32>
      %parallel_loop3A = arith.constant 0 : i32
      %parallel_loop3A_222 = arith.constant 128 : i32
      %parallel_loop3A_223 = arith.constant 1 : i32
      scf.for %parallel_loop3A_338 = %parallel_loop3A to %parallel_loop3A_222 step %parallel_loop3A_223  : i32 {
        %parallel_loop3A_339 = arith.constant 16 : i32
        %parallel_loop3A_340 = arith.muli %parallel_loop3A_338, %parallel_loop3A_339 : i32
        %parallel_loop3A_341 = arith.constant 0 : i32
        %parallel_loop3A_342 = arith.index_cast %rem3A_148 : i32 to index
        %parallel_loop3A_343 = arith.index_cast %parallel_loop3A_341 : i32 to index
        %parallel_loop3A_344 = arith.index_cast %parallel_loop3A_340 : i32 to index
        %parallel_loop3A_345 = tpu.vector_load %arg5[%parallel_loop3A_342, %parallel_loop3A_343, %parallel_loop3A_344] {strides = array<i32>} : memref<3x8x2048xf32, #tpu.memory_space<vmem>>, vector<1x1x16xf32>,
        %parallel_loop3A_346 = vector.shape_cast %parallel_loop3A_345 : vector<1x1x16xf32> to vector<16xf32>
        %parallel_loop3A_347 = arith.addi %mul3A_216, %parallel_loop3A_338 : i32
        %parallel_loop3A_348 = vector.broadcast %parallel_loop3A_347 : i32 to vector<16xi32>
        %parallel_loop3A_349 = arith.cmpi eq, %get3A_221, %parallel_loop3A_348 : vector<16xi32>
        %parallel_loop3A_350 = vector.broadcast %scan3A_70 : f32 to vector<16xf32>
        %parallel_loop3A_351 = vector.broadcast %scan3A_71 : f32 to vector<16xf32>
        %parallel_loop3A_352 = arith.select %parallel_loop3A_349, %parallel_loop3A_350, %parallel_loop3A_351 : vector<16xi1>, vector<16xf32>
        %parallel_loop3A_353 = arith.subf %parallel_loop3A_346, %parallel_loop3A_352 : vector<16xf32>
        %parallel_loop3A_354 = vector.broadcast %scan3A_72 : f32 to vector<16xf32>
        %parallel_loop3A_355 = arith.mulf %parallel_loop3A_353, %parallel_loop3A_354 : vector<16xf32>
        %parallel_loop3A_356 = arith.constant 16 : i32
        %parallel_loop3A_357 = arith.muli %parallel_loop3A_338, %parallel_loop3A_356 : i32
        %parallel_loop3A_358 = arith.constant 0 : i32
        %parallel_loop3A_359 = arith.index_cast %rem3A_148 : i32 to index
        %parallel_loop3A_360 = arith.index_cast %parallel_loop3A_358 : i32 to index
        %parallel_loop3A_361 = arith.index_cast %parallel_loop3A_357 : i32 to index
        %parallel_loop3A_362 = tpu.vector_load %arg6[%parallel_loop3A_359, %parallel_loop3A_360, %parallel_loop3A_361] {strides = array<i32>} : memref<3x8x2048xf32, #tpu.memory_space<vmem>>, vector<1x1x16xf32>,
        %parallel_loop3A_363 = vector.shape_cast %parallel_loop3A_362 : vector<1x1x16xf32> to vector<16xf32>
        %parallel_loop3A_364 = vector.shape_cast %parallel_loop3A_355 : vector<16xf32> to vector<1x1x16xf32>
        tpu.vector_store %arg6[%parallel_loop3A_359, %parallel_loop3A_360, %parallel_loop3A_361], %parallel_loop3A_364 {strides = array<i32>} : memref<3x8x2048xf32, #tpu.memory_space<vmem>>, vector<1x1x16xf32>,
      } {sc.loop_unroll_factor = 16 : i64, sc.parallel_access}
      %get3A_224 = arith.constant 1 : i32
      %get3A_225 = arith.index_cast %select_n3A_212 : i32 to index
      %get3A_226 = arith.index_cast %get3A_224 : i32 to index
      %get3A_227 = arith.constant 0 : index
      %get3A_228 = tpu.vector_load %arg7[%get3A_225, %get3A_226, %get3A_227] {strides = array<i32>} : memref<2x8x16xi32, #tpu.memory_space<vmem>>, vector<1x1x16xi32>,
      %get3A_229 = vector.shape_cast %get3A_228 : vector<1x1x16xi32> to vector<16xi32>
      %parallel_loop3A_230 = arith.constant 0 : i32
      %parallel_loop3A_231 = arith.constant 128 : i32
      %parallel_loop3A_232 = arith.constant 1 : i32
      scf.for %parallel_loop3A_338 = %parallel_loop3A_230 to %parallel_loop3A_231 step %parallel_loop3A_232  : i32 {
        %parallel_loop3A_339 = arith.constant 16 : i32
        %parallel_loop3A_340 = arith.muli %parallel_loop3A_338, %parallel_loop3A_339 : i32
        %parallel_loop3A_341 = arith.constant 1 : i32
        %parallel_loop3A_342 = arith.index_cast %rem3A_148 : i32 to index
        %parallel_loop3A_343 = arith.index_cast %parallel_loop3A_341 : i32 to index
        %parallel_loop3A_344 = arith.index_cast %parallel_loop3A_340 : i32 to index
        %parallel_loop3A_345 = tpu.vector_load %arg5[%parallel_loop3A_342, %parallel_loop3A_343, %parallel_loop3A_344] {strides = array<i32>} : memref<3x8x2048xf32, #tpu.memory_space<vmem>>, vector<1x1x16xf32>,
        %parallel_loop3A_346 = vector.shape_cast %parallel_loop3A_345 : vector<1x1x16xf32> to vector<16xf32>
        %parallel_loop3A_347 = arith.addi %mul3A_216, %parallel_loop3A_338 : i32
        %parallel_loop3A_348 = vector.broadcast %parallel_loop3A_347 : i32 to vector<16xi32>
        %parallel_loop3A_349 = arith.cmpi eq, %get3A_229, %parallel_loop3A_348 : vector<16xi32>
        %parallel_loop3A_350 = vector.broadcast %scan3A_70 : f32 to vector<16xf32>
        %parallel_loop3A_351 = vector.broadcast %scan3A_71 : f32 to vector<16xf32>
        %parallel_loop3A_352 = arith.select %parallel_loop3A_349, %parallel_loop3A_350, %parallel_loop3A_351 : vector<16xi1>, vector<16xf32>
        %parallel_loop3A_353 = arith.subf %parallel_loop3A_346, %parallel_loop3A_352 : vector<16xf32>
        %parallel_loop3A_354 = vector.broadcast %scan3A_72 : f32 to vector<16xf32>
        %parallel_loop3A_355 = arith.mulf %parallel_loop3A_353, %parallel_loop3A_354 : vector<16xf32>
        %parallel_loop3A_356 = arith.constant 16 : i32
        %parallel_loop3A_357 = arith.muli %parallel_loop3A_338, %parallel_loop3A_356 : i32
        %parallel_loop3A_358 = arith.constant 1 : i32
        %parallel_loop3A_359 = arith.index_cast %rem3A_148 : i32 to index
        %parallel_loop3A_360 = arith.index_cast %parallel_loop3A_358 : i32 to index
        %parallel_loop3A_361 = arith.index_cast %parallel_loop3A_357 : i32 to index
        %parallel_loop3A_362 = tpu.vector_load %arg6[%parallel_loop3A_359, %parallel_loop3A_360, %parallel_loop3A_361] {strides = array<i32>} : memref<3x8x2048xf32, #tpu.memory_space<vmem>>, vector<1x1x16xf32>,
        %parallel_loop3A_363 = vector.shape_cast %parallel_loop3A_362 : vector<1x1x16xf32> to vector<16xf32>
        %parallel_loop3A_364 = vector.shape_cast %parallel_loop3A_355 : vector<16xf32> to vector<1x1x16xf32>
        tpu.vector_store %arg6[%parallel_loop3A_359, %parallel_loop3A_360, %parallel_loop3A_361], %parallel_loop3A_364 {strides = array<i32>} : memref<3x8x2048xf32, #tpu.memory_space<vmem>>, vector<1x1x16xf32>,
      } {sc.loop_unroll_factor = 16 : i64, sc.parallel_access}
      %get3A_233 = arith.constant 2 : i32
      %get3A_234 = arith.index_cast %select_n3A_212 : i32 to index
      %get3A_235 = arith.index_cast %get3A_233 : i32 to index
      %get3A_236 = arith.constant 0 : index
      %get3A_237 = tpu.vector_load %arg7[%get3A_234, %get3A_235, %get3A_236] {strides = array<i32>} : memref<2x8x16xi32, #tpu.memory_space<vmem>>, vector<1x1x16xi32>,
      %get3A_238 = vector.shape_cast %get3A_237 : vector<1x1x16xi32> to vector<16xi32>
      %parallel_loop3A_239 = arith.constant 0 : i32
      %parallel_loop3A_240 = arith.constant 128 : i32
      %parallel_loop3A_241 = arith.constant 1 : i32
      scf.for %parallel_loop3A_338 = %parallel_loop3A_239 to %parallel_loop3A_240 step %parallel_loop3A_241  : i32 {
        %parallel_loop3A_339 = arith.constant 16 : i32
        %parallel_loop3A_340 = arith.muli %parallel_loop3A_338, %parallel_loop3A_339 : i32
        %parallel_loop3A_341 = arith.constant 2 : i32
        %parallel_loop3A_342 = arith.index_cast %rem3A_148 : i32 to index
        %parallel_loop3A_343 = arith.index_cast %parallel_loop3A_341 : i32 to index
        %parallel_loop3A_344 = arith.index_cast %parallel_loop3A_340 : i32 to index
        %parallel_loop3A_345 = tpu.vector_load %arg5[%parallel_loop3A_342, %parallel_loop3A_343, %parallel_loop3A_344] {strides = array<i32>} : memref<3x8x2048xf32, #tpu.memory_space<vmem>>, vector<1x1x16xf32>,
        %parallel_loop3A_346 = vector.shape_cast %parallel_loop3A_345 : vector<1x1x16xf32> to vector<16xf32>
        %parallel_loop3A_347 = arith.addi %mul3A_216, %parallel_loop3A_338 : i32
        %parallel_loop3A_348 = vector.broadcast %parallel_loop3A_347 : i32 to vector<16xi32>
        %parallel_loop3A_349 = arith.cmpi eq, %get3A_238, %parallel_loop3A_348 : vector<16xi32>
        %parallel_loop3A_350 = vector.broadcast %scan3A_70 : f32 to vector<16xf32>
        %parallel_loop3A_351 = vector.broadcast %scan3A_71 : f32 to vector<16xf32>
        %parallel_loop3A_352 = arith.select %parallel_loop3A_349, %parallel_loop3A_350, %parallel_loop3A_351 : vector<16xi1>, vector<16xf32>
        %parallel_loop3A_353 = arith.subf %parallel_loop3A_346, %parallel_loop3A_352 : vector<16xf32>
        %parallel_loop3A_354 = vector.broadcast %scan3A_72 : f32 to vector<16xf32>
        %parallel_loop3A_355 = arith.mulf %parallel_loop3A_353, %parallel_loop3A_354 : vector<16xf32>
        %parallel_loop3A_356 = arith.constant 16 : i32
        %parallel_loop3A_357 = arith.muli %parallel_loop3A_338, %parallel_loop3A_356 : i32
        %parallel_loop3A_358 = arith.constant 2 : i32
        %parallel_loop3A_359 = arith.index_cast %rem3A_148 : i32 to index
        %parallel_loop3A_360 = arith.index_cast %parallel_loop3A_358 : i32 to index
        %parallel_loop3A_361 = arith.index_cast %parallel_loop3A_357 : i32 to index
        %parallel_loop3A_362 = tpu.vector_load %arg6[%parallel_loop3A_359, %parallel_loop3A_360, %parallel_loop3A_361] {strides = array<i32>} : memref<3x8x2048xf32, #tpu.memory_space<vmem>>, vector<1x1x16xf32>,
        %parallel_loop3A_363 = vector.shape_cast %parallel_loop3A_362 : vector<1x1x16xf32> to vector<16xf32>
        %parallel_loop3A_364 = vector.shape_cast %parallel_loop3A_355 : vector<16xf32> to vector<1x1x16xf32>
        tpu.vector_store %arg6[%parallel_loop3A_359, %parallel_loop3A_360, %parallel_loop3A_361], %parallel_loop3A_364 {strides = array<i32>} : memref<3x8x2048xf32, #tpu.memory_space<vmem>>, vector<1x1x16xf32>,
      } {sc.loop_unroll_factor = 16 : i64, sc.parallel_access}
      %get3A_242 = arith.constant 3 : i32
      %get3A_243 = arith.index_cast %select_n3A_212 : i32 to index
      %get3A_244 = arith.index_cast %get3A_242 : i32 to index
      %get3A_245 = arith.constant 0 : index
      %get3A_246 = tpu.vector_load %arg7[%get3A_243, %get3A_244, %get3A_245] {strides = array<i32>} : memref<2x8x16xi32, #tpu.memory_space<vmem>>, vector<1x1x16xi32>,
      %get3A_247 = vector.shape_cast %get3A_246 : vector<1x1x16xi32> to vector<16xi32>
      %parallel_loop3A_248 = arith.constant 0 : i32
      %parallel_loop3A_249 = arith.constant 128 : i32
      %parallel_loop3A_250 = arith.constant 1 : i32
      scf.for %parallel_loop3A_338 = %parallel_loop3A_248 to %parallel_loop3A_249 step %parallel_loop3A_250  : i32 {
        %parallel_loop3A_339 = arith.constant 16 : i32
        %parallel_loop3A_340 = arith.muli %parallel_loop3A_338, %parallel_loop3A_339 : i32
        %parallel_loop3A_341 = arith.constant 3 : i32
        %parallel_loop3A_342 = arith.index_cast %rem3A_148 : i32 to index
        %parallel_loop3A_343 = arith.index_cast %parallel_loop3A_341 : i32 to index
        %parallel_loop3A_344 = arith.index_cast %parallel_loop3A_340 : i32 to index
        %parallel_loop3A_345 = tpu.vector_load %arg5[%parallel_loop3A_342, %parallel_loop3A_343, %parallel_loop3A_344] {strides = array<i32>} : memref<3x8x2048xf32, #tpu.memory_space<vmem>>, vector<1x1x16xf32>,
        %parallel_loop3A_346 = vector.shape_cast %parallel_loop3A_345 : vector<1x1x16xf32> to vector<16xf32>
        %parallel_loop3A_347 = arith.addi %mul3A_216, %parallel_loop3A_338 : i32
        %parallel_loop3A_348 = vector.broadcast %parallel_loop3A_347 : i32 to vector<16xi32>
        %parallel_loop3A_349 = arith.cmpi eq, %get3A_247, %parallel_loop3A_348 : vector<16xi32>
        %parallel_loop3A_350 = vector.broadcast %scan3A_70 : f32 to vector<16xf32>
        %parallel_loop3A_351 = vector.broadcast %scan3A_71 : f32 to vector<16xf32>
        %parallel_loop3A_352 = arith.select %parallel_loop3A_349, %parallel_loop3A_350, %parallel_loop3A_351 : vector<16xi1>, vector<16xf32>
        %parallel_loop3A_353 = arith.subf %parallel_loop3A_346, %parallel_loop3A_352 : vector<16xf32>
        %parallel_loop3A_354 = vector.broadcast %scan3A_72 : f32 to vector<16xf32>
        %parallel_loop3A_355 = arith.mulf %parallel_loop3A_353, %parallel_loop3A_354 : vector<16xf32>
        %parallel_loop3A_356 = arith.constant 16 : i32
        %parallel_loop3A_357 = arith.muli %parallel_loop3A_338, %parallel_loop3A_356 : i32
        %parallel_loop3A_358 = arith.constant 3 : i32
        %parallel_loop3A_359 = arith.index_cast %rem3A_148 : i32 to index
        %parallel_loop3A_360 = arith.index_cast %parallel_loop3A_358 : i32 to index
        %parallel_loop3A_361 = arith.index_cast %parallel_loop3A_357 : i32 to index
        %parallel_loop3A_362 = tpu.vector_load %arg6[%parallel_loop3A_359, %parallel_loop3A_360, %parallel_loop3A_361] {strides = array<i32>} : memref<3x8x2048xf32, #tpu.memory_space<vmem>>, vector<1x1x16xf32>,
        %parallel_loop3A_363 = vector.shape_cast %parallel_loop3A_362 : vector<1x1x16xf32> to vector<16xf32>
        %parallel_loop3A_364 = vector.shape_cast %parallel_loop3A_355 : vector<16xf32> to vector<1x1x16xf32>
        tpu.vector_store %arg6[%parallel_loop3A_359, %parallel_loop3A_360, %parallel_loop3A_361], %parallel_loop3A_364 {strides = array<i32>} : memref<3x8x2048xf32, #tpu.memory_space<vmem>>, vector<1x1x16xf32>,
      } {sc.loop_unroll_factor = 16 : i64, sc.parallel_access}
      %get3A_251 = arith.constant 4 : i32
      %get3A_252 = arith.index_cast %select_n3A_212 : i32 to index
      %get3A_253 = arith.index_cast %get3A_251 : i32 to index
      %get3A_254 = arith.constant 0 : index
      %get3A_255 = tpu.vector_load %arg7[%get3A_252, %get3A_253, %get3A_254] {strides = array<i32>} : memref<2x8x16xi32, #tpu.memory_space<vmem>>, vector<1x1x16xi32>,
      %get3A_256 = vector.shape_cast %get3A_255 : vector<1x1x16xi32> to vector<16xi32>
      %parallel_loop3A_257 = arith.constant 0 : i32
      %parallel_loop3A_258 = arith.constant 128 : i32
      %parallel_loop3A_259 = arith.constant 1 : i32
      scf.for %parallel_loop3A_338 = %parallel_loop3A_257 to %parallel_loop3A_258 step %parallel_loop3A_259  : i32 {
        %parallel_loop3A_339 = arith.constant 16 : i32
        %parallel_loop3A_340 = arith.muli %parallel_loop3A_338, %parallel_loop3A_339 : i32
        %parallel_loop3A_341 = arith.constant 4 : i32
        %parallel_loop3A_342 = arith.index_cast %rem3A_148 : i32 to index
        %parallel_loop3A_343 = arith.index_cast %parallel_loop3A_341 : i32 to index
        %parallel_loop3A_344 = arith.index_cast %parallel_loop3A_340 : i32 to index
        %parallel_loop3A_345 = tpu.vector_load %arg5[%parallel_loop3A_342, %parallel_loop3A_343, %parallel_loop3A_344] {strides = array<i32>} : memref<3x8x2048xf32, #tpu.memory_space<vmem>>, vector<1x1x16xf32>,
        %parallel_loop3A_346 = vector.shape_cast %parallel_loop3A_345 : vector<1x1x16xf32> to vector<16xf32>
        %parallel_loop3A_347 = arith.addi %mul3A_216, %parallel_loop3A_338 : i32
        %parallel_loop3A_348 = vector.broadcast %parallel_loop3A_347 : i32 to vector<16xi32>
        %parallel_loop3A_349 = arith.cmpi eq, %get3A_256, %parallel_loop3A_348 : vector<16xi32>
        %parallel_loop3A_350 = vector.broadcast %scan3A_70 : f32 to vector<16xf32>
        %parallel_loop3A_351 = vector.broadcast %scan3A_71 : f32 to vector<16xf32>
        %parallel_loop3A_352 = arith.select %parallel_loop3A_349, %parallel_loop3A_350, %parallel_loop3A_351 : vector<16xi1>, vector<16xf32>
        %parallel_loop3A_353 = arith.subf %parallel_loop3A_346, %parallel_loop3A_352 : vector<16xf32>
        %parallel_loop3A_354 = vector.broadcast %scan3A_72 : f32 to vector<16xf32>
        %parallel_loop3A_355 = arith.mulf %parallel_loop3A_353, %parallel_loop3A_354 : vector<16xf32>
        %parallel_loop3A_356 = arith.constant 16 : i32
        %parallel_loop3A_357 = arith.muli %parallel_loop3A_338, %parallel_loop3A_356 : i32
        %parallel_loop3A_358 = arith.constant 4 : i32
        %parallel_loop3A_359 = arith.index_cast %rem3A_148 : i32 to index
        %parallel_loop3A_360 = arith.index_cast %parallel_loop3A_358 : i32 to index
        %parallel_loop3A_361 = arith.index_cast %parallel_loop3A_357 : i32 to index
        %parallel_loop3A_362 = tpu.vector_load %arg6[%parallel_loop3A_359, %parallel_loop3A_360, %parallel_loop3A_361] {strides = array<i32>} : memref<3x8x2048xf32, #tpu.memory_space<vmem>>, vector<1x1x16xf32>,
        %parallel_loop3A_363 = vector.shape_cast %parallel_loop3A_362 : vector<1x1x16xf32> to vector<16xf32>
        %parallel_loop3A_364 = vector.shape_cast %parallel_loop3A_355 : vector<16xf32> to vector<1x1x16xf32>
        tpu.vector_store %arg6[%parallel_loop3A_359, %parallel_loop3A_360, %parallel_loop3A_361], %parallel_loop3A_364 {strides = array<i32>} : memref<3x8x2048xf32, #tpu.memory_space<vmem>>, vector<1x1x16xf32>,
      } {sc.loop_unroll_factor = 16 : i64, sc.parallel_access}
      %get3A_260 = arith.constant 5 : i32
      %get3A_261 = arith.index_cast %select_n3A_212 : i32 to index
      %get3A_262 = arith.index_cast %get3A_260 : i32 to index
      %get3A_263 = arith.constant 0 : index
      %get3A_264 = tpu.vector_load %arg7[%get3A_261, %get3A_262, %get3A_263] {strides = array<i32>} : memref<2x8x16xi32, #tpu.memory_space<vmem>>, vector<1x1x16xi32>,
      %get3A_265 = vector.shape_cast %get3A_264 : vector<1x1x16xi32> to vector<16xi32>
      %parallel_loop3A_266 = arith.constant 0 : i32
      %parallel_loop3A_267 = arith.constant 128 : i32
      %parallel_loop3A_268 = arith.constant 1 : i32
      scf.for %parallel_loop3A_338 = %parallel_loop3A_266 to %parallel_loop3A_267 step %parallel_loop3A_268  : i32 {
        %parallel_loop3A_339 = arith.constant 16 : i32
        %parallel_loop3A_340 = arith.muli %parallel_loop3A_338, %parallel_loop3A_339 : i32
        %parallel_loop3A_341 = arith.constant 5 : i32
        %parallel_loop3A_342 = arith.index_cast %rem3A_148 : i32 to index
        %parallel_loop3A_343 = arith.index_cast %parallel_loop3A_341 : i32 to index
        %parallel_loop3A_344 = arith.index_cast %parallel_loop3A_340 : i32 to index
        %parallel_loop3A_345 = tpu.vector_load %arg5[%parallel_loop3A_342, %parallel_loop3A_343, %parallel_loop3A_344] {strides = array<i32>} : memref<3x8x2048xf32, #tpu.memory_space<vmem>>, vector<1x1x16xf32>,
        %parallel_loop3A_346 = vector.shape_cast %parallel_loop3A_345 : vector<1x1x16xf32> to vector<16xf32>
        %parallel_loop3A_347 = arith.addi %mul3A_216, %parallel_loop3A_338 : i32
        %parallel_loop3A_348 = vector.broadcast %parallel_loop3A_347 : i32 to vector<16xi32>
        %parallel_loop3A_349 = arith.cmpi eq, %get3A_265, %parallel_loop3A_348 : vector<16xi32>
        %parallel_loop3A_350 = vector.broadcast %scan3A_70 : f32 to vector<16xf32>
        %parallel_loop3A_351 = vector.broadcast %scan3A_71 : f32 to vector<16xf32>
        %parallel_loop3A_352 = arith.select %parallel_loop3A_349, %parallel_loop3A_350, %parallel_loop3A_351 : vector<16xi1>, vector<16xf32>
        %parallel_loop3A_353 = arith.subf %parallel_loop3A_346, %parallel_loop3A_352 : vector<16xf32>
        %parallel_loop3A_354 = vector.broadcast %scan3A_72 : f32 to vector<16xf32>
        %parallel_loop3A_355 = arith.mulf %parallel_loop3A_353, %parallel_loop3A_354 : vector<16xf32>
        %parallel_loop3A_356 = arith.constant 16 : i32
        %parallel_loop3A_357 = arith.muli %parallel_loop3A_338, %parallel_loop3A_356 : i32
        %parallel_loop3A_358 = arith.constant 5 : i32
        %parallel_loop3A_359 = arith.index_cast %rem3A_148 : i32 to index
        %parallel_loop3A_360 = arith.index_cast %parallel_loop3A_358 : i32 to index
        %parallel_loop3A_361 = arith.index_cast %parallel_loop3A_357 : i32 to index
        %parallel_loop3A_362 = tpu.vector_load %arg6[%parallel_loop3A_359, %parallel_loop3A_360, %parallel_loop3A_361] {strides = array<i32>} : memref<3x8x2048xf32, #tpu.memory_space<vmem>>, vector<1x1x16xf32>,
        %parallel_loop3A_363 = vector.shape_cast %parallel_loop3A_362 : vector<1x1x16xf32> to vector<16xf32>
        %parallel_loop3A_364 = vector.shape_cast %parallel_loop3A_355 : vector<16xf32> to vector<1x1x16xf32>
        tpu.vector_store %arg6[%parallel_loop3A_359, %parallel_loop3A_360, %parallel_loop3A_361], %parallel_loop3A_364 {strides = array<i32>} : memref<3x8x2048xf32, #tpu.memory_space<vmem>>, vector<1x1x16xf32>,
      } {sc.loop_unroll_factor = 16 : i64, sc.parallel_access}
      %get3A_269 = arith.constant 6 : i32
      %get3A_270 = arith.index_cast %select_n3A_212 : i32 to index
      %get3A_271 = arith.index_cast %get3A_269 : i32 to index
      %get3A_272 = arith.constant 0 : index
      %get3A_273 = tpu.vector_load %arg7[%get3A_270, %get3A_271, %get3A_272] {strides = array<i32>} : memref<2x8x16xi32, #tpu.memory_space<vmem>>, vector<1x1x16xi32>,
      %get3A_274 = vector.shape_cast %get3A_273 : vector<1x1x16xi32> to vector<16xi32>
      %parallel_loop3A_275 = arith.constant 0 : i32
      %parallel_loop3A_276 = arith.constant 128 : i32
      %parallel_loop3A_277 = arith.constant 1 : i32
      scf.for %parallel_loop3A_338 = %parallel_loop3A_275 to %parallel_loop3A_276 step %parallel_loop3A_277  : i32 {
        %parallel_loop3A_339 = arith.constant 16 : i32
        %parallel_loop3A_340 = arith.muli %parallel_loop3A_338, %parallel_loop3A_339 : i32
        %parallel_loop3A_341 = arith.constant 6 : i32
        %parallel_loop3A_342 = arith.index_cast %rem3A_148 : i32 to index
        %parallel_loop3A_343 = arith.index_cast %parallel_loop3A_341 : i32 to index
        %parallel_loop3A_344 = arith.index_cast %parallel_loop3A_340 : i32 to index
        %parallel_loop3A_345 = tpu.vector_load %arg5[%parallel_loop3A_342, %parallel_loop3A_343, %parallel_loop3A_344] {strides = array<i32>} : memref<3x8x2048xf32, #tpu.memory_space<vmem>>, vector<1x1x16xf32>,
        %parallel_loop3A_346 = vector.shape_cast %parallel_loop3A_345 : vector<1x1x16xf32> to vector<16xf32>
        %parallel_loop3A_347 = arith.addi %mul3A_216, %parallel_loop3A_338 : i32
        %parallel_loop3A_348 = vector.broadcast %parallel_loop3A_347 : i32 to vector<16xi32>
        %parallel_loop3A_349 = arith.cmpi eq, %get3A_274, %parallel_loop3A_348 : vector<16xi32>
        %parallel_loop3A_350 = vector.broadcast %scan3A_70 : f32 to vector<16xf32>
        %parallel_loop3A_351 = vector.broadcast %scan3A_71 : f32 to vector<16xf32>
        %parallel_loop3A_352 = arith.select %parallel_loop3A_349, %parallel_loop3A_350, %parallel_loop3A_351 : vector<16xi1>, vector<16xf32>
        %parallel_loop3A_353 = arith.subf %parallel_loop3A_346, %parallel_loop3A_352 : vector<16xf32>
        %parallel_loop3A_354 = vector.broadcast %scan3A_72 : f32 to vector<16xf32>
        %parallel_loop3A_355 = arith.mulf %parallel_loop3A_353, %parallel_loop3A_354 : vector<16xf32>
        %parallel_loop3A_356 = arith.constant 16 : i32
        %parallel_loop3A_357 = arith.muli %parallel_loop3A_338, %parallel_loop3A_356 : i32
        %parallel_loop3A_358 = arith.constant 6 : i32
        %parallel_loop3A_359 = arith.index_cast %rem3A_148 : i32 to index
        %parallel_loop3A_360 = arith.index_cast %parallel_loop3A_358 : i32 to index
        %parallel_loop3A_361 = arith.index_cast %parallel_loop3A_357 : i32 to index
        %parallel_loop3A_362 = tpu.vector_load %arg6[%parallel_loop3A_359, %parallel_loop3A_360, %parallel_loop3A_361] {strides = array<i32>} : memref<3x8x2048xf32, #tpu.memory_space<vmem>>, vector<1x1x16xf32>,
        %parallel_loop3A_363 = vector.shape_cast %parallel_loop3A_362 : vector<1x1x16xf32> to vector<16xf32>
        %parallel_loop3A_364 = vector.shape_cast %parallel_loop3A_355 : vector<16xf32> to vector<1x1x16xf32>
        tpu.vector_store %arg6[%parallel_loop3A_359, %parallel_loop3A_360, %parallel_loop3A_361], %parallel_loop3A_364 {strides = array<i32>} : memref<3x8x2048xf32, #tpu.memory_space<vmem>>, vector<1x1x16xf32>,
      } {sc.loop_unroll_factor = 16 : i64, sc.parallel_access}
      %get3A_278 = arith.constant 7 : i32
      %get3A_279 = arith.index_cast %select_n3A_212 : i32 to index
      %get3A_280 = arith.index_cast %get3A_278 : i32 to index
      %get3A_281 = arith.constant 0 : index
      %get3A_282 = tpu.vector_load %arg7[%get3A_279, %get3A_280, %get3A_281] {strides = array<i32>} : memref<2x8x16xi32, #tpu.memory_space<vmem>>, vector<1x1x16xi32>,
      %get3A_283 = vector.shape_cast %get3A_282 : vector<1x1x16xi32> to vector<16xi32>
      %parallel_loop3A_284 = arith.constant 0 : i32
      %parallel_loop3A_285 = arith.constant 128 : i32
      %parallel_loop3A_286 = arith.constant 1 : i32
      scf.for %parallel_loop3A_338 = %parallel_loop3A_284 to %parallel_loop3A_285 step %parallel_loop3A_286  : i32 {
        %parallel_loop3A_339 = arith.constant 16 : i32
        %parallel_loop3A_340 = arith.muli %parallel_loop3A_338, %parallel_loop3A_339 : i32
        %parallel_loop3A_341 = arith.constant 7 : i32
        %parallel_loop3A_342 = arith.index_cast %rem3A_148 : i32 to index
        %parallel_loop3A_343 = arith.index_cast %parallel_loop3A_341 : i32 to index
        %parallel_loop3A_344 = arith.index_cast %parallel_loop3A_340 : i32 to index
        %parallel_loop3A_345 = tpu.vector_load %arg5[%parallel_loop3A_342, %parallel_loop3A_343, %parallel_loop3A_344] {strides = array<i32>} : memref<3x8x2048xf32, #tpu.memory_space<vmem>>, vector<1x1x16xf32>,
        %parallel_loop3A_346 = vector.shape_cast %parallel_loop3A_345 : vector<1x1x16xf32> to vector<16xf32>
        %parallel_loop3A_347 = arith.addi %mul3A_216, %parallel_loop3A_338 : i32
        %parallel_loop3A_348 = vector.broadcast %parallel_loop3A_347 : i32 to vector<16xi32>
        %parallel_loop3A_349 = arith.cmpi eq, %get3A_283, %parallel_loop3A_348 : vector<16xi32>
        %parallel_loop3A_350 = vector.broadcast %scan3A_70 : f32 to vector<16xf32>
        %parallel_loop3A_351 = vector.broadcast %scan3A_71 : f32 to vector<16xf32>
        %parallel_loop3A_352 = arith.select %parallel_loop3A_349, %parallel_loop3A_350, %parallel_loop3A_351 : vector<16xi1>, vector<16xf32>
        %parallel_loop3A_353 = arith.subf %parallel_loop3A_346, %parallel_loop3A_352 : vector<16xf32>
        %parallel_loop3A_354 = vector.broadcast %scan3A_72 : f32 to vector<16xf32>
        %parallel_loop3A_355 = arith.mulf %parallel_loop3A_353, %parallel_loop3A_354 : vector<16xf32>
        %parallel_loop3A_356 = arith.constant 16 : i32
        %parallel_loop3A_357 = arith.muli %parallel_loop3A_338, %parallel_loop3A_356 : i32
        %parallel_loop3A_358 = arith.constant 7 : i32
        %parallel_loop3A_359 = arith.index_cast %rem3A_148 : i32 to index
        %parallel_loop3A_360 = arith.index_cast %parallel_loop3A_358 : i32 to index
        %parallel_loop3A_361 = arith.index_cast %parallel_loop3A_357 : i32 to index
        %parallel_loop3A_362 = tpu.vector_load %arg6[%parallel_loop3A_359, %parallel_loop3A_360, %parallel_loop3A_361] {strides = array<i32>} : memref<3x8x2048xf32, #tpu.memory_space<vmem>>, vector<1x1x16xf32>,
        %parallel_loop3A_363 = vector.shape_cast %parallel_loop3A_362 : vector<1x1x16xf32> to vector<16xf32>
        %parallel_loop3A_364 = vector.shape_cast %parallel_loop3A_355 : vector<16xf32> to vector<1x1x16xf32>
        tpu.vector_store %arg6[%parallel_loop3A_359, %parallel_loop3A_360, %parallel_loop3A_361], %parallel_loop3A_364 {strides = array<i32>} : memref<3x8x2048xf32, #tpu.memory_space<vmem>>, vector<1x1x16xf32>,
      } {sc.loop_unroll_factor = 16 : i64, sc.parallel_access}
      %mul3A_287 = arith.constant 16 : i32
      %mul3A_288 = arith.muli %mul3A_287, %add3A : i32
      %jit3A_289 = arith.constant 48 : i32
      %div3A_290 = arith.divsi %scan3A_146, %jit3A_289 : i32
      %sign3A_291 = arith.constant 0 : i32
      %sign3A_292 = arith.cmpi sgt, %scan3A_146, %sign3A_291 : i32
      %sign3A_293 = arith.extui %sign3A_292 : i1 to i32
      %sign3A_294 = arith.constant 0 : i32
      %sign3A_295 = arith.cmpi slt, %scan3A_146, %sign3A_294 : i32
      %sign3A_296 = arith.extui %sign3A_295 : i1 to i32
      %sign3A_297 = arith.subi %sign3A_293, %sign3A_296 : i32
      %sign3A_298 = arith.constant 0 : i32
      %sign3A_299 = arith.cmpi sgt, %jit3A_289, %sign3A_298 : i32
      %sign3A_300 = arith.extui %sign3A_299 : i1 to i32
      %sign3A_301 = arith.constant 0 : i32
      %sign3A_302 = arith.cmpi slt, %jit3A_289, %sign3A_301 : i32
      %sign3A_303 = arith.extui %sign3A_302 : i1 to i32
      %sign3A_304 = arith.subi %sign3A_300, %sign3A_303 : i32
      %ne3A_305 = arith.cmpi ne, %sign3A_297, %sign3A_304 : i32
      %rem3A_306 = arith.remsi %scan3A_146, %jit3A_289 : i32
      %ne3A_307 = arith.constant 0 : i32
      %ne3A_308 = arith.cmpi ne, %rem3A_306, %ne3A_307 : i32
      %and3A_309 = arith.andi %ne3A_305, %ne3A_308 : i1
      %sub3A_310 = arith.constant 1 : i32
      %sub3A_311 = arith.subi %div3A_290, %sub3A_310 : i32
      %select_n3A_312 = arith.select %and3A_309, %sub3A_311, %div3A_290 : i32
      %mul3A_313 = arith.constant 8 : i32
      %mul3A_314 = arith.muli %mul3A_313, %select_n3A_312 : i32
      %add3A_315 = arith.addi %mul3A_288, %mul3A_314 : i32
      %rem3A_316 = arith.constant 48 : i32
      %rem3A_317 = arith.remsi %scan3A_146, %rem3A_316 : i32
      %mul3A_318 = arith.constant 2048 : i32
      %mul3A_319 = arith.muli %mul3A_318, %rem3A_317 : i32
      %dma_start3A_320 = arith.constant 0 : i32
      %dma_start3A_321 = arith.constant 0 : i32
      %dma_start3A_322 = tpu.memref_slice %arg6[%rem3A_148, %dma_start3A_320, %dma_start3A_321] : memref<3x8x2048xf32, #tpu.memory_space<vmem>> -> memref<1x8x2048xf32, #tpu.memory_space<vmem>>
      %dma_start3A_323 = tpu.memref_squeeze %dma_start3A_322 : memref<1x8x2048xf32, #tpu.memory_space<vmem>> -> memref<8x2048xf32, #tpu.memory_space<vmem>>
      %dma_start3A_324 = tpu.memref_slice %arg4[%add3A_315, %mul3A_319] : memref<512x98304xf32, #tpu.memory_space<hbm>> -> memref<8x2048xf32, #tpu.memory_space<hbm>>
      %dma_start3A_325 = tpu.memref_slice %arg9[%rem3A_148] : memref<3x!tpu.dma_semaphore, #tpu.memory_space<semaphore_mem>> -> memref<1x!tpu.dma_semaphore, #tpu.memory_space<semaphore_mem>>
      %dma_start3A_326 = tpu.memref_squeeze %dma_start3A_325 : memref<1x!tpu.dma_semaphore, #tpu.memory_space<semaphore_mem>> -> memref<!tpu.dma_semaphore, #tpu.memory_space<semaphore_mem>>
      %dma_start3A_327 = tpu.memref_slice %arg4[%add3A_315, %mul3A_319] : memref<512x98304xf32, #tpu.memory_space<hbm>> -> memref<8x2048xf32, #tpu.memory_space<hbm>>
      %dma_start3A_328 = arith.constant 0 : i32
      %dma_start3A_329 = arith.constant 0 : i32
      %dma_start3A_330 = tpu.memref_slice %arg6[%rem3A_148, %dma_start3A_328, %dma_start3A_329] : memref<3x8x2048xf32, #tpu.memory_space<vmem>> -> memref<1x8x2048xf32, #tpu.memory_space<vmem>>
      %dma_start3A_331 = tpu.memref_squeeze %dma_start3A_330 : memref<1x8x2048xf32, #tpu.memory_space<vmem>> -> memref<8x2048xf32, #tpu.memory_space<vmem>>
      tpu.enqueue_dma source(%dma_start3A_331 : memref<8x2048xf32, #tpu.memory_space<vmem>>) target(%dma_start3A_327 : memref<8x2048xf32, #tpu.memory_space<hbm>>) target_semaphore(%dma_start3A_326 : memref<!tpu.dma_semaphore, #tpu.memory_space<semaphore_mem>>)
      %add3A_332 = arith.constant 3 : i32
      %add3A_333 = arith.addi %scan3A_146, %add3A_332 : i32
      %lt3A = arith.constant 96 : i32
      %lt3A_334 = arith.cmpi slt, %add3A_333, %lt3A : i32
      %convert_element_type3A_335 = arith.extui %lt3A_334 : i1 to i32
      %cond3A_336 = arith.constant 0 : i32
      %cond3A_337 = arith.cmpi ne, %convert_element_type3A_335, %cond3A_336 : i32
      scf.if %cond3A_337 {
        %add3A_338 = arith.constant 3 : i32
        %add3A_339 = arith.addi %scan3A_146, %add3A_338 : i32
        %mul3A_340 = arith.constant 16 : i32
        %mul3A_341 = arith.muli %mul3A_340, %add3A : i32
        %jit3A_342 = arith.constant 48 : i32
        %div3A_343 = arith.divsi %add3A_339, %jit3A_342 : i32
        %sign3A_344 = arith.constant 0 : i32
        %sign3A_345 = arith.cmpi sgt, %add3A_339, %sign3A_344 : i32
        %sign3A_346 = arith.extui %sign3A_345 : i1 to i32
        %sign3A_347 = arith.constant 0 : i32
        %sign3A_348 = arith.cmpi slt, %add3A_339, %sign3A_347 : i32
        %sign3A_349 = arith.extui %sign3A_348 : i1 to i32
        %sign3A_350 = arith.subi %sign3A_346, %sign3A_349 : i32
        %sign3A_351 = arith.constant 0 : i32
        %sign3A_352 = arith.cmpi sgt, %jit3A_342, %sign3A_351 : i32
        %sign3A_353 = arith.extui %sign3A_352 : i1 to i32
        %sign3A_354 = arith.constant 0 : i32
        %sign3A_355 = arith.cmpi slt, %jit3A_342, %sign3A_354 : i32
        %sign3A_356 = arith.extui %sign3A_355 : i1 to i32
        %sign3A_357 = arith.subi %sign3A_353, %sign3A_356 : i32
        %ne3A_358 = arith.cmpi ne, %sign3A_350, %sign3A_357 : i32
        %rem3A_359 = arith.remsi %add3A_339, %jit3A_342 : i32
        %ne3A_360 = arith.constant 0 : i32
        %ne3A_361 = arith.cmpi ne, %rem3A_359, %ne3A_360 : i32
        %and3A_362 = arith.andi %ne3A_358, %ne3A_361 : i1
        %sub3A_363 = arith.constant 1 : i32
        %sub3A_364 = arith.subi %div3A_343, %sub3A_363 : i32
        %select_n3A_365 = arith.select %and3A_362, %sub3A_364, %div3A_343 : i32
        %mul3A_366 = arith.constant 8 : i32
        %mul3A_367 = arith.muli %mul3A_366, %select_n3A_365 : i32
        %add3A_368 = arith.addi %mul3A_341, %mul3A_367 : i32
        %rem3A_369 = arith.constant 48 : i32
        %rem3A_370 = arith.remsi %add3A_339, %rem3A_369 : i32
        %mul3A_371 = arith.constant 2048 : i32
        %mul3A_372 = arith.muli %mul3A_371, %rem3A_370 : i32
        %dma_start3A_373 = arith.constant 0 : i32
        %dma_start3A_374 = arith.constant 0 : i32
        %dma_start3A_375 = tpu.memref_slice %arg5[%rem3A_148, %dma_start3A_373, %dma_start3A_374] : memref<3x8x2048xf32, #tpu.memory_space<vmem>> -> memref<1x8x2048xf32, #tpu.memory_space<vmem>>
        %dma_start3A_376 = tpu.memref_squeeze %dma_start3A_375 : memref<1x8x2048xf32, #tpu.memory_space<vmem>> -> memref<8x2048xf32, #tpu.memory_space<vmem>>
        %dma_start3A_377 = tpu.memref_slice %arg2[%add3A_368, %mul3A_372] : memref<1024x100000xf32, #tpu.memory_space<hbm>> -> memref<8x2048xf32, #tpu.memory_space<hbm>>
        %dma_start3A_378 = tpu.memref_slice %arg8[%rem3A_148] : memref<3x!tpu.dma_semaphore, #tpu.memory_space<semaphore_mem>> -> memref<1x!tpu.dma_semaphore, #tpu.memory_space<semaphore_mem>>
        %dma_start3A_379 = tpu.memref_squeeze %dma_start3A_378 : memref<1x!tpu.dma_semaphore, #tpu.memory_space<semaphore_mem>> -> memref<!tpu.dma_semaphore, #tpu.memory_space<semaphore_mem>>
        %dma_start3A_380 = arith.constant 0 : i32
        %dma_start3A_381 = arith.constant 0 : i32
        %dma_start3A_382 = tpu.memref_slice %arg5[%rem3A_148, %dma_start3A_380, %dma_start3A_381] : memref<3x8x2048xf32, #tpu.memory_space<vmem>> -> memref<1x8x2048xf32, #tpu.memory_space<vmem>>
        %dma_start3A_383 = tpu.memref_squeeze %dma_start3A_382 : memref<1x8x2048xf32, #tpu.memory_space<vmem>> -> memref<8x2048xf32, #tpu.memory_space<vmem>>
        %dma_start3A_384 = tpu.memref_slice %arg2[%add3A_368, %mul3A_372] : memref<1024x100000xf32, #tpu.memory_space<hbm>> -> memref<8x2048xf32, #tpu.memory_space<hbm>>
        tpu.enqueue_dma source(%dma_start3A_384 : memref<8x2048xf32, #tpu.memory_space<hbm>>) target(%dma_start3A_383 : memref<8x2048xf32, #tpu.memory_space<vmem>>) target_semaphore(%dma_start3A_379 : memref<!tpu.dma_semaphore, #tpu.memory_space<semaphore_mem>>)
      } else {
      }
    }
    %scan3A_77 = arith.constant 96 : i32
    %mul3A_78 = arith.constant 16 : i32
    %mul3A_79 = arith.muli %mul3A_78, %add3A : i32
    %add3A_80 = arith.constant 8 : i32
    %add3A_81 = arith.addi %mul3A_79, %add3A_80 : i32
    %rem3A_82 = arith.constant 93 : i32
    %rem3A_83 = arith.constant 48 : i32
    %rem3A_84 = arith.remsi %rem3A_82, %rem3A_83 : i32
    %mul3A_85 = arith.constant 2048 : i32
    %mul3A_86 = arith.muli %mul3A_85, %rem3A_84 : i32
    %dma_wait3A = arith.constant 0 : i32
    %dma_wait3A_87 = arith.constant 0 : i32
    %dma_wait3A_88 = arith.constant 0 : i32
    %dma_wait3A_89 = arith.constant 0 : i32
    %dma_wait3A_90 = tpu.memref_slice %arg6[%dma_wait3A, %dma_wait3A_88, %dma_wait3A_89] : memref<3x8x2048xf32, #tpu.memory_space<vmem>> -> memref<1x8x2048xf32, #tpu.memory_space<vmem>>
    %dma_wait3A_91 = tpu.memref_squeeze %dma_wait3A_90 : memref<1x8x2048xf32, #tpu.memory_space<vmem>> -> memref<8x2048xf32, #tpu.memory_space<vmem>>
    %dma_wait3A_92 = tpu.memref_slice %arg4[%add3A_81, %mul3A_86] : memref<512x98304xf32, #tpu.memory_space<hbm>> -> memref<8x2048xf32, #tpu.memory_space<hbm>>
    %dma_wait3A_93 = tpu.memref_slice %arg9[%dma_wait3A_87] : memref<3x!tpu.dma_semaphore, #tpu.memory_space<semaphore_mem>> -> memref<1x!tpu.dma_semaphore, #tpu.memory_space<semaphore_mem>>
    %dma_wait3A_94 = tpu.memref_squeeze %dma_wait3A_93 : memref<1x!tpu.dma_semaphore, #tpu.memory_space<semaphore_mem>> -> memref<!tpu.dma_semaphore, #tpu.memory_space<semaphore_mem>>
    %dma_wait3A_95 = tpu.memref_slice %arg4[%add3A_81, %mul3A_86] : memref<512x98304xf32, #tpu.memory_space<hbm>> -> memref<8x2048xf32, #tpu.memory_space<hbm>>
    %dma_wait3A_96 = arith.constant 0 : i32
    %dma_wait3A_97 = arith.constant 0 : i32
    %dma_wait3A_98 = tpu.memref_slice %arg6[%dma_wait3A, %dma_wait3A_96, %dma_wait3A_97] : memref<3x8x2048xf32, #tpu.memory_space<vmem>> -> memref<1x8x2048xf32, #tpu.memory_space<vmem>>
    %dma_wait3A_99 = tpu.memref_squeeze %dma_wait3A_98 : memref<1x8x2048xf32, #tpu.memory_space<vmem>> -> memref<8x2048xf32, #tpu.memory_space<vmem>>
    tpu.wait_dma2 semaphore(%dma_wait3A_94 : memref<!tpu.dma_semaphore, #tpu.memory_space<semaphore_mem>>) src(%dma_wait3A_99 : memref<8x2048xf32, #tpu.memory_space<vmem>>) dst(%dma_wait3A_95 : memref<8x2048xf32, #tpu.memory_space<hbm>>)
    %mul3A_100 = arith.constant 16 : i32
    %mul3A_101 = arith.muli %mul3A_100, %add3A : i32
    %add3A_102 = arith.constant 8 : i32
    %add3A_103 = arith.addi %mul3A_101, %add3A_102 : i32
    %rem3A_104 = arith.constant 94 : i32
    %rem3A_105 = arith.constant 48 : i32
    %rem3A_106 = arith.remsi %rem3A_104, %rem3A_105 : i32
    %mul3A_107 = arith.constant 2048 : i32
    %mul3A_108 = arith.muli %mul3A_107, %rem3A_106 : i32
    %dma_wait3A_109 = arith.constant 1 : i32
    %dma_wait3A_110 = arith.constant 1 : i32
    %dma_wait3A_111 = arith.constant 0 : i32
    %dma_wait3A_112 = arith.constant 0 : i32
    %dma_wait3A_113 = tpu.memref_slice %arg6[%dma_wait3A_109, %dma_wait3A_111, %dma_wait3A_112] : memref<3x8x2048xf32, #tpu.memory_space<vmem>> -> memref<1x8x2048xf32, #tpu.memory_space<vmem>>
    %dma_wait3A_114 = tpu.memref_squeeze %dma_wait3A_113 : memref<1x8x2048xf32, #tpu.memory_space<vmem>> -> memref<8x2048xf32, #tpu.memory_space<vmem>>
    %dma_wait3A_115 = tpu.memref_slice %arg4[%add3A_103, %mul3A_108] : memref<512x98304xf32, #tpu.memory_space<hbm>> -> memref<8x2048xf32, #tpu.memory_space<hbm>>
    %dma_wait3A_116 = tpu.memref_slice %arg9[%dma_wait3A_110] : memref<3x!tpu.dma_semaphore, #tpu.memory_space<semaphore_mem>> -> memref<1x!tpu.dma_semaphore, #tpu.memory_space<semaphore_mem>>
    %dma_wait3A_117 = tpu.memref_squeeze %dma_wait3A_116 : memref<1x!tpu.dma_semaphore, #tpu.memory_space<semaphore_mem>> -> memref<!tpu.dma_semaphore, #tpu.memory_space<semaphore_mem>>
    %dma_wait3A_118 = tpu.memref_slice %arg4[%add3A_103, %mul3A_108] : memref<512x98304xf32, #tpu.memory_space<hbm>> -> memref<8x2048xf32, #tpu.memory_space<hbm>>
    %dma_wait3A_119 = arith.constant 0 : i32
    %dma_wait3A_120 = arith.constant 0 : i32
    %dma_wait3A_121 = tpu.memref_slice %arg6[%dma_wait3A_109, %dma_wait3A_119, %dma_wait3A_120] : memref<3x8x2048xf32, #tpu.memory_space<vmem>> -> memref<1x8x2048xf32, #tpu.memory_space<vmem>>
    %dma_wait3A_122 = tpu.memref_squeeze %dma_wait3A_121 : memref<1x8x2048xf32, #tpu.memory_space<vmem>> -> memref<8x2048xf32, #tpu.memory_space<vmem>>
    tpu.wait_dma2 semaphore(%dma_wait3A_117 : memref<!tpu.dma_semaphore, #tpu.memory_space<semaphore_mem>>) src(%dma_wait3A_122 : memref<8x2048xf32, #tpu.memory_space<vmem>>) dst(%dma_wait3A_118 : memref<8x2048xf32, #tpu.memory_space<hbm>>)
    %mul3A_123 = arith.constant 16 : i32
    %mul3A_124 = arith.muli %mul3A_123, %add3A : i32
    %add3A_125 = arith.constant 8 : i32
    %add3A_126 = arith.addi %mul3A_124, %add3A_125 : i32
    %rem3A_127 = arith.constant 95 : i32
    %rem3A_128 = arith.constant 48 : i32
    %rem3A_129 = arith.remsi %rem3A_127, %rem3A_128 : i32
    %mul3A_130 = arith.constant 2048 : i32
    %mul3A_131 = arith.muli %mul3A_130, %rem3A_129 : i32
    %dma_wait3A_132 = arith.constant 2 : i32
    %dma_wait3A_133 = arith.constant 2 : i32
    %dma_wait3A_134 = arith.constant 0 : i32
    %dma_wait3A_135 = arith.constant 0 : i32
    %dma_wait3A_136 = tpu.memref_slice %arg6[%dma_wait3A_132, %dma_wait3A_134, %dma_wait3A_135] : memref<3x8x2048xf32, #tpu.memory_space<vmem>> -> memref<1x8x2048xf32, #tpu.memory_space<vmem>>
    %dma_wait3A_137 = tpu.memref_squeeze %dma_wait3A_136 : memref<1x8x2048xf32, #tpu.memory_space<vmem>> -> memref<8x2048xf32, #tpu.memory_space<vmem>>
    %dma_wait3A_138 = tpu.memref_slice %arg4[%add3A_126, %mul3A_131] : memref<512x98304xf32, #tpu.memory_space<hbm>> -> memref<8x2048xf32, #tpu.memory_space<hbm>>
    %dma_wait3A_139 = tpu.memref_slice %arg9[%dma_wait3A_133] : memref<3x!tpu.dma_semaphore, #tpu.memory_space<semaphore_mem>> -> memref<1x!tpu.dma_semaphore, #tpu.memory_space<semaphore_mem>>
    %dma_wait3A_140 = tpu.memref_squeeze %dma_wait3A_139 : memref<1x!tpu.dma_semaphore, #tpu.memory_space<semaphore_mem>> -> memref<!tpu.dma_semaphore, #tpu.memory_space<semaphore_mem>>
    %dma_wait3A_141 = tpu.memref_slice %arg4[%add3A_126, %mul3A_131] : memref<512x98304xf32, #tpu.memory_space<hbm>> -> memref<8x2048xf32, #tpu.memory_space<hbm>>
    %dma_wait3A_142 = arith.constant 0 : i32
    %dma_wait3A_143 = arith.constant 0 : i32
    %dma_wait3A_144 = tpu.memref_slice %arg6[%dma_wait3A_132, %dma_wait3A_142, %dma_wait3A_143] : memref<3x8x2048xf32, #tpu.memory_space<vmem>> -> memref<1x8x2048xf32, #tpu.memory_space<vmem>>
    %dma_wait3A_145 = tpu.memref_squeeze %dma_wait3A_144 : memref<1x8x2048xf32, #tpu.memory_space<vmem>> -> memref<8x2048xf32, #tpu.memory_space<vmem>>
    tpu.wait_dma2 semaphore(%dma_wait3A_140 : memref<!tpu.dma_semaphore, #tpu.memory_space<semaphore_mem>>) src(%dma_wait3A_145 : memref<8x2048xf32, #tpu.memory_space<vmem>>) dst(%dma_wait3A_141 : memref<8x2048xf32, #tpu.memory_space<hbm>>)
    return
  }
}

module attributes {stable_mosaic.version = 14 : i64} {
  func.func @_tc_b_body(%arg0: i32, %arg1: memref<512x1xi32, #tpu.memory_space<vmem>>, %arg2: memref<512x128xf32, #tpu.memory_space<vmem>>, %arg3: memref<1024x100000xf32, #tpu.memory_space<any>>, %arg4: memref<512x128xf32, #tpu.memory_space<vmem>>) attributes {dimension_semantics = [#tpu.dimension_semantics<arbitrary>], iteration_bounds = array<i64: 14>, scalar_prefetch = 0 : i64, scratch_operands = 0 : i64, tpu.core_type = #tpu.core_type<tc>, window_params = [{transform_indices = @transform_0, window_bounds = array<i64: 512, 1>}, {transform_indices = @transform_1, window_bounds = array<i64: 512, 128>}, {}, {transform_indices = @transform_3, window_bounds = array<i64: 512, 128>}]} {
    %get3A = arith.constant 0 : index
    %get3A_0 = arith.constant 0 : index
    %get3A_1 = vector.load %arg2[%get3A, %get3A_0] : memref<512x128xf32, #tpu.memory_space<vmem>>, vector<512x128xf32>
    %get3A_2 = arith.constant 0 : index
    %get3A_3 = arith.constant 0 : index
    %get3A_4 = vector.load %arg1[%get3A_2, %get3A_3] : memref<512x1xi32, #tpu.memory_space<vmem>>, vector<512x1xi32>
    %iota3A = tpu.iota {dimensions = array<i32: 1>} : vector<512x128xi32>
    %add3A = arith.constant 98304 : i32
    %add3A_5 = vector.broadcast %add3A : i32 to vector<512x128xi32>
    %add3A_6 = arith.addi %iota3A, %add3A_5 : vector<512x128xi32>
    %mul3A = arith.constant 128 : i32
    %mul3A_7 = arith.muli %arg0, %mul3A : i32
    %add3A_8 = vector.broadcast %mul3A_7 : i32 to vector<512x128xi32>
    %add3A_9 = arith.addi %add3A_6, %add3A_8 : vector<512x128xi32>
    %eq3A = vector.broadcast %get3A_4 : vector<512x1xi32> to vector<512x128xi32>
    %eq3A_10 = arith.cmpi eq, %add3A_9, %eq3A : vector<512x128xi32>
    %jit3A = arith.constant -4.000000e-01 : f32
    %jit3A_11 = arith.constant 0.000000e+00 : f32
    %broadcast_in_dim3A = vector.broadcast %jit3A : f32 to vector<512x128xf32>
    %broadcast_in_dim3A_12 = vector.broadcast %jit3A_11 : f32 to vector<512x128xf32>
    %select_n3A = arith.select %eq3A_10, %broadcast_in_dim3A, %broadcast_in_dim3A_12 : vector<512x128xi1>, vector<512x128xf32>
    %add3A_13 = arith.addf %get3A_1, %select_n3A : vector<512x128xf32>
    %mul3A_14 = arith.constant 6.400000e+01 : f32
    %mul3A_15 = vector.broadcast %mul3A_14 : f32 to vector<512x128xf32>
    %mul3A_16 = arith.mulf %add3A_13, %mul3A_15 : vector<512x128xf32>
    %swap3A = arith.constant 0 : index
    %swap3A_17 = arith.constant 0 : index
    %swap3A_18 = vector.load %arg4[%swap3A, %swap3A_17] : memref<512x128xf32, #tpu.memory_space<vmem>>, vector<512x128xf32>
    tpu.vector_store %arg4[%swap3A, %swap3A_17], %mul3A_16 {strides = array<i32>} : memref<512x128xf32, #tpu.memory_space<vmem>>, vector<512x128xf32>,
    return
  }
  func.func @transform_0(%arg0: i32) -> (i32, i32) {
    %c0_i32 = arith.constant 0 : i32
    %c0_i32_0 = arith.constant 0 : i32
    %c0_i32_1 = arith.constant 0 : i32
    return %c0_i32, %c0_i32_0 : i32, i32
  }
  func.func @transform_1(%arg0: i32) -> (i32, i32) {
    %add3A = arith.constant 768 : i32
    %add3A_0 = arith.addi %add3A, %arg0 : i32
    %c0_i32 = arith.constant 0 : i32
    %c0_i32_1 = arith.constant 0 : i32
    return %c0_i32, %add3A_0 : i32, i32
  }
  func.func @transform_3(%arg0: i32) -> (i32, i32) {
    %add3A = arith.constant 768 : i32
    %add3A_0 = arith.addi %add3A, %arg0 : i32
    %c0_i32 = arith.constant 0 : i32
    %c0_i32_1 = arith.constant 0 : i32
    return %c0_i32, %add3A_0 : i32, i32
  }
}

module attributes {stable_mosaic.version = 14 : i64} {
  func.func @_tc_a_body(%arg0: i32, %arg1: memref<16x1xi32, #tpu.memory_space<vmem>>, %arg2: memref<16x100000xf32, #tpu.memory_space<vmem>>, %arg3: memref<16x100000xf32, #tpu.memory_space<vmem>>) attributes {dimension_semantics = [#tpu.dimension_semantics<arbitrary>], iteration_bounds = array<i64: 32>, scalar_prefetch = 0 : i64, scratch_operands = 0 : i64, tpu.core_type = #tpu.core_type<tc>, window_params = [{transform_indices = @transform_0, window_bounds = array<i64: 16, 1>}, {transform_indices = @transform_1, window_bounds = array<i64: 16, 100000>}, {transform_indices = @transform_2, window_bounds = array<i64: 16, 100000>}]} {
    %get3A = arith.constant 0 : index
    %get3A_0 = arith.constant 0 : index
    %get3A_1 = vector.load %arg2[%get3A, %get3A_0] : memref<16x100000xf32, #tpu.memory_space<vmem>>, vector<16x100000xf32>
    %get3A_2 = arith.constant 0 : index
    %get3A_3 = arith.constant 0 : index
    %get3A_4 = vector.load %arg1[%get3A_2, %get3A_3] : memref<16x1xi32, #tpu.memory_space<vmem>>, vector<16x1xi32>
    %iota3A = tpu.iota {dimensions = array<i32: 1>} : vector<16x100000xi32>
    %eq3A = vector.broadcast %get3A_4 : vector<16x1xi32> to vector<16x100000xi32>
    %eq3A_5 = arith.cmpi eq, %iota3A, %eq3A : vector<16x100000xi32>
    %jit3A = arith.constant -4.000000e-01 : f32
    %jit3A_6 = arith.constant 0.000000e+00 : f32
    %broadcast_in_dim3A = vector.broadcast %jit3A : f32 to vector<16x100000xf32>
    %broadcast_in_dim3A_7 = vector.broadcast %jit3A_6 : f32 to vector<16x100000xf32>
    %select_n3A = arith.select %eq3A_5, %broadcast_in_dim3A, %broadcast_in_dim3A_7 : vector<16x100000xi1>, vector<16x100000xf32>
    %add3A = arith.addf %get3A_1, %select_n3A : vector<16x100000xf32>
    %mul3A = arith.constant 6.400000e+01 : f32
    %mul3A_8 = vector.broadcast %mul3A : f32 to vector<16x100000xf32>
    %mul3A_9 = arith.mulf %add3A, %mul3A_8 : vector<16x100000xf32>
    %swap3A = arith.constant 0 : index
    %swap3A_10 = arith.constant 0 : index
    %swap3A_11 = vector.load %arg3[%swap3A, %swap3A_10] : memref<16x100000xf32, #tpu.memory_space<vmem>>, vector<16x100000xf32>
    tpu.vector_store %arg3[%swap3A, %swap3A_10], %mul3A_9 {strides = array<i32>} : memref<16x100000xf32, #tpu.memory_space<vmem>>, vector<16x100000xf32>,
    return
  }
  func.func @transform_0(%arg0: i32) -> (i32, i32) {
    %add3A = arith.constant 32 : i32
    %add3A_0 = arith.addi %add3A, %arg0 : i32
    %c0_i32 = arith.constant 0 : i32
    %c0_i32_1 = arith.constant 0 : i32
    return %add3A_0, %c0_i32 : i32, i32
  }
  func.func @transform_1(%arg0: i32) -> (i32, i32) {
    %add3A = arith.constant 32 : i32
    %add3A_0 = arith.addi %add3A, %arg0 : i32
    %c0_i32 = arith.constant 0 : i32
    %c0_i32_1 = arith.constant 0 : i32
    return %add3A_0, %c0_i32 : i32, i32
  }
  func.func @transform_2(%arg0: i32) -> (i32, i32) {
    %add3A = arith.constant 32 : i32
    %add3A_0 = arith.addi %add3A, %arg0 : i32
    %c0_i32 = arith.constant 0 : i32
    %c0_i32_1 = arith.constant 0 : i32
    return %add3A_0, %c0_i32 : i32, i32
  }
}

</mosaic_0001>

<sc_bundles>
// kernel: kernel.5.cloned.1.call-start
scs
__scs_entry_jumppad:
0x0: {  	(pc) =	sbr.rel $0x88, $3  }
0x1: {  	(tag) =	ssettag $0x0;
	lr =	simm.s32 $0x1  }
0x2: {  	[smem:$0x3F9F] =	sst lr;
	_ =	strace $0xD0000000  }
0x3: {  	_ = 	snop  }
0x4: {  	_ = 	snop  }
0x5: {  	_ = 	snop  }
0x6: {  	_ = 	snop  }
0x7: {  	_ = 	snop  }
__scs_overlays_trampoline_lowered:
0x8: {  	[smem:$0x3FAE] =	sst s0  }
0x9: {  	[smem:$0x3FAF] =	sst s1  }
0xa: {  	[smem:$0x3FB0] =	sst s2  }
0xb: {  	[smem:$0x3FB1] =	sst s3  }
0xc: {  	[smem:$0x3FB2] =	sst s4  }
0xd: {  	[smem:$0x3FB3] =	sst s5  }
0xe: {  	[smem:$0x3FB4] =	sst s6  }
0xf: {  	[smem:$0x3FB5] =	sst s7  }
0x10: {  	[smem:$0x3FB6] =	sst s8  }
0x11: {  	[smem:$0x3FB7] =	sst s9;
	s0 =	simm.s32 @!p0 $0x0  }
0x12: {  	s1 =	sld [smem:$0x3F9D];
	s0 =	simm.s32 @p0 $0x1  }
0x13: {  	[smem:$0x3FB8] =	sst s0;
	s0 =	simm.s32 @!p1 $0x0  }
0x14: {  	s2 =	sld [smem:$0x3F9C];
	s0 =	simm.s32 @p1 $0x1  }
0x15: {  	[smem:$0x3FB9] =	sst s0;
	s0 =	simm.s32 @!p2 $0x0  }
0x16: {  	s3 =	sld [smem:$0x3FDB];
	s0 =	simm.s32 @p2 $0x1  }
0x17: {  	s4 =	simm.s32 $0x1BF5;
	[smem:$0x3FBB] =	sst s0  }
0x18: {  	s0 =	sld [smem:$0x3F9E];
	_ =	swait.ge [sflag:s4], $0x0  }
0x19: {  	s7 =	sld [smem:$0x3F9F]  }
0x1a: {  	s8 =	sadd.s32 $0xFFFFE003, lr  }
0x1b: {  	s9 =	sadd.s32 $0xFFFFFEF7, lr;
	s5 =	simm.s32 $0xFFFFFFFF;
	p2 =	slt.u32 s8, $0xFFFFF086  }
0x1c: {  	p1 =	slt.u32 s9, $0xF7A;
	s5 =	simm.s32 @!p2 $0x0  }
0x1d: {  	s5 =	simm.s32 @p1 $0x1;
	p0 =	seq.s32 s7, s2  }
0x1e: {  	s7 =	smul.u32 @!p0 $0xF7A, s2;
	p2 =	seq.s32 @!p0 s5, $0x0  }
0x1f: {  	s9 =	smul.u32 $0xF7A, s1;
	s8 =	simm.s32 @!p0 $0x1BF5;
	p2 =	por !p2, p0  }
0x20: {  	[sflag:s8] =	ssyncset.s32 @!p0 $0xFFFFF086;
	s6 =	sadd.s32 @!p0 s3, s7;
	s7 =	simm.s32 @!p0 $0x108  }
0x21: {  	s3 =	sadd.s32 s3, s9;
	s6 =	sadd.s32 @!p0 $0x88, s6;
	s7 =	simm.s32 @p2 $0x1082  }
0x22: {  	[simem:s7], [sflag:s8] =	dma.local @!p0 [hbm:s6], $0xF7A  }
0x23: {  	s9 =	sor.u32 $0xD0000000, s2;
	s6 =	simm.s32 $0x108;
	_ =	swait.ge @!p0 [sflag:s8], $0x0  }
0x24: {  	s3 =	sadd.s32 $0x88, s3;
	s6 =	simm.s32 @!p1 $0x1082;
	[sflag:s4] =	ssyncset.s32 $0xFFFFF086  }
0x25: {  	[simem:s6], [sflag:s4] =	dma.local [hbm:s3], $0xF7A  }
0x26: {  	[smem:$0x3F9F] =	sst s1;
	(tag) =	ssettag s2;
	_ =	strace s9  }
0x27: {  	s1 =	sld [smem:$0x3FAF]  }
0x28: {  	s2 =	sld [smem:$0x3FB0]  }
0x29: {  	s4 =	sld [smem:$0x3FB2]  }
0x2a: {  	p0 =	seq.s32 s5, $0x0;
	s5 =	sld [smem:$0x3FB3]  }
0x2b: {  	s6 =	sld [smem:$0x3FB4]  }
0x2c: {  	s7 =	sld [smem:$0x3FB5]  }
0x2d: {  	s3 =	simm.s32 $0x108;
	s8 =	sld [smem:$0x3FB6]  }
0x2e: {  	s3 =	simm.s32 @!p0 $0x1082;
	s9 =	sld [smem:$0x3FB7]  }
0x2f: {  	lr =	sadd.s32 s0, s3;
	s0 =	sld [smem:$0x3FAE]  }
0x30: {  	s3 =	sld [smem:$0x3FB1]  }
0x31: {  	[smem:$0x3FBA] =	sst s10  }
0x32: {  	s10 =	sld [smem:$0x3FB8];
	_ =	sdelay $0x3  }
0x33: {  	p0 =	seq.s32 s10, $0x1;
	s10 =	sld [smem:$0x3FBA];
	_ =	sdelay $0x3  }
0x34: {  	[smem:$0x3FBA] =	sst s10  }
0x35: {  	s10 =	sld [smem:$0x3FB9];
	_ =	sdelay $0x3  }
0x36: {  	p1 =	seq.s32 s10, $0x1;
	s10 =	sld [smem:$0x3FBA];
	_ =	sdelay $0x3  }
0x37: {  	[smem:$0x3FBA] =	sst s10  }
0x38: {  	s10 =	sld [smem:$0x3FBB]  }
0x39: {  	_ = 	snop;
	(pc) =	sbr.ind lr, $3  }
0x3a: {  	_ = 	snop  }
0x3b: {  	_ = 	snop  }
0x3c: {  	p2 =	seq.s32 s10, $0x1;
	s10 =	sld [smem:$0x3FBA]  }
0x3d: {  	_ =	shalt  }
0x3e: {  	_ =	shalt  }
0x3f: {  	_ =	shalt  }
0x40: {  	_ =	shalt  }
0x41: {  	_ =	shalt  }
0x42: {  	_ =	shalt  }
0x43: {  	_ =	shalt  }
0x44: {  	_ =	shalt  }
0x45: {  	_ =	shalt  }
0x46: {  	_ =	shalt  }
0x47: {  	_ =	shalt  }
0x48: {  	_ =	shalt  }
0x49: {  	_ =	shalt  }
0x4a: {  	_ =	shalt  }
0x4b: {  	_ =	shalt  }
0x4c: {  	_ =	shalt  }
0x4d: {  	_ =	shalt  }
0x4e: {  	_ =	shalt  }
0x4f: {  	_ =	shalt  }
0x50: {  	_ =	shalt  }
0x51: {  	_ =	shalt  }
0x52: {  	_ =	shalt  }
0x53: {  	_ =	shalt  }
0x54: {  	_ =	shalt  }
0x55: {  	_ =	shalt  }
0x56: {  	_ =	shalt  }
0x57: {  	_ =	shalt  }
0x58: {  	_ =	shalt  }
0x59: {  	_ =	shalt  }
0x5a: {  	_ =	shalt  }
0x5b: {  	_ =	shalt  }
0x5c: {  	_ =	shalt  }
0x5d: {  	_ =	shalt  }
0x5e: {  	_ =	shalt  }
0x5f: {  	_ =	shalt  }
0x60: {  	_ =	shalt  }
0x61: {  	_ =	shalt  }
0x62: {  	_ =	shalt  }
0x63: {  	_ =	shalt  }
0x64: {  	_ =	shalt  }
0x65: {  	_ =	shalt  }
0x66: {  	_ =	shalt  }
0x67: {  	_ =	shalt  }
0x68: {  	_ =	shalt  }
0x69: {  	_ =	shalt  }
0x6a: {  	_ =	shalt  }
0x6b: {  	_ =	shalt  }
0x6c: {  	_ =	shalt  }
0x6d: {  	_ =	shalt  }
0x6e: {  	_ =	shalt  }
0x6f: {  	_ =	shalt  }
0x70: {  	_ =	shalt  }
0x71: {  	_ =	shalt  }
0x72: {  	_ =	shalt  }
0x73: {  	_ =	shalt  }
0x74: {  	_ =	shalt  }
0x75: {  	_ =	shalt  }
0x76: {  	_ =	shalt  }
0x77: {  	_ =	shalt  }
0x78: {  	_ =	shalt  }
0x79: {  	_ =	shalt  }
0x7a: {  	_ =	shalt  }
0x7b: {  	_ =	shalt  }
0x7c: {  	_ =	shalt  }
0x7d: {  	_ =	shalt  }
0x7e: {  	_ =	shalt  }
0x7f: {  	_ =	shalt  }
0x80: {  	_ =	shalt  }
0x81: {  	_ =	shalt  }
0x82: {  	_ =	shalt  }
0x83: {  	_ =	shalt  }
0x84: {  	_ =	shalt  }
0x85: {  	_ =	shalt  }
0x86: {  	_ =	shalt  }
0x87: {  	_ =	shalt  }
.Lfunc_end0:
.L_simem_size_0:
called_computation.1_lowered:
.L_overlay_start_0:
0x88: {  	s2 =	sld [smem:$0x3FD9]  }
0x89: {  	s3 =	sld [smem:$0x3FFE];
	_ =	sdelay $0x1  }
0x8a: {  	s1 =	srdreg.scid  }
0x8b: {  	s0 =	sand.u32 $0x1, s1  }
0x8c: {  	s17 =	sshll.u32 s0, $0xA;
	s2 =	sadd.s32 s3, s2  }
0x8d: {  	s2 =	sadd.s32 s2, s17  }
0x8e: {  	[smem:$0x3FC6] =	sst s2  }
0x8f: {  	_ = 	snop  }
0x90: {  	s2 =	sld [smem:$0x3FD0];
	(tm) =	ssettm $0x1  }
0x91: {  	s18 =	sld [smem:$0x3FFB];
	_ =	sdelay $0x3  }
0x92: {  	_ =	strace s18  }
0x93: {  	s3 =	sld [smem:$0x3FFC];
	_ =	sdelay $0x3  }
0x94: {  	_ =	strace s3  }
0x95: {  	s3 =	sld [smem:$0x3FFD];
	_ =	sdelay $0x3  }
0x96: {  	_ =	strace s3  }
0x97: {  	_ =	strace $0x8FFFFFFF  }
0x98: {  	s19 =	sld [smem:$0x3FDB];
	_ =	sdelay $0x1  }
0x99: {  	s4 =	simm.s32 $_scs_section_size  }
0x9a: {  	s5 =	simm.s32 $_size__tile_overlayer_lowered;
	s6 =	simm.s32 $_tile_overlayer_lowered  }
0x9b: {  	s22 =	simm.s32 $0x1BFF;
	s21 =	sshll.u32 s6, $0x1;
	s3 =	sadd.s32 s4, s19  }
0x9c: {  	s7 =	simm.s32 $0x0;
	s20 =	sshll.u32 s5, $0x1;
	s5 =	sadd.s32 s21, s3  }
0x9d: {  	[timem:s7], [sflag:s22] =	dma.local [hbm:s5], s20  }
0x9e: {  	_ =	swait.ge [sflag:s22], s20  }
0x9f: {  	s4 =	ssub.s32 $0x0, s20;
	[sflag:s22] =	ssyncset.done $0x0  }
0xa0: {  	[sflag:s22] =	ssyncadd.s32 s4;
	_ =	sdelay $0x1  }
0xa1: {  	s23 =	simm.s32 $0x1B8B  }
0xa2: {  	_ =	swait.ge [sflag:s23], $0x1  }
0xa3: {  	[sflag:s23] =	ssyncset.done $0x0  }
0xa4: {  	s25 =	simm.s32 $0x1B8E;
	s24 =	sld [smem:$0x3FFE];
	[sflag:s23] =	ssyncadd.s32 $0xFFFFFFFF  }
0xa5: {  	s26 =	simm.s32 $execute0_lowered;
	[smem:$0x3FD2] =	sst s25  }
0xa6: {  	s5 =	sshll.u32 s26, $0x1;
	_ =	strace $0x80000046;
	[dreg:$0x1] =	wrdreg $0xFFFFFFFF  }
0xa7: {  	s28 =	simm.s32 $_size_execute0_lowered;
	s3 =	sadd.s32 s3, s5;
	[dreg:$0x0] =	wrdreg $0x0  }
0xa8: {  	s5 =	sshll.u32 s28, $0x1;
	[dreg:$0x2] =	wrdreg s3  }
0xa9: {  	[dreg:$0x3] =	wrdreg s5  }
0xaa: {  	[dreg:$0x4] =	wrdreg $0xC0  }
0xab: {  	_ =	task [dreg:s7], $0x5FFFF  }
0xac: {  	[dreg:$0x1] =	wrdreg $0xFFFFFFFF  }
0xad: {  	[dreg:$0x0] =	wrdreg $0x60  }
0xae: {  	[dreg:$0x2] =	wrdreg s24  }
0xaf: {  	[dreg:$0x3] =	wrdreg s2  }
0xb0: {  	[dreg:$0x4] =	wrdreg $0x9  }
0xb1: {  	_ =	task.clear_ibuf [dreg:s7], $0x5FFFF;
	_ =	strace $0x90000046  }
0xb2: {  	s29 =	simm.s32 $0x9;
	_ =	strace $0x80000048  }
0xb3: {  	_ =	swait.ge [sflag:s29], $0x1  }
0xb4: {  	[sflag:s29] =	ssyncadd.s32 $0xFFFFFFFF  }
0xb5: {  	_ =	strace $0x90000048  }
0xb6: {  	_ =	sfence  }
0xb7: {  	s30 =	sld [smem:$0x0];
	_ =	sdelay $0x2  }
0xb8: {  	s31 =	sshll.u32 s1, $0xD;
	s1 =	sshrl.u32 s1, $0x2  }
0xb9: {  	s3 =	sand.u32 $0x4000, s31;
	s1 =	sadd.s32 s1, s30  }
0xba: {  	s0 =	sor.u32 s3, s0;
	s1 =	sshll.u32 s1, $0x11  }
0xbb: {  	s0 =	sor.u32 s1, s0  }
0xbc: {  	s0 =	sadd.s32 $0x8F2B, s0  }
0xbd: {  	[sflag:s0] =	ssyncadd.remote.s32 $0x1  }
0xbe: {  	_ =	sfence.sel $0xFFFF  }
0xbf: {  	[dreg:$0x0] =	wrdreg $0xFFFFFFFF;
	(pc) =	sbr.abs _section_cstart, $3  }
0xc0: {  	[dreg:$0x1] =	wrdreg $0xFFFFFFFF  }
0xc1: {  	_ =	task.clear_ibuf [dreg:s7], $0x2FFFF;
	_ =	strace $0x9FFFFFFF  }
0xc2: {  	(tm) =	ssettm $0x7FFFFFFF  }
0xc3: {  	_ =	shalt  }
tec
execute0_lowered:
.L_overlay_start_1:
0x0: {  	(tag) =	ssettag $0x1  }
0x1: {  	s0 =	rddreg [dreg:$0x0];
	s1 =	srdreg.scid  }
0x2: {  	s2 =	stileid.u32;
	s3 =	simm.s32 $0x0;
	s1 =	sand.u32 $0x1, s1  }
0x3: {  	s2 =	sshll.u32 s2, $0x1;
	[smem:$0x7FF] =	sst s3;
	s5 =	sadd.s32 $0x1400, s0  }
0x4: {  	s2 =	sor.u32 s1, s2;
	_ =	strace $0x80000047;
	s1 =	ssub.s32 $0x2, s1  }
0x5: {  	[dreg:$0x4] =	wrdreg s5;
	s26 =	smul.u32 $0x187000, s2;
	s4 =	sshll.u32 s2, $0x8  }
0x6: {  	s28 =	sshrl.u32 s1, $0x1;
	s2 =	sshll.u32 s2, $0x1;
	s0 =	sadd.s32 s4, s0  }
0x7: {  	s1 =	ssub.s32 s1, s28;
	[dreg:$0x7] =	wrdreg s2;
	s0 =	sadd.s32 $0xC39400, s0  }
0x8: {  	s3 =	sshrl.u32 s26, $0x3;
	s31 =	smax.u32 s1, $0x1;
	[dreg:$0x5] =	wrdreg s0  }
0x9: {  	s29 =	sadd.s32 s5, s3;
	[dreg:$0xa] =	wrdreg s31  }
0xa: {  	s30 =	sadd.s32 $0x800, s29;
	[dreg:$0x6] =	wrdreg s29  }
0xb: {  	s0 =	sadd.s32 $0x1000, s29;
	[dreg:$0x8] =	wrdreg s30  }
0xc: {  	v0 =	vimm.f32 $0.0e+00;
	s2 =	simm.s32 $0x0;
	[dreg:$0x9] =	wrdreg s0  }
.LBB2_1:
0xd: {  	[dreg:$0xb] =	wrdreg s2  }
0xe: {  	s0 =	simm.s32 $0x0;
	s1 =	rddreg [dreg:$0x5];
	s20 =	simm.s32 $0x18000  }
0xf: {  	s21 =	simm.s32 $0x7;
	s24 =	simm.s32 $0x4000;
	s26 =	simm.s32 $0x8000  }
0x10: {  	s4 =	simm.s32 $0xC000;
	s13 =	simm.s32 $0x500;
	s14 =	simm.s32 $0x600  }
0x11: {  	[tilespmem:s20], [sflag:$0x7] =	stream.linear.gather [hbm4b:s1+s0], $0x800, $0x38;
	[tilespmem:$0x18800] =	vst v63  }
0x12: {  	s28 =	simm.s32 $0xC6F0;
	s29 =	simm.s32 $0xC770;
	_ =	swait.ge [sflag:s21], $0x800  }
0x13: {  	s30 =	simm.s32 $0x780;
	s31 =	simm.s32 $0x780;
	[sflag:s21] =	ssyncset.done $0x0  }
0x14: {  	s15 =	simm.s32 $0x0;
	s22 =	rddreg [dreg:$0x6];
	[sflag:s21] =	ssyncadd.s32 $0xFFFFF800  }
0x15: {  	[tilespmem:s0], [sflag:$0x1] =	stream.linear.gather [hbm4b:s22+s0], $0x4000, $0x38;
	[tilespmem:$0x18800] =	vst v63  }
0x16: {  	s11 =	simm.s32 $0x0;
	s20 =	simm.s32 $0xC4F0;
	s23 =	rddreg [dreg:$0x8]  }
0x17: {  	[tilespmem:s24], [sflag:$0x2] =	stream.linear.gather [hbm4b:s23+s0], $0x4000, $0x38;
	[tilespmem:$0x18800] =	vst v63  }
0x18: {  	s1 =	simm.s32 $0x0;
	s25 =	rddreg [dreg:$0x9];
	s22 =	simm.s32 $0xC570  }
0x19: {  	[tilespmem:s26], [sflag:$0x3] =	stream.linear.gather [hbm4b:s25+s0], $0x4000, $0x38;
	[tilespmem:$0x18800] =	vst v63  }
0x1a: {  	s24 =	simm.s32 $0xC5F0;
	s0 =	simm.s32 $0x480;
	s25 =	simm.s32 $0xC670  }
.LBB2_2:
0x1b: {  	s2 =	smul.u32 $0xAB, s11;
	_ =	sdelay $0x1  }
0x1c: {  	s2 =	sshrl.u32 s2, $0x9  }
0x1d: {  	s3 =	smulhi.u32 $0xAAAAAAAB, s11;
	s2 =	sand.u32 $0x7F, s2  }
0x1e: {  	s2 =	smul.u32 $0x3, s2  }
0x1f: {  	s3 =	sshrl.u32 s3, $0x1  }
0x20: {  	s5 =	smul.u32 $0xFFFF4000, s3;
	s2 =	ssub.s32 s11, s2  }
0x21: {  	s19 =	sand.u32 $0xFF, s2  }
0x22: {  	[dreg:$0x3] =	wrdreg s5;
	s2 =	sadd.s32 $0x1, s19  }
0x23: {  	_ =	swait.ge [sflag:s2], $0x4000  }
0x24: {  	p1 =	slt.u32 s11, $0x3;
	[sflag:s2] =	ssyncset.done $0x0  }
0x25: {  	[dreg:$0x10] =	wrdreg s2;
	[sflag:s2] =	ssyncadd.s32 $0xFFFFC000;
	s2 =	sadd.s32 @!p1 $0x4, s19  }
0x26: {  	p0 =	sgt.u32 s11, $0x2F;
	_ =	swait.ge @!p1 [sflag:s2], $0x4000  }
0x27: {  	s6 =	simm.s32 $0x400;
	s10 =	smul.u32 $0xFFFD0000, s3;
	[sflag:s2] =	ssyncset.done @!p1 $0x0  }
0x28: {  	s9 =	sadd.s32 $0xFFFFFFD0, s11;
	s6 =	simm.s32 @!p0 $0x0;
	[sflag:s2] =	ssyncadd.s32 @!p1 $0xFFFFC000  }
0x29: {  	s18 =	sshra.s32 s10, $0x2;
	s2 =	smin.u32 s11, s9;
	v1 =	vld [tilespmem:s6+$0x18000]  }
0x2a: {  	s5 =	sadd.s32 s18, s1;
	[dreg:$0x12] =	wrdreg s2  }
0x2b: {  	s8 =	sshll.u32 s2, $0x7;
	v5 =	vld [tilespmem:s5+$0x470]  }
0x2c: {  	s7 =	sadd.s32 $0xFFFFFFF0, s8;
	v7 =	vld [tilespmem:s5+$0x410]  }
0x2d: {  	v4 =	vld [tilespmem:s5+$0x440];
	s16 =	sadd.s32 $0x1F, s7;
	s10 =	sadd.s32 $0x15, s7  }
0x2e: {  	v8 =	vld [tilespmem:s5+$0x450];
	vm3 =	veq.s32 v1, s16;
	vm5 =	veq.s32 v1, s10;
	s10 =	sadd.s32 $0x19, s7  }
0x2f: {  	v10 =	vld [tilespmem:s5+$0x40];
	v9 =	vsel vm3, $0x3ECCCCCD, v0;
	vm14 =	veq.s32 v1, s10  }
0x30: {  	v14 =	vld [tilespmem:s5+$0x460];
	s12 =	sadd.s32 $0x13, s7;
	v12 =	vsel vm14, $0x3ECCCCCD, v0;
	v5 =	vsub.f32 v5, v9  }
0x31: {  	v16 =	vld [tilespmem:s5+$0x70];
	s9 =	sadd.s32 $0x1C, s7;
	s17 =	sadd.s32 $0x14, s7;
	vm2 =	veq.s32 v1, s12;
	v7 =	vsub.f32 v7, v12  }
0x32: {  	v17 =	vld [tilespmem:s5+$0x0];
	vm0 =	veq.s32 v1, s9;
	s12 =	sadd.s32 $0x10, s7;
	vm4 =	veq.s32 v1, s17;
	s9 =	sadd.s32 $0x17, s7;
	v5 =	vmul.f32 $6.400000000e+01, v5  }
0x33: {  	s2 =	sadd.s32 s18, s4;
	v20 =	vld [tilespmem:s5+$0x30];
	vm7 =	veq.s32 v1, s12;
	vm3 =	veq.s32 v1, s9;
	s12 =	sadd.s32 $0x1E, s7;
	v7 =	vmul.f32 $6.400000000e+01, v7  }
0x34: {  	v11 =	vsel vm3, $0x3ECCCCCD, v0;
	vm3 =	veq.s32 v1, s12;
	v9 =	vsel vm4, $0x3ECCCCCD, v0;
	v12 =	vld [tilespmem:s5+$0x20];
	[tilespmem:s2+$0x470] =	vst v5  }
0x35: {  	s3 =	smul.u32 $0xC000, s3;
	v15 =	vsel vm3, $0x3ECCCCCD, v0;
	v9 =	vsub.f32 v10, v9;
	v10 =	vld [tilespmem:s5+$0x420];
	[tilespmem:s2+$0x410] =	vst v7  }
0x36: {  	s23 =	sadd.s32 $0x18, s7;
	v14 =	vsub.f32 v14, v15;
	v15 =	vld [tilespmem:s5+$0x10];
	[dreg:$0xf] =	wrdreg s15  }
0x37: {  	vm1 =	veq.s32 v1, s23;
	s23 =	ssub.s32 s14, s3;
	v9 =	vmul.f32 $6.400000000e+01, v9;
	[dreg:$0xe] =	wrdreg s14  }
0x38: {  	[dreg:$0x15] =	wrdreg s23  }
0x39: {  	s21 =	sadd.s32 $0x16, s7;
	v23 =	vsel vm0, $0x3ECCCCCD, v0;
	v14 =	vmul.f32 $6.400000000e+01, v14;
	[tilespmem:s2+$0x40] =	vst v9  }
0x3a: {  	s26 =	sadd.s32 $0x1A, s7;
	vm6 =	veq.s32 v1, s21;
	s9 =	simm.s32 $0x1;
	v61 =	vsub.f32 v4, v23;
	v4 =	vld [tilespmem:s5+$0x400];
	[dreg:$0xd] =	wrdreg s13  }
0x3b: {  	vm13 =	veq.s32 v1, s26;
	v2 =	vsel vm6, $0x3ECCCCCD, v0;
	v6 =	vsel vm7, $0x3ECCCCCD, v0;
	s9 =	simm.s32 @!p0 $0x0;
	[tilespmem:s2+$0x460] =	vst v14  }
0x3c: {  	s16 =	sadd.s32 $0x12, s7;
	s17 =	sadd.s32 $0x1D, s7;
	v3 =	vsel vm5, $0x3ECCCCCD, v0;
	v13 =	vsel vm2, $0x3ECCCCCD, v0;
	v7 =	vsub.f32 v17, v6;
	v6 =	vld [tilespmem:s5+$0x60];
	[dreg:$0x14] =	wrdreg s9  }
0x3d: {  	s21 =	sadd.s32 $0x11, s7;
	s26 =	sshll.u32 s19, $0xE;
	vm2 =	veq.s32 v1, s16;
	vm3 =	veq.s32 v1, s17;
	v11 =	vsub.f32 v16, v11;
	[dreg:$0x11] =	wrdreg s19  }
0x3e: {  	v18 =	vsel vm13, $0x3ECCCCCD, v0;
	vm15 =	veq.s32 v1, s21;
	v21 =	vsel vm3, $0x3ECCCCCD, v0;
	[dreg:$0x13] =	wrdreg s26  }
0x3f: {  	v19 =	vsel vm2, $0x3ECCCCCD, v0;
	v62 =	vmul.f32 $6.400000000e+01, v11;
	v63 =	vsub.f32 v8, v21;
	v11 =	vld [tilespmem:s5+$0x50]  }
0x40: {  	v16 =	vmul.f32 $6.400000000e+01, v61;
	v12 =	vsub.f32 v12, v19;
	v8 =	vsub.f32 v10, v18;
	v10 =	vld [tilespmem:s5+$0x430]  }
0x41: {  	s7 =	sadd.s32 $0x1B, s7;
	v22 =	vsel vm15, $0x3ECCCCCD, v0;
	v9 =	vmul.f32 $6.400000000e+01, v7;
	v7 =	vsub.f32 v20, v13  }
0x42: {  	s16 =	ssub.s32 s13, s3;
	s12 =	ssub.s32 s15, s3;
	vm0 =	veq.s32 v1, s7;
	s7 =	sadd.s32 $0x800, s1;
	v5 =	vsel vm1, $0x3ECCCCCD, v0;
	v12 =	vmul.f32 $6.400000000e+01, v12;
	[tilespmem:s2+$0x440] =	vst v16  }
0x43: {  	s17 =	ssub.s32 s0, s3;
	s3 =	simm.s32 $0x0;
	v13 =	vsub.f32 v15, v22;
	v7 =	vmul.f32 $6.400000000e+01, v7;
	v14 =	vmul.f32 $6.400000000e+01, v63;
	[tilespmem:s2+$0x70] =	vst v62;
	s5 =	sadd.s32 $0x800, s4  }
.LBB2_3:
0x44: {  	s13 =	sadd.s32 s3, s8;
	s3 =	sadd.s32 $0x10, s3;
	[tilespmem:s2+$0x20] =	vst v12;
	v3 =	vsub.f32 v11, v3;
	v4 =	vsub.f32 v4, v5;
	v5 =	vsel vm0, $0x3ECCCCCD, v0  }
0x45: {  	v2 =	vsub.f32 v6, v2;
	s19 =	sadd.s32 $0x12, s13;
	s10 =	sadd.s32 $0x13, s13;
	s14 =	sadd.s32 $0x1C, s13;
	v11 =	vmul.f32 $6.400000000e+01, v13;
	v5 =	vsub.f32 v10, v5;
	[tilespmem:s2+$0x450] =	vst v14  }
0x46: {  	s9 =	sadd.s32 s18, s7;
	s15 =	sadd.s32 $0x10, s13;
	vm2 =	veq.s32 v1, s10;
	vm0 =	veq.s32 v1, s14;
	s10 =	sadd.s32 $0x1F, s13;
	[tilespmem:s2+$0x0] =	vst v9;
	v3 =	vmul.f32 $6.400000000e+01, v3  }
0x47: {  	v8 =	vmul.f32 $6.400000000e+01, v8;
	s21 =	sadd.s32 $0x14, s13;
	s23 =	sadd.s32 $0x15, s13;
	s14 =	sadd.s32 $0x11, s13;
	v6 =	vmul.f32 $6.400000000e+01, v2;
	v9 =	vld [tilespmem:s9+$0x440];
	vm5 =	veq.s32 v1, s10;
	[tilespmem:s2+$0x10] =	vst v11  }
0x48: {  	vm3 =	veq.s32 v1, s21;
	vm6 =	veq.s32 v1, s23;
	s21 =	sadd.s32 $0x18, s13;
	s23 =	sadd.s32 $0x1A, s13;
	v4 =	vmul.f32 $6.400000000e+01, v4;
	s10 =	sadd.s32 $0x16, s13;
	v10 =	vld [tilespmem:s9+$0x470];
	[tilespmem:s2+$0x50] =	vst v3  }
0x49: {  	p0 =	slt.u32 s3, $0x70;
	vm1 =	veq.s32 v1, s21;
	s21 =	sadd.s32 $0x19, s13;
	v5 =	vmul.f32 $6.400000000e+01, v5;
	vm4 =	veq.s32 v1, s10;
	s10 =	sadd.s32 $0x1B, s13;
	v12 =	vld [tilespmem:s9+$0x450];
	[tilespmem:s2+$0x30] =	vst v7  }
0x4a: {  	vm7 =	veq.s32 v1, s15;
	v2 =	vsel vm4, $0x3ECCCCCD, v0;
	vm4 =	veq.s32 v1, s23;
	v7 =	vld [tilespmem:s9+$0x40];
	[tilespmem:s2+$0x60] =	vst v6  }
0x4b: {  	s15 =	sadd.s32 $0x17, s13;
	v11 =	vsel vm7, $0x3ECCCCCD, v0;
	v3 =	vsel vm6, $0x3ECCCCCD, v0;
	v13 =	vsel vm5, $0x3ECCCCCD, v0;
	v6 =	vld [tilespmem:s9+$0x410];
	[tilespmem:s2+$0x430] =	vst v5  }
0x4c: {  	vm5 =	veq.s32 v1, s15;
	vm6 =	veq.s32 v1, s21;
	s15 =	sadd.s32 $0x1E, s13;
	v14 =	vld [tilespmem:s9+$0x0];
	[tilespmem:s2+$0x400] =	vst v4  }
0x4d: {  	v16 =	vsel vm5, $0x3ECCCCCD, v0;
	vm5 =	veq.s32 v1, s15;
	v5 =	vsel vm6, $0x3ECCCCCD, v0;
	v15 =	vld [tilespmem:s9+$0x20];
	[tilespmem:s2+$0x420] =	vst v8  }
0x4e: {  	v18 =	vsel vm5, $0x3ECCCCCD, v0;
	v8 =	vsel vm2, $0x3ECCCCCD, v0;
	s2 =	sadd.s32 $0x1D, s13;
	v10 =	vsub.f32 v10, v13;
	v17 =	vld [tilespmem:s9+$0x460]  }
0x4f: {  	vm2 =	veq.s32 v1, s19;
	v13 =	vsel vm3, $0x3ECCCCCD, v0;
	vm3 =	veq.s32 v1, s2;
	v19 =	vld [tilespmem:s9+$0x70]  }
0x50: {  	v20 =	vsel vm4, $0x3ECCCCCD, v0;
	v10 =	vmul.f32 $6.400000000e+01, v10;
	v4 =	vld [tilespmem:s9+$0x400];
	v5 =	vsub.f32 v6, v5  }
0x51: {  	vm4 =	veq.s32 v1, s14;
	s2 =	sadd.s32 s18, s5;
	v21 =	vsel vm2, $0x3ECCCCCD, v0;
	v23 =	vsel vm3, $0x3ECCCCCD, v0;
	v22 =	vld [tilespmem:s9+$0x30]  }
0x52: {  	v24 =	vsel vm4, $0x3ECCCCCD, v0;
	v7 =	vsub.f32 v7, v13;
	v6 =	vld [tilespmem:s9+$0x60];
	v13 =	vmul.f32 $6.400000000e+01, v5;
	[tilespmem:s2+$0x470] =	vst v10  }
0x53: {  	v5 =	vsel vm1, $0x3ECCCCCD, v0;
	v10 =	vsel vm0, $0x3ECCCCCD, v0;
	v25 =	vld [tilespmem:s9+$0x420];
	v17 =	vsub.f32 v17, v18  }
0x54: {  	v7 =	vmul.f32 $6.400000000e+01, v7;
	v9 =	vsub.f32 v9, v10;
	v18 =	vld [tilespmem:s9+$0x10];
	v16 =	vsub.f32 v19, v16;
	[tilespmem:s2+$0x410] =	vst v13  }
.Ltmp0:
0x55: {  	v13 =	vsub.f32 v14, v11;
	v11 =	vld [tilespmem:s9+$0x50];
	v14 =	vmul.f32 $6.400000000e+01, v17;
	(pc) =	sbr.rel @p0 .LBB2_3-.Ltmp0, $4  }
0x56: {  	v15 =	vsub.f32 v15, v21;
	[tilespmem:s2+$0x40] =	vst v7;
	v16 =	vmul.f32 $6.400000000e+01, v16;
	v10 =	vld [tilespmem:s9+$0x430];
	v7 =	vmul.f32 $6.400000000e+01, v9  }
0x57: {  	v19 =	vsub.f32 v12, v23;
	v9 =	vmul.f32 $6.400000000e+01, v13;
	v17 =	vsub.f32 v22, v8;
	[tilespmem:s2+$0x460] =	vst v14  }
0x58: {  	vm0 =	veq.s32 v1, s10;
	v12 =	vmul.f32 $6.400000000e+01, v15;
	v8 =	vsub.f32 v25, v20;
	[tilespmem:s2+$0x440] =	vst v7  }
0x59: {  	s7 =	sadd.s32 $0x800, s7;
	s5 =	sadd.s32 $0x800, s5;
	v14 =	vmul.f32 $6.400000000e+01, v19;
	v7 =	vmul.f32 $6.400000000e+01, v17;
	v13 =	vsub.f32 v18, v24;
	[tilespmem:s2+$0x70] =	vst v16  }
0x5a: {  	[tilespmem:s2+$0x20] =	vst v12  }
0x5b: {  	v1 =	vsub.f32 v11, v3;
	[tilespmem:s2+$0x0] =	vst v9  }
0x5c: {  	v11 =	vsel vm0, $0x3ECCCCCD, v0;
	v2 =	vsub.f32 v6, v2;
	v3 =	vmul.f32 $6.400000000e+01, v13;
	[tilespmem:s2+$0x450] =	vst v14  }
0x5d: {  	v6 =	vsub.f32 v10, v11;
	[tilespmem:s2+$0x30] =	vst v7;
	v1 =	vmul.f32 $6.400000000e+01, v1  }
0x5e: {  	v2 =	vmul.f32 $6.400000000e+01, v2;
	[tilespmem:s2+$0x10] =	vst v3  }
0x5f: {  	v3 =	vsub.f32 v4, v5;
	[tilespmem:s2+$0x50] =	vst v1;
	v1 =	vmul.f32 $6.400000000e+01, v6  }
0x60: {  	[tilespmem:s2+$0x60] =	vst v2;
	v2 =	vmul.f32 $6.400000000e+01, v8  }
0x61: {  	v3 =	vmul.f32 $6.400000000e+01, v3;
	[tilespmem:s2+$0x430] =	vst v1  }
0x62: {  	[tilespmem:s2+$0x420] =	vst v2  }
0x63: {  	[tilespmem:s2+$0x400] =	vst v3  }
0x64: {  	v2 =	vld [tilespmem:s6+$0x18080]  }
0x65: {  	v1 =	vmov s18;
	_ =	sdelay $0x1  }
0x66: {  	s3 =	sadd.s32 $0xFFFFFFF0, s8  }
0x67: {  	s23 =	sadd.s32 $0x10, s3;
	s2 =	sor.u32 $0x90, s17  }
0x68: {  	s5 =	sadd.s32 $0x12, s3;
	s7 =	sadd.s32 $0x19, s3;
	s9 =	sadd.s32 $0x1E, s3;
	v5 =	vld [tilespmem:s2+$0x0];
	vm4 =	veq.s32 v2, s23  }
0x69: {  	s26 =	sadd.s32 $0x14, s3;
	s13 =	sadd.s32 $0x1B, s3;
	s14 =	sadd.s32 $0x13, s3;
	v4 =	vld.idx.msk [tilespmem:v1+s1+$0x4B0 ss:$0x1], $0xffff;
	vm0 =	veq.s32 v2, s5;
	vm5 =	veq.s32 v2, s7;
	vm2 =	veq.s32 v2, s9  }
0x6a: {  	s15 =	sadd.s32 $0x17, s3;
	s19 =	sadd.s32 $0x11, s3;
	s18 =	sadd.s32 $0x18, s3;
	v7 =	vld.idx.msk [tilespmem:v1+s1+$0xC0 ss:$0x1], $0xffff;
	vm1 =	veq.s32 v2, s26;
	vm6 =	veq.s32 v2, s13;
	vm3 =	veq.s32 v2, s14  }
0x6b: {  	s10 =	sadd.s32 $0x1F, s3;
	s21 =	sadd.s32 $0x1D, s3;
	v8 =	vld.idx.msk [tilespmem:v1+s1+$0x4C0 ss:$0x1], $0xffff;
	vm7 =	veq.s32 v2, s15;
	vm10 =	veq.s32 v2, s18;
	vm11 =	veq.s32 v2, s19  }
0x6c: {  	v11 =	vld.idx.msk [tilespmem:v1+s1+$0xA0 ss:$0x1], $0xffff;
	s9 =	sadd.s32 $0x16, s3;
	vm13 =	veq.s32 v2, s21;
	v10 =	vsel vm0, $0x3ECCCCCD, v0;
	vm0 =	veq.s32 v2, s10  }
0x6d: {  	v12 =	vld.idx.msk [tilespmem:v1+s1+$0xD0 ss:$0x1], $0xffff;
	v9 =	vsel vm1, $0x3ECCCCCD, v0;
	vm1 =	veq.s32 v2, s9;
	v6 =	vsel vm6, $0x3ECCCCCD, v0  }
0x6e: {  	v15 =	vld.idx.msk [tilespmem:v1+s1+$0x4E0 ss:$0x1], $0xffff;
	s23 =	sadd.s32 $0x15, s3;
	s26 =	sadd.s32 $0x1A, s3;
	v3 =	vsel vm4, $0x3ECCCCCD, v0;
	v13 =	vsel vm7, $0x3ECCCCCD, v0;
	v14 =	vsel vm5, $0x3ECCCCCD, v0  }
0x6f: {  	v19 =	vld.idx.msk [tilespmem:v1+s1+$0x480 ss:$0x1], $0xffff;
	s3 =	sadd.s32 $0x1C, s3;
	vm12 =	veq.s32 v2, s23;
	v17 =	vsel vm11, $0x3ECCCCCD, v0;
	vm14 =	veq.s32 v2, s26  }
0x70: {  	vm15 =	veq.s32 v2, s3;
	v5 =	vsub.f32 v5, v14;
	v6 =	vsub.f32 v4, v6;
	v4 =	vld.idx.msk [tilespmem:v1+s1+$0x4A0 ss:$0x1], $0xffff  }
0x71: {  	v14 =	vsel vm10, $0x3ECCCCCD, v0;
	v18 =	vsel vm12, $0x3ECCCCCD, v0;
	v7 =	vsub.f32 v7, v9;
	v9 =	vld.idx.msk [tilespmem:v1+s1+$0xF0 ss:$0x1], $0xffff  }
0x72: {  	v16 =	vld.idx.msk [tilespmem:v1+s1+$0xB0 ss:$0x1], $0xffff;
	v21 =	vsel vm14, $0x3ECCCCCD, v0;
	v22 =	vsel vm15, $0x3ECCCCCD, v0;
	v12 =	vsub.f32 v12, v18  }
0x73: {  	v20 =	vld.idx.msk [tilespmem:v1+s1+$0x4D0 ss:$0x1], $0xffff;
	v18 =	vsel vm2, $0x3ECCCCCD, v0;
	v8 =	vsub.f32 v8, v22;
	v5 =	vmul.f32 $6.400000000e+01, v5  }
0x74: {  	v19 =	vsub.f32 v19, v14;
	v15 =	vsub.f32 v15, v18;
	v18 =	vld.idx.msk [tilespmem:v1+s1+$0x90 ss:$0x1], $0xffff;
	v12 =	vmul.f32 $6.400000000e+01, v12  }
0x75: {  	v10 =	vsub.f32 v11, v10;
	v63 =	vmul.f32 $6.400000000e+01, v8;
	[tilespmem:s2+$0xC000] =	vst v5;
	v21 =	vsub.f32 v4, v21  }
0x76: {  	v5 =	vsel vm3, $0x3ECCCCCD, v0;
	v15 =	vmul.f32 $6.400000000e+01, v15;
	[tilespmem:v1+s20+$0xFFFFFBE0 ss:$0x1] =	vst.idx.msk $0xffff, v12;
	v13 =	vsub.f32 v9, v13;
	v9 =	vld.idx.msk [tilespmem:v1+s1+$0xE0 ss:$0x1], $0xffff  }
0x77: {  	v11 =	vld.idx.msk [tilespmem:v1+s1+$0x80 ss:$0x1], $0xffff;
	v14 =	vsel vm1, $0x3ECCCCCD, v0;
	v5 =	vsub.f32 v16, v5;
	[tilespmem:v1+s20+$0xFFFFFFD0 ss:$0x1] =	vst.idx.msk $0xffff, v63;
	v12 =	vmul.f32 $6.400000000e+01, v21  }
0x78: {  	s5 =	sadd.s32 $0x800, s1;
	v4 =	vld.idx.msk [tilespmem:v1+s1+$0x4F0 ss:$0x1], $0xffff;
	[tilespmem:v1+s20+$0xFFFFFFF0 ss:$0x1] =	vst.idx.msk $0xffff, v15;
	v15 =	vmul.f32 $6.400000000e+01, v19;
	v8 =	vmul.f32 $6.400000000e+01, v13;
	v13 =	vsel vm13, $0x3ECCCCCD, v0  }
0x79: {  	s7 =	smov.u32 s20;
	s3 =	simm.s32 $0x0;
	s2 =	smov.u32 s20;
	v16 =	vmul.f32 $6.400000000e+01, v5;
	[tilespmem:v1+s20+$0xFFFFFFB0 ss:$0x1] =	vst.idx.msk $0xffff, v12;
	v12 =	vsub.f32 v20, v13;
	v13 =	vsub.f32 v18, v17  }
.LBB2_5:
0x7a: {  	s7 =	sadd.s32 $0x800, s7  }
0x7b: {  	v5 =	vld.idx.msk [tilespmem:v1+s5+$0x90 ss:$0x1], $0xffff;
	[tilespmem:v1+s2+$0xFFFFFBC0 ss:$0x1] =	vst.idx.msk $0xffff, v16;
	v7 =	vmul.f32 $6.400000000e+01, v7;
	v9 =	vsub.f32 v9, v14;
	v6 =	vmul.f32 $6.400000000e+01, v6;
	s17 =	sadd.s32 $0x800, s17;
	s9 =	smov.u32 s3;
	s3 =	sadd.s32 $0x10, s3  }
0x7c: {  	v12 =	vmul.f32 $6.400000000e+01, v12;
	v14 =	vld.idx.msk [tilespmem:v1+s5+$0x4B0 ss:$0x1], $0xffff;
	p0 =	slt.u32 s3, $0x70;
	v13 =	vmul.f32 $6.400000000e+01, v13;
	[tilespmem:v1+s2+$0xFFFFFF90 ss:$0x1] =	vst.idx.msk $0xffff, v15;
	v15 =	vsel vm0, $0x3ECCCCCD, v0  }
0x7d: {  	v10 =	vmul.f32 $6.400000000e+01, v10;
	s9 =	sadd.s32 s9, s8;
	v3 =	vsub.f32 v11, v3;
	v16 =	vld.idx.msk [tilespmem:v1+s5+$0x4F0 ss:$0x1], $0xffff;
	v9 =	vmul.f32 $6.400000000e+01, v9;
	[tilespmem:v1+s2+$0xFFFFFFC0 ss:$0x1] =	vst.idx.msk $0xffff, v6  }
0x7e: {  	s10 =	sadd.s32 $0x10, s9;
	s13 =	sadd.s32 $0x12, s9;
	s14 =	sadd.s32 $0x1F, s9;
	v4 =	vsub.f32 v4, v15;
	v11 =	vld.idx.msk [tilespmem:v1+s5+$0xC0 ss:$0x1], $0xffff;
	[tilespmem:v1+s2+$0xFFFFFBA0 ss:$0x1] =	vst.idx.msk $0xffff, v13  }
0x7f: {  	s15 =	sadd.s32 $0x1E, s9;
	vm4 =	veq.s32 v2, s10;
	vm0 =	veq.s32 v2, s13;
	s10 =	sor.u32 $0x90, s17;
	s13 =	sadd.s32 $0x19, s9;
	v3 =	vmul.f32 $6.400000000e+01, v3;
	v13 =	vld.idx.msk [tilespmem:v1+s5+$0x4C0 ss:$0x1], $0xffff;
	[tilespmem:v1+s2+$0xFFFFFBD0 ss:$0x1] =	vst.idx.msk $0xffff, v7  }
0x80: {  	s18 =	sadd.s32 $0x14, s9;
	s19 =	sadd.s32 $0x16, s9;
	vm2 =	veq.s32 v2, s15;
	vm5 =	veq.s32 v2, s13;
	s13 =	sadd.s32 $0x1B, s9;
	v20 =	vmul.f32 $6.400000000e+01, v4;
	v6 =	vld [tilespmem:s10+$0x0];
	[tilespmem:v1+s2+$0xFFFFFC00 ss:$0x1] =	vst.idx.msk $0xffff, v8  }
0x81: {  	s21 =	sadd.s32 $0x13, s9;
	s15 =	sadd.s32 $0x11, s9;
	vm1 =	veq.s32 v2, s18;
	v17 =	vsel vm0, $0x3ECCCCCD, v0;
	vm0 =	veq.s32 v2, s14;
	v15 =	vld.idx.msk [tilespmem:v1+s5+$0xA0 ss:$0x1], $0xffff;
	[tilespmem:v1+s2+$0xFFFFFB90 ss:$0x1] =	vst.idx.msk $0xffff, v3  }
0x82: {  	v7 =	vsel vm1, $0x3ECCCCCD, v0;
	vm1 =	veq.s32 v2, s19;
	s14 =	sadd.s32 $0x17, s9;
	vm6 =	veq.s32 v2, s13;
	s13 =	sadd.s32 $0x1D, s9;
	v8 =	vld.idx.msk [tilespmem:v1+s5+$0x4A0 ss:$0x1], $0xffff;
	[tilespmem:v1+s2+$0x0 ss:$0x1] =	vst.idx.msk $0xffff, v20  }
0x83: {  	vm3 =	veq.s32 v2, s21;
	vm7 =	veq.s32 v2, s14;
	v19 =	vsel vm6, $0x3ECCCCCD, v0;
	v4 =	vmovc v16;
	v18 =	vld.idx.msk [tilespmem:v1+s5+$0xD0 ss:$0x1], $0xffff;
	[tilespmem:v1+s2+$0xFFFFFFE0 ss:$0x1] =	vst.idx.msk $0xffff, v12  }
0x84: {  	s14 =	sadd.s32 $0x18, s9;
	v3 =	vsel vm4, $0x3ECCCCCD, v0;
	v16 =	vsel vm5, $0x3ECCCCCD, v0;
	v12 =	vsel vm7, $0x3ECCCCCD, v0;
	v20 =	vld.idx.msk [tilespmem:v1+s5+$0x4E0 ss:$0x1], $0xffff;
	[tilespmem:v1+s2+$0xFFFFFBF0 ss:$0x1] =	vst.idx.msk $0xffff, v9  }
0x85: {  	vm4 =	veq.s32 v2, s14;
	v9 =	vsub.f32 v6, v16;
	v6 =	vsub.f32 v14, v19;
	[tilespmem:v1+s2+$0xFFFFFBB0 ss:$0x1] =	vst.idx.msk $0xffff, v10;
	s2 =	smov.u32 s7  }
0x86: {  	s14 =	sadd.s32 $0x15, s9;
	vm5 =	veq.s32 v2, s15;
	v7 =	vsub.f32 v11, v7;
	v14 =	vsel vm4, $0x3ECCCCCD, v0;
	v10 =	vld.idx.msk [tilespmem:v1+s5+$0xF0 ss:$0x1], $0xffff  }
0x87: {  	vm6 =	veq.s32 v2, s14;
	s14 =	sadd.s32 $0x1A, s9;
	vm4 =	veq.s32 v2, s13;
	v16 =	vld.idx.msk [tilespmem:v1+s5+$0xB0 ss:$0x1], $0xffff;
	v9 =	vmul.f32 $6.400000000e+01, v9  }
0x88: {  	s9 =	sadd.s32 $0x1C, s9;
	v11 =	vsel vm6, $0x3ECCCCCD, v0;
	v19 =	vsel vm5, $0x3ECCCCCD, v0;
	vm5 =	veq.s32 v2, s14;
	v21 =	vld.idx.msk [tilespmem:v1+s5+$0x480 ss:$0x1], $0xffff  }
0x89: {  	vm6 =	veq.s32 v2, s9;
	v11 =	vsub.f32 v18, v11;
	[tilespmem:s10+$0xC000] =	vst v9;
	v18 =	vld.idx.msk [tilespmem:v1+s5+$0x4D0 ss:$0x1], $0xffff;
	v9 =	vsel vm2, $0x3ECCCCCD, v0  }
0x8a: {  	v23 =	vsel vm6, $0x3ECCCCCD, v0;
	v22 =	vsel vm5, $0x3ECCCCCD, v0;
	v20 =	vsub.f32 v20, v9  }
0x8b: {  	v13 =	vsub.f32 v13, v23;
	v8 =	vsub.f32 v8, v22;
	v24 =	vmul.f32 $6.400000000e+01, v11;
	v9 =	vld.idx.msk [tilespmem:v1+s5+$0xE0 ss:$0x1], $0xffff  }
.Ltmp1:
0x8c: {  	v22 =	vsel vm3, $0x3ECCCCCD, v0;
	v10 =	vsub.f32 v10, v12;
	v12 =	vmul.f32 $6.400000000e+01, v20;
	(pc) =	sbr.rel @p0 .LBB2_5-.Ltmp1, $4  }
0x8d: {  	v16 =	vsub.f32 v16, v22;
	v20 =	vmul.f32 $6.400000000e+01, v8;
	v22 =	vmul.f32 $6.400000000e+01, v13;
	v11 =	vld.idx.msk [tilespmem:v1+s5+$0x80 ss:$0x1], $0xffff;
	[tilespmem:v1+s7+$0xFFFFFBE0 ss:$0x1] =	vst.idx.msk $0xffff, v24  }
0x8e: {  	v13 =	vsel vm4, $0x3ECCCCCD, v0;
	v8 =	vmul.f32 $6.400000000e+01, v10;
	v21 =	vsub.f32 v21, v14;
	[tilespmem:v1+s7+$0xFFFFFFF0 ss:$0x1] =	vst.idx.msk $0xffff, v12  }
0x8f: {  	v10 =	vsub.f32 v15, v17;
	v16 =	vmul.f32 $6.400000000e+01, v16;
	v12 =	vsub.f32 v18, v13;
	[tilespmem:v1+s7+$0xFFFFFFB0 ss:$0x1] =	vst.idx.msk $0xffff, v20  }
0x90: {  	v14 =	vsel vm1, $0x3ECCCCCD, v0;
	s5 =	sadd.s32 $0x800, s5;
	v13 =	vsub.f32 v5, v19;
	v15 =	vmul.f32 $6.400000000e+01, v21;
	[tilespmem:v1+s7+$0xFFFFFFD0 ss:$0x1] =	vst.idx.msk $0xffff, v22  }
0x91: {  	_ =	sdelay $0x3  }
0x92: {  	[tilespmem:v1+s2+$0xFFFFFBC0 ss:$0x1] =	vst.idx.msk $0xffff, v16  }
0x93: {  	v2 =	vmul.f32 $6.400000000e+01, v6;
	[tilespmem:v1+s2+$0xFFFFFC00 ss:$0x1] =	vst.idx.msk $0xffff, v8  }
0x94: {  	v6 =	vmul.f32 $6.400000000e+01, v7;
	[tilespmem:v1+s2+$0xFFFFFF90 ss:$0x1] =	vst.idx.msk $0xffff, v15;
	v3 =	vsub.f32 v11, v3  }
0x95: {  	v7 =	vsel vm0, $0x3ECCCCCD, v0;
	v5 =	vmul.f32 $6.400000000e+01, v13;
	[tilespmem:v1+s2+$0xFFFFFFC0 ss:$0x1] =	vst.idx.msk $0xffff, v2  }
0x96: {  	v2 =	vsub.f32 v4, v7;
	[tilespmem:v1+s2+$0xFFFFFBD0 ss:$0x1] =	vst.idx.msk $0xffff, v6;
	v3 =	vmul.f32 $6.400000000e+01, v3  }
0x97: {  	v4 =	vsub.f32 v9, v14;
	[tilespmem:v1+s2+$0xFFFFFBA0 ss:$0x1] =	vst.idx.msk $0xffff, v5;
	v5 =	vmul.f32 $6.400000000e+01, v12  }
0x98: {  	v2 =	vmul.f32 $6.400000000e+01, v2;
	[tilespmem:v1+s2+$0xFFFFFB90 ss:$0x1] =	vst.idx.msk $0xffff, v3  }
0x99: {  	v3 =	vmul.f32 $6.400000000e+01, v4;
	[tilespmem:v1+s2+$0xFFFFFFE0 ss:$0x1] =	vst.idx.msk $0xffff, v5  }
0x9a: {  	[tilespmem:v1+s2+$0x0 ss:$0x1] =	vst.idx.msk $0xffff, v2;
	v2 =	vmul.f32 $6.400000000e+01, v10  }
0x9b: {  	[tilespmem:v1+s2+$0xFFFFFBF0 ss:$0x1] =	vst.idx.msk $0xffff, v3  }
0x9c: {  	[tilespmem:v1+s2+$0xFFFFFBB0 ss:$0x1] =	vst.idx.msk $0xffff, v2  }
0x9d: {  	v2 =	vld [tilespmem:s6+$0x18100];
	_ =	sdelay $0x2  }
0x9e: {  	s3 =	sadd.s32 $0xFFFFFFF0, s8  }
0x9f: {  	s23 =	sadd.s32 $0x10, s3  }
0xa0: {  	s5 =	sadd.s32 $0x12, s3;
	s26 =	sadd.s32 $0x15, s3;
	s7 =	sadd.s32 $0x19, s3;
	v4 =	vld.idx.msk [tilespmem:v1+s1+$0x110 ss:$0x1], $0xffff;
	vm1 =	veq.s32 v2, s23  }
0xa1: {  	s9 =	sadd.s32 $0x1E, s3;
	s10 =	sadd.s32 $0x11, s3;
	s13 =	sadd.s32 $0x1A, s3;
	v6 =	vld.idx.msk [tilespmem:v1+s1+$0x540 ss:$0x1], $0xffff;
	vm2 =	veq.s32 v2, s5;
	vm3 =	veq.s32 v2, s26;
	vm4 =	veq.s32 v2, s7  }
0xa2: {  	s14 =	sadd.s32 $0x16, s3;
	s15 =	sadd.s32 $0x1F, s3;
	s17 =	sadd.s32 $0x17, s3;
	v5 =	vld.idx.msk [tilespmem:v1+s1+$0x550 ss:$0x1], $0xffff;
	vm0 =	veq.s32 v2, s9;
	vm14 =	veq.s32 v2, s10;
	vm5 =	veq.s32 v2, s13  }
0xa3: {  	s18 =	sadd.s32 $0x1C, s3;
	s19 =	sadd.s32 $0x1D, s3;
	s21 =	sadd.s32 $0x13, s3;
	v8 =	vld.idx.msk [tilespmem:v1+s1+$0x140 ss:$0x1], $0xffff;
	vm15 =	veq.s32 v2, s15;
	vm8 =	veq.s32 v2, s14;
	vm9 =	veq.s32 v2, s17  }
0xa4: {  	v14 =	vld.idx.msk [tilespmem:v1+s1+$0x100 ss:$0x1], $0xffff;
	vm10 =	veq.s32 v2, s18;
	vm11 =	veq.s32 v2, s19;
	vm12 =	veq.s32 v2, s21  }
0xa5: {  	v16 =	vld.idx.msk [tilespmem:v1+s1+$0x530 ss:$0x1], $0xffff;
	v7 =	vsel vm1, $0x3ECCCCCD, v0;
	v9 =	vsel vm14, $0x3ECCCCCD, v0;
	v3 =	vsel vm4, $0x3ECCCCCD, v0  }
0xa6: {  	v17 =	vld.idx.msk [tilespmem:v1+s1+$0x150 ss:$0x1], $0xffff;
	v10 =	vsel vm5, $0x3ECCCCCD, v0;
	v12 =	vsel vm2, $0x3ECCCCCD, v0;
	v13 =	vsel vm3, $0x3ECCCCCD, v0  }
0xa7: {  	s23 =	sadd.s32 $0x1B, s3;
	v15 =	vsel vm8, $0x3ECCCCCD, v0;
	v18 =	vsel vm9, $0x3ECCCCCD, v0;
	v4 =	vsub.f32 v4, v9;
	v9 =	vld.idx.msk [tilespmem:v1+s1+$0x160 ss:$0x1], $0xffff  }
0xa8: {  	s2 =	sor.u32 $0x120, s16;
	v11 =	vld.idx.msk [tilespmem:v1+s1+$0x570 ss:$0x1], $0xffff;
	vm13 =	veq.s32 v2, s23;
	v19 =	vsel vm11, $0x3ECCCCCD, v0;
	v20 =	vsel vm15, $0x3ECCCCCD, v0  }
0xa9: {  	v21 =	vld [tilespmem:s2+$0x0];
	v19 =	vsub.f32 v5, v19;
	v5 =	vsub.f32 v14, v7;
	v7 =	vsel vm13, $0x3ECCCCCD, v0  }
0xaa: {  	v23 =	vld.idx.msk [tilespmem:v1+s1+$0x130 ss:$0x1], $0xffff;
	s26 =	sadd.s32 $0x18, s3;
	s3 =	sadd.s32 $0x14, s3;
	v22 =	vsel vm10, $0x3ECCCCCD, v0;
	v7 =	vsub.f32 v16, v7;
	v4 =	vmul.f32 $6.400000000e+01, v4  }
0xab: {  	v58 =	vsel vm12, $0x3ECCCCCD, v0;
	vm15 =	veq.s32 v2, s3;
	v14 =	vld.idx.msk [tilespmem:v1+s1+$0x170 ss:$0x1], $0xffff;
	v13 =	vsub.f32 v17, v13  }
0xac: {  	[tilespmem:v1+s22+$0xFFFFFBA0 ss:$0x1] =	vst.idx.msk $0xffff, v4;
	v4 =	vmul.f32 $6.400000000e+01, v7;
	v7 =	vsel vm15, $0x3ECCCCCD, v0;
	v9 =	vsub.f32 v9, v15;
	v15 =	vld.idx.msk [tilespmem:v1+s1+$0x120 ss:$0x1], $0xffff  }
0xad: {  	v59 =	vld.idx.msk [tilespmem:v1+s1+$0x500 ss:$0x1], $0xffff;
	vm14 =	veq.s32 v2, s26;
	v11 =	vsub.f32 v11, v20;
	v7 =	vsub.f32 v8, v7  }
0xae: {  	v61 =	vld.idx.msk [tilespmem:v1+s1+$0x560 ss:$0x1], $0xffff;
	v60 =	vsel vm0, $0x3ECCCCCD, v0;
	v24 =	vsel vm14, $0x3ECCCCCD, v0;
	v13 =	vmul.f32 $6.400000000e+01, v13  }
0xaf: {  	v6 =	vsub.f32 v6, v22;
	v63 =	vmul.f32 $6.400000000e+01, v11;
	[tilespmem:v1+s22+$0xFFFFFFC0 ss:$0x1] =	vst.idx.msk $0xffff, v4;
	v4 =	vmul.f32 $6.400000000e+01, v7;
	v7 =	vld.idx.msk [tilespmem:v1+s1+$0x510 ss:$0x1], $0xffff  }
0xb0: {  	v21 =	vsub.f32 v21, v10;
	v62 =	vsub.f32 v23, v58;
	[tilespmem:v1+s22+$0xFFFFFBE0 ss:$0x1] =	vst.idx.msk $0xffff, v13;
	v9 =	vmul.f32 $6.400000000e+01, v9  }
0xb1: {  	[tilespmem:v1+s22+$0x0 ss:$0x1] =	vst.idx.msk $0xffff, v63;
	v10 =	vsub.f32 v15, v12;
	v12 =	vsub.f32 v14, v18;
	v14 =	vmul.f32 $6.400000000e+01, v6  }
0xb2: {  	s7 =	simm.s32 $0x0;
	s5 =	sadd.s32 $0x800, s1;
	v11 =	vsub.f32 v59, v24;
	v13 =	vmul.f32 $6.400000000e+01, v21;
	[tilespmem:v1+s22+$0xFFFFFBF0 ss:$0x1] =	vst.idx.msk $0xffff, v9;
	v9 =	vmul.f32 $6.400000000e+01, v19  }
0xb3: {  	s9 =	sadd.s32 $0x800, s16;
	s16 =	smov.u32 s22;
	s3 =	smov.u32 s22;
	v8 =	vmul.f32 $6.400000000e+01, v62;
	v6 =	vmul.f32 $6.400000000e+01, v12;
	[tilespmem:v1+s22+$0xFFFFFFD0 ss:$0x1] =	vst.idx.msk $0xffff, v14;
	v12 =	vsub.f32 v61, v60  }
.LBB2_7:
0xb4: {  	s13 =	sadd.s32 s7, s8;
	v14 =	vld.idx.msk [tilespmem:v1+s5+$0x110 ss:$0x1], $0xffff;
	s7 =	sadd.s32 $0x10, s7;
	v5 =	vmul.f32 $6.400000000e+01, v5;
	v10 =	vmul.f32 $6.400000000e+01, v10;
	v3 =	vsub.f32 v7, v3;
	[tilespmem:v1+s3+$0xFFFFFFE0 ss:$0x1] =	vst.idx.msk $0xffff, v9;
	s16 =	sadd.s32 $0x800, s16  }
0xb5: {  	v11 =	vmul.f32 $6.400000000e+01, v11;
	s10 =	sadd.s32 $0x10, s13;
	s14 =	sadd.s32 $0x12, s13;
	v9 =	vld.idx.msk [tilespmem:v1+s5+$0x540 ss:$0x1], $0xffff;
	s15 =	sadd.s32 $0x1E, s13;
	[tilespmem:s2+$0xC000] =	vst v13;
	v12 =	vmul.f32 $6.400000000e+01, v12  }
0xb6: {  	s2 =	sadd.s32 $0x15, s13;
	s17 =	sadd.s32 $0x1B, s13;
	vm2 =	veq.s32 v2, s10;
	vm1 =	veq.s32 v2, s14;
	s10 =	sadd.s32 $0x19, s13;
	v13 =	vld.idx.msk [tilespmem:v1+s5+$0x550 ss:$0x1], $0xffff;
	[tilespmem:v1+s3+$0xFFFFFB90 ss:$0x1] =	vst.idx.msk $0xffff, v5;
	v3 =	vmul.f32 $6.400000000e+01, v3  }
0xb7: {  	s18 =	sadd.s32 $0x11, s13;
	vm3 =	veq.s32 v2, s2;
	s14 =	sadd.s32 $0x18, s13;
	s2 =	sadd.s32 $0x1A, s13;
	vm0 =	veq.s32 v2, s15;
	v15 =	vld.idx.msk [tilespmem:v1+s5+$0x140 ss:$0x1], $0xffff;
	vm4 =	veq.s32 v2, s10  }
0xb8: {  	s15 =	sadd.s32 $0x16, s13;
	v5 =	vsel vm2, $0x3ECCCCCD, v0;
	vm2 =	veq.s32 v2, s18;
	s10 =	sadd.s32 $0x14, s13;
	vm5 =	veq.s32 v2, s2;
	v16 =	vld.idx.msk [tilespmem:v1+s5+$0x530 ss:$0x1], $0xffff;
	[tilespmem:v1+s3+$0xFFFFFFA0 ss:$0x1] =	vst.idx.msk $0xffff, v3  }
0xb9: {  	s19 =	sadd.s32 $0x1F, s13;
	s18 =	sadd.s32 $0x17, s13;
	v7 =	vsel vm2, $0x3ECCCCCD, v0;
	v3 =	vsel vm4, $0x3ECCCCCD, v0;
	v17 =	vsel vm5, $0x3ECCCCCD, v0;
	v18 =	vld.idx.msk [tilespmem:v1+s5+$0x570 ss:$0x1], $0xffff;
	[tilespmem:v1+s3+$0xFFFFFBC0 ss:$0x1] =	vst.idx.msk $0xffff, v8  }
0xba: {  	p0 =	slt.u32 s7, $0x70;
	s2 =	sor.u32 $0x120, s9;
	v8 =	vsub.f32 v14, v7;
	v14 =	vsel vm1, $0x3ECCCCCD, v0;
	vm1 =	veq.s32 v2, s19;
	v19 =	vld.idx.msk [tilespmem:v1+s5+$0x160 ss:$0x1], $0xffff;
	[tilespmem:v1+s3+$0xFFFFFBB0 ss:$0x1] =	vst.idx.msk $0xffff, v10  }
0xbb: {  	v20 =	vsel vm3, $0x3ECCCCCD, v0;
	vm2 =	veq.s32 v2, s15;
	vm3 =	veq.s32 v2, s18;
	s15 =	sadd.s32 $0x1C, s13;
	s18 =	sadd.s32 $0x1D, s13;
	v10 =	vld.idx.msk [tilespmem:v1+s5+$0x100 ss:$0x1], $0xffff;
	[tilespmem:v1+s3+$0xFFFFFC00 ss:$0x1] =	vst.idx.msk $0xffff, v6  }
0xbc: {  	s13 =	sadd.s32 $0x13, s13;
	vm4 =	veq.s32 v2, s18;
	v6 =	vsel vm2, $0x3ECCCCCD, v0;
	vm2 =	veq.s32 v2, s15;
	v7 =	vld.idx.msk [tilespmem:v1+s5+$0x510 ss:$0x1], $0xffff;
	[tilespmem:v1+s3+$0xFFFFFBD0 ss:$0x1] =	vst.idx.msk $0xffff, v4  }
0xbd: {  	vm5 =	veq.s32 v2, s13;
	v21 =	vsel vm3, $0x3ECCCCCD, v0;
	v4 =	vmul.f32 $6.400000000e+01, v8;
	v8 =	vld.idx.msk [tilespmem:v1+s5+$0x150 ss:$0x1], $0xffff;
	[tilespmem:v1+s3+$0xFFFFFF90 ss:$0x1] =	vst.idx.msk $0xffff, v11  }
0xbe: {  	vm3 =	veq.s32 v2, s17;
	v22 =	vsel vm4, $0x3ECCCCCD, v0;
	v23 =	vsel vm1, $0x3ECCCCCD, v0;
	v11 =	vld.idx.msk [tilespmem:v1+s5+$0x130 ss:$0x1], $0xffff;
	[tilespmem:v1+s3+$0xFFFFFFF0 ss:$0x1] =	vst.idx.msk $0xffff, v12;
	s3 =	smov.u32 s16  }
0xbf: {  	v13 =	vsub.f32 v13, v22;
	v12 =	vsel vm2, $0x3ECCCCCD, v0;
	v18 =	vsub.f32 v18, v23;
	[tilespmem:v1+s16+$0xFFFFFBA0 ss:$0x1] =	vst.idx.msk $0xffff, v4;
	v4 =	vld [tilespmem:s2+$0x0]  }
0xc0: {  	vm1 =	veq.s32 v2, s14;
	v23 =	vsel vm5, $0x3ECCCCCD, v0;
	v6 =	vsub.f32 v19, v6;
	v22 =	vld.idx.msk [tilespmem:v1+s5+$0x120 ss:$0x1], $0xffff  }
0xc1: {  	v5 =	vsub.f32 v10, v5;
	v10 =	vsel vm3, $0x3ECCCCCD, v0;
	v19 =	vld.idx.msk [tilespmem:v1+s5+$0x170 ss:$0x1], $0xffff  }
0xc2: {  	v25 =	vsel vm1, $0x3ECCCCCD, v0;
	v6 =	vmul.f32 $6.400000000e+01, v6;
	v10 =	vsub.f32 v16, v10;
	v24 =	vld.idx.msk [tilespmem:v1+s5+$0x500 ss:$0x1], $0xffff  }
0xc3: {  	v12 =	vsub.f32 v9, v12;
	v8 =	vsub.f32 v8, v20;
	v20 =	vsel vm0, $0x3ECCCCCD, v0;
	v16 =	vld.idx.msk [tilespmem:v1+s5+$0x560 ss:$0x1], $0xffff  }
0xc4: {  	vm0 =	veq.s32 v2, s10;
	[tilespmem:v1+s16+$0xFFFFFBF0 ss:$0x1] =	vst.idx.msk $0xffff, v6;
	v17 =	vsub.f32 v4, v17;
	v4 =	vmul.f32 $6.400000000e+01, v10  }
.Ltmp2:
0xc5: {  	v9 =	vmul.f32 $6.400000000e+01, v13;
	v6 =	vsel vm0, $0x3ECCCCCD, v0;
	v8 =	vmul.f32 $6.400000000e+01, v8;
	(pc) =	sbr.rel @p0 .LBB2_7-.Ltmp2, $4  }
0xc6: {  	v13 =	vmul.f32 $6.400000000e+01, v18;
	v11 =	vsub.f32 v11, v23;
	v6 =	vsub.f32 v15, v6;
	[tilespmem:v1+s16+$0xFFFFFFC0 ss:$0x1] =	vst.idx.msk $0xffff, v4  }
0xc7: {  	v12 =	vmul.f32 $6.400000000e+01, v12;
	v10 =	vsub.f32 v22, v14;
	v14 =	vsub.f32 v19, v21;
	[tilespmem:v1+s16+$0xFFFFFBE0 ss:$0x1] =	vst.idx.msk $0xffff, v8  }
0xc8: {  	v8 =	vmul.f32 $6.400000000e+01, v11;
	v4 =	vmul.f32 $6.400000000e+01, v6;
	v11 =	vsub.f32 v24, v25;
	[tilespmem:v1+s16+$0x0 ss:$0x1] =	vst.idx.msk $0xffff, v13  }
0xc9: {  	s9 =	sadd.s32 $0x800, s9;
	s5 =	sadd.s32 $0x800, s5;
	v6 =	vmul.f32 $6.400000000e+01, v14;
	v13 =	vmul.f32 $6.400000000e+01, v17;
	[tilespmem:v1+s16+$0xFFFFFFD0 ss:$0x1] =	vst.idx.msk $0xffff, v12;
	v12 =	vsub.f32 v16, v20  }
0xca: {  	_ =	sdelay $0x3  }
0xcb: {  	[tilespmem:v1+s3+$0xFFFFFFE0 ss:$0x1] =	vst.idx.msk $0xffff, v9  }
0xcc: {  	[tilespmem:v1+s3+$0xFFFFFBC0 ss:$0x1] =	vst.idx.msk $0xffff, v8  }
0xcd: {  	v2 =	vsub.f32 v7, v3;
	[tilespmem:v1+s3+$0xFFFFFBD0 ss:$0x1] =	vst.idx.msk $0xffff, v4  }
0xce: {  	v3 =	vmul.f32 $6.400000000e+01, v5;
	[tilespmem:s2+$0xC000] =	vst v13  }
0xcf: {  	[tilespmem:v1+s3+$0xFFFFFC00 ss:$0x1] =	vst.idx.msk $0xffff, v6;
	v2 =	vmul.f32 $6.400000000e+01, v2  }
0xd0: {  	[tilespmem:v1+s3+$0xFFFFFB90 ss:$0x1] =	vst.idx.msk $0xffff, v3;
	v3 =	vmul.f32 $6.400000000e+01, v10  }
0xd1: {  	[tilespmem:v1+s3+$0xFFFFFFA0 ss:$0x1] =	vst.idx.msk $0xffff, v2;
	v2 =	vmul.f32 $6.400000000e+01, v11  }
0xd2: {  	[tilespmem:v1+s3+$0xFFFFFBB0 ss:$0x1] =	vst.idx.msk $0xffff, v3;
	v3 =	vmul.f32 $6.400000000e+01, v12  }
0xd3: {  	[tilespmem:v1+s3+$0xFFFFFF90 ss:$0x1] =	vst.idx.msk $0xffff, v2  }
0xd4: {  	[tilespmem:v1+s3+$0xFFFFFFF0 ss:$0x1] =	vst.idx.msk $0xffff, v3  }
0xd5: {  	v2 =	vld [tilespmem:s6+$0x18180];
	_ =	sdelay $0x2  }
0xd6: {  	s5 =	sadd.s32 $0xFFFFFFF0, s8;
	v4 =	vld.idx.msk [tilespmem:v1+s1+$0x190 ss:$0x1], $0xffff  }
0xd7: {  	s17 =	sadd.s32 $0x19, s5;
	s18 =	sadd.s32 $0x1A, s5;
	s7 =	sadd.s32 $0x1E, s5;
	v5 =	vld.idx.msk [tilespmem:v1+s1+$0x5F0 ss:$0x1], $0xffff  }
0xd8: {  	s9 =	sadd.s32 $0x1F, s5;
	s19 =	sadd.s32 $0x15, s5;
	s21 =	sadd.s32 $0x1D, s5;
	v6 =	vld.idx.msk [tilespmem:v1+s1+$0x1F0 ss:$0x1], $0xffff;
	vm2 =	veq.s32 v2, s17;
	vm3 =	veq.s32 v2, s18;
	vm4 =	veq.s32 v2, s7  }
0xd9: {  	s23 =	sadd.s32 $0x10, s5;
	s26 =	sadd.s32 $0x12, s5;
	s10 =	sadd.s32 $0x13, s5;
	v7 =	vld.idx.msk [tilespmem:v1+s1+$0x1E0 ss:$0x1], $0xffff;
	vm1 =	veq.s32 v2, s9;
	vm5 =	veq.s32 v2, s19;
	vm0 =	veq.s32 v2, s21  }
0xda: {  	s13 =	sadd.s32 $0x14, s5;
	s14 =	sadd.s32 $0x17, s5;
	s15 =	sadd.s32 $0x16, s5;
	v8 =	vld.idx.msk [tilespmem:v1+s1+$0x1B0 ss:$0x1], $0xffff;
	vm15 =	veq.s32 v2, s23;
	vm6 =	veq.s32 v2, s26;
	vm8 =	veq.s32 v2, s10  }
0xdb: {  	s16 =	sadd.s32 $0x500, s12;
	v12 =	vld.idx.msk [tilespmem:v1+s1+$0x1C0 ss:$0x1], $0xffff;
	vm9 =	veq.s32 v2, s14;
	vm10 =	veq.s32 v2, s13;
	vm11 =	veq.s32 v2, s15  }
0xdc: {  	s2 =	sor.u32 $0x1A0, s16;
	v15 =	vld.idx.msk [tilespmem:v1+s1+$0x1D0 ss:$0x1], $0xffff;
	v3 =	vsel vm4, $0x3ECCCCCD, v0;
	v9 =	vsel vm2, $0x3ECCCCCD, v0;
	v10 =	vsel vm15, $0x3ECCCCCD, v0  }
0xdd: {  	v19 =	vld [tilespmem:s2+$0x0];
	v11 =	vsel vm5, $0x3ECCCCCD, v0;
	v13 =	vsel vm3, $0x3ECCCCCD, v0;
	v14 =	vsel vm6, $0x3ECCCCCD, v0  }
0xde: {  	v21 =	vld.idx.msk [tilespmem:v1+s1+$0x180 ss:$0x1], $0xffff;
	s17 =	sadd.s32 $0x480, s12;
	s19 =	sadd.s32 $0x1B, s5;
	s21 =	sadd.s32 $0x1C, s5;
	v16 =	vsel vm8, $0x3ECCCCCD, v0;
	v17 =	vsel vm10, $0x3ECCCCCD, v0;
	v18 =	vsel vm9, $0x3ECCCCCD, v0  }
0xdf: {  	v22 =	vld.idx.msk [tilespmem:v1+s1+$0x5C0 ss:$0x1], $0xffff;
	s23 =	sadd.s32 $0x18, s5;
	s18 =	sor.u32 $0x190, s17;
	vm12 =	veq.s32 v2, s19;
	v20 =	vsel vm11, $0x3ECCCCCD, v0;
	vm13 =	veq.s32 v2, s21  }
0xe0: {  	s5 =	sadd.s32 $0x11, s5;
	v61 =	vsel vm1, $0x3ECCCCCD, v0;
	vm14 =	veq.s32 v2, s23;
	v60 =	vld [tilespmem:s18+$0x0];
	v7 =	vsub.f32 v7, v20  }
0xe1: {  	v25 =	vld.idx.msk [tilespmem:v1+s1+$0x5D0 ss:$0x1], $0xffff;
	vm15 =	veq.s32 v2, s5;
	v6 =	vsub.f32 v6, v18;
	v12 =	vsub.f32 v12, v17  }
0xe2: {  	v62 =	vld.idx.msk [tilespmem:v1+s1+$0x1A0 ss:$0x1], $0xffff;
	v23 =	vsel vm12, $0x3ECCCCCD, v0;
	v16 =	vsub.f32 v8, v16;
	v8 =	vmul.f32 $6.400000000e+01, v7  }
0xe3: {  	v63 =	vld.idx.msk [tilespmem:v1+s1+$0x580 ss:$0x1], $0xffff;
	s26 =	sadd.s32 $0x580, s12;
	v24 =	vsel vm13, $0x3ECCCCCD, v0;
	v10 =	vsub.f32 v21, v10;
	v12 =	vmul.f32 $6.400000000e+01, v12  }
0xe4: {  	s3 =	sor.u32 $0x1B0, s26;
	v5 =	vsub.f32 v5, v61;
	v13 =	vsub.f32 v19, v13;
	v6 =	vmul.f32 $6.400000000e+01, v6;
	[tilespmem:v1+s24+$0xFFFFFBF0 ss:$0x1] =	vst.idx.msk $0xffff, v8  }
0xe5: {  	v7 =	vsub.f32 v15, v11;
	v11 =	vld [tilespmem:s3+$0x0];
	v15 =	vmul.f32 $6.400000000e+01, v10;
	[tilespmem:v1+s24+$0xFFFFFBD0 ss:$0x1] =	vst.idx.msk $0xffff, v12;
	v9 =	vsub.f32 v60, v9  }
0xe6: {  	v8 =	vmul.f32 $6.400000000e+01, v13;
	v13 =	vsel vm15, $0x3ECCCCCD, v0;
	v12 =	vsel vm0, $0x3ECCCCCD, v0;
	[tilespmem:v1+s24+$0xFFFFFC00 ss:$0x1] =	vst.idx.msk $0xffff, v6  }
0xe7: {  	v13 =	vsub.f32 v4, v13;
	v6 =	vsub.f32 v25, v12;
	v4 =	vld.idx.msk [tilespmem:v1+s1+$0x5E0 ss:$0x1], $0xffff;
	v9 =	vmul.f32 $6.400000000e+01, v9  }
0xe8: {  	v10 =	vsub.f32 v62, v14;
	v14 =	vmul.f32 $6.400000000e+01, v5;
	[tilespmem:v1+s24+$0xFFFFFB90 ss:$0x1] =	vst.idx.msk $0xffff, v15;
	v12 =	vsel vm14, $0x3ECCCCCD, v0  }
0xe9: {  	s7 =	simm.s32 $0x0;
	s9 =	sadd.s32 $0x800, s12;
	v5 =	vmul.f32 $6.400000000e+01, v13;
	v13 =	vmul.f32 $6.400000000e+01, v6;
	[tilespmem:s18+$0xC000] =	vst v9;
	v9 =	vsub.f32 v63, v12  }
0xea: {  	s19 =	sadd.s32 $0x800, s24;
	s5 =	sadd.s32 $0x800, s1;
	[tilespmem:v1+s24+$0x0 ss:$0x1] =	vst.idx.msk $0xffff, v14;
	v6 =	vmul.f32 $6.400000000e+01, v16;
	v12 =	vsub.f32 v11, v23;
	v11 =	vsub.f32 v22, v24;
	s18 =	smov.u32 s24  }
.LBB2_9:
0xeb: {  	s13 =	sadd.s32 s7, s8;
	s10 =	sadd.s32 $0x480, s9  }
0xec: {  	v14 =	vld.idx.msk [tilespmem:v1+s5+$0x190 ss:$0x1], $0xffff;
	s14 =	sadd.s32 $0x500, s9;
	v10 =	vmul.f32 $6.400000000e+01, v10;
	v7 =	vmul.f32 $6.400000000e+01, v7;
	[tilespmem:v1+s18+$0xFFFFFFE0 ss:$0x1] =	vst.idx.msk $0xffff, v13;
	v3 =	vsub.f32 v4, v3;
	s15 =	sadd.s32 $0x19, s13;
	s21 =	sadd.s32 $0x1A, s13  }
0xed: {  	v13 =	vld.idx.msk [tilespmem:v1+s5+$0x5F0 ss:$0x1], $0xffff;
	s23 =	sadd.s32 $0x1F, s13;
	[tilespmem:s2+$0xC000] =	vst v8;
	v8 =	vmul.f32 $6.400000000e+01, v12;
	v11 =	vmul.f32 $6.400000000e+01, v11;
	s26 =	sadd.s32 $0x10, s13;
	s10 =	sor.u32 $0x190, s10;
	vm3 =	veq.s32 v2, s15  }
0xee: {  	s2 =	sor.u32 $0x1A0, s14;
	s14 =	sadd.s32 $0x1D, s13;
	vm2 =	veq.s32 v2, s21;
	v4 =	vld.idx.msk [tilespmem:v1+s5+$0x5E0 ss:$0x1], $0xffff;
	s15 =	sadd.s32 $0x1E, s13;
	[tilespmem:v1+s18+$0xFFFFFBB0 ss:$0x1] =	vst.idx.msk $0xffff, v10;
	v10 =	vmul.f32 $6.400000000e+01, v3;
	vm1 =	veq.s32 v2, s23  }
0xef: {  	v9 =	vmul.f32 $6.400000000e+01, v9;
	s21 =	sadd.s32 $0x15, s13;
	vm0 =	veq.s32 v2, s14;
	s14 =	sadd.s32 $0x14, s13;
	v12 =	vld.idx.msk [tilespmem:v1+s5+$0x1F0 ss:$0x1], $0xffff;
	vm4 =	veq.s32 v2, s15;
	[tilespmem:s3+$0xC000] =	vst v8  }
0xf0: {  	s3 =	sadd.s32 $0x12, s13;
	vm5 =	veq.s32 v2, s21;
	s15 =	sadd.s32 $0x18, s13;
	s21 =	sadd.s32 $0x580, s9;
	v8 =	vld.idx.msk [tilespmem:v1+s5+$0x1E0 ss:$0x1], $0xffff;
	v3 =	vsel vm4, $0x3ECCCCCD, v0;
	[tilespmem:v1+s18+$0xFFFFFBE0 ss:$0x1] =	vst.idx.msk $0xffff, v7  }
0xf1: {  	v15 =	vsel vm3, $0x3ECCCCCD, v0;
	vm4 =	veq.s32 v2, s26;
	vm6 =	veq.s32 v2, s3;
	s3 =	sor.u32 $0x1B0, s21;
	s21 =	sadd.s32 $0x1C, s13;
	v7 =	vld.idx.msk [tilespmem:v1+s5+$0x1B0 ss:$0x1], $0xffff;
	[tilespmem:v1+s18+$0xFFFFFFF0 ss:$0x1] =	vst.idx.msk $0xffff, v10  }
0xf2: {  	s7 =	sadd.s32 $0x10, s7;
	s23 =	sadd.s32 $0x13, s13;
	v18 =	vsel vm2, $0x3ECCCCCD, v0;
	v17 =	vsel vm5, $0x3ECCCCCD, v0;
	s26 =	sadd.s32 $0x17, s13;
	v10 =	vsel vm4, $0x3ECCCCCD, v0;
	v16 =	vld.idx.msk [tilespmem:v1+s5+$0x1C0 ss:$0x1], $0xffff;
	[tilespmem:v1+s18+$0xFFFFFBC0 ss:$0x1] =	vst.idx.msk $0xffff, v6  }
0xf3: {  	p0 =	slt.u32 s7, $0x70;
	vm2 =	veq.s32 v2, s23;
	s23 =	sadd.s32 $0x16, s13;
	vm3 =	veq.s32 v2, s26;
	v6 =	vsel vm6, $0x3ECCCCCD, v0;
	v19 =	vld.idx.msk [tilespmem:v1+s5+$0x1D0 ss:$0x1], $0xffff;
	[tilespmem:v1+s18+$0xFFFFFBA0 ss:$0x1] =	vst.idx.msk $0xffff, v5  }
0xf4: {  	v20 =	vsel vm2, $0x3ECCCCCD, v0;
	vm2 =	veq.s32 v2, s14;
	s14 =	sadd.s32 $0x1B, s13;
	vm4 =	veq.s32 v2, s23;
	v5 =	vld.idx.msk [tilespmem:v1+s5+$0x180 ss:$0x1], $0xffff;
	[tilespmem:v1+s18+$0xFFFFFFD0 ss:$0x1] =	vst.idx.msk $0xffff, v11  }
0xf5: {  	v21 =	vsel vm3, $0x3ECCCCCD, v0;
	v11 =	vsel vm2, $0x3ECCCCCD, v0;
	vm2 =	veq.s32 v2, s14;
	v22 =	vld [tilespmem:s2+$0x0];
	[tilespmem:v1+s18+$0xFFFFFF90 ss:$0x1] =	vst.idx.msk $0xffff, v9;
	s18 =	smov.u32 s19  }
0xf6: {  	v12 =	vsub.f32 v12, v21;
	v9 =	vsel vm4, $0x3ECCCCCD, v0;
	v21 =	vld [tilespmem:s10+$0x0]  }
0xf7: {  	vm3 =	veq.s32 v2, s21;
	v8 =	vsub.f32 v8, v9;
	v9 =	vsel vm1, $0x3ECCCCCD, v0;
	v23 =	vld.idx.msk [tilespmem:v1+s5+$0x5C0 ss:$0x1], $0xffff  }
0xf8: {  	v25 =	vsel vm3, $0x3ECCCCCD, v0;
	v24 =	vsel vm2, $0x3ECCCCCD, v0;
	vm1 =	veq.s32 v2, s15;
	v26 =	vld.idx.msk [tilespmem:v1+s5+$0x5D0 ss:$0x1], $0xffff  }
0xf9: {  	v12 =	vmul.f32 $6.400000000e+01, v12;
	v11 =	vsub.f32 v16, v11;
	v9 =	vsub.f32 v13, v9;
	v27 =	vld.idx.msk [tilespmem:v1+s5+$0x1A0 ss:$0x1], $0xffff  }
0xfa: {  	v16 =	vsub.f32 v7, v20;
	v8 =	vmul.f32 $6.400000000e+01, v8;
	v13 =	vld.idx.msk [tilespmem:v1+s5+$0x580 ss:$0x1], $0xffff;
	v18 =	vsub.f32 v22, v18  }
0xfb: {  	s13 =	sadd.s32 $0x11, s13;
	v7 =	vsub.f32 v19, v17;
	v11 =	vmul.f32 $6.400000000e+01, v11;
	v15 =	vsub.f32 v21, v15  }
0xfc: {  	vm2 =	veq.s32 v2, s13;
	v5 =	vsub.f32 v5, v10;
	[tilespmem:v1+s19+$0xFFFFFBF0 ss:$0x1] =	vst.idx.msk $0xffff, v8;
	v8 =	vmul.f32 $6.400000000e+01, v18;
	v17 =	vld [tilespmem:s3+$0x0]  }
.Ltmp3:
0xfd: {  	v10 =	vsel vm2, $0x3ECCCCCD, v0;
	[tilespmem:v1+s19+$0xFFFFFBD0 ss:$0x1] =	vst.idx.msk $0xffff, v11;
	v11 =	vmul.f32 $6.400000000e+01, v15;
	v15 =	vsel vm0, $0x3ECCCCCD, v0;
	(pc) =	sbr.rel @p0 .LBB2_9-.Ltmp3, $4  }
0xfe: {  	v14 =	vsub.f32 v14, v10;
	v5 =	vmul.f32 $6.400000000e+01, v5;
	[tilespmem:v1+s19+$0xFFFFFC00 ss:$0x1] =	vst.idx.msk $0xffff, v12;
	v12 =	vsub.f32 v26, v15  }
0xff: {  	v10 =	vsub.f32 v27, v6;
	v6 =	vsel vm1, $0x3ECCCCCD, v0;
	v15 =	vmul.f32 $6.400000000e+01, v9;
	[tilespmem:s10+$0xC000] =	vst v11  }
0x100: {  	v9 =	vsub.f32 v13, v6;
	[tilespmem:v1+s19+$0xFFFFFB90 ss:$0x1] =	vst.idx.msk $0xffff, v5;
	v5 =	vmul.f32 $6.400000000e+01, v14;
	v13 =	vmul.f32 $6.400000000e+01, v12  }
0x101: {  	s9 =	sadd.s32 $0x800, s9;
	s5 =	sadd.s32 $0x800, s5;
	v6 =	vmul.f32 $6.400000000e+01, v16;
	v11 =	vsub.f32 v23, v25;
	s19 =	sadd.s32 $0x800, s19;
	v12 =	vsub.f32 v17, v24;
	[tilespmem:v1+s18+$0x0 ss:$0x1] =	vst.idx.msk $0xffff, v15  }
0x102: {  	_ =	sdelay $0x2  }
0x103: {  	[dreg:$0xc] =	wrdreg s0  }
0x104: {  	[tilespmem:v1+s18+$0xFFFFFFE0 ss:$0x1] =	vst.idx.msk $0xffff, v13  }
0x105: {  	[tilespmem:s2+$0xC000] =	vst v8  }
0x106: {  	v2 =	vmul.f32 $6.400000000e+01, v10;
	[tilespmem:v1+s18+$0xFFFFFBC0 ss:$0x1] =	vst.idx.msk $0xffff, v6  }
0x107: {  	v3 =	vsub.f32 v4, v3;
	v7 =	vmul.f32 $6.400000000e+01, v7;
	[tilespmem:v1+s18+$0xFFFFFBA0 ss:$0x1] =	vst.idx.msk $0xffff, v5  }
0x108: {  	v4 =	vmul.f32 $6.400000000e+01, v12;
	[tilespmem:v1+s18+$0xFFFFFBB0 ss:$0x1] =	vst.idx.msk $0xffff, v2  }
0x109: {  	v2 =	vmul.f32 $6.400000000e+01, v3;
	[tilespmem:v1+s18+$0xFFFFFBE0 ss:$0x1] =	vst.idx.msk $0xffff, v7  }
0x10a: {  	v3 =	vmul.f32 $6.400000000e+01, v9;
	[tilespmem:s3+$0xC000] =	vst v4  }
0x10b: {  	[tilespmem:v1+s18+$0xFFFFFFF0 ss:$0x1] =	vst.idx.msk $0xffff, v2;
	v2 =	vmul.f32 $6.400000000e+01, v11  }
0x10c: {  	[tilespmem:v1+s18+$0xFFFFFF90 ss:$0x1] =	vst.idx.msk $0xffff, v3  }
0x10d: {  	[tilespmem:v1+s18+$0xFFFFFFD0 ss:$0x1] =	vst.idx.msk $0xffff, v2  }
0x10e: {  	v2 =	vld [tilespmem:s6+$0x18200];
	_ =	sdelay $0x2  }
0x10f: {  	s3 =	sadd.s32 $0xFFFFFFF0, s8  }
0x110: {  	s23 =	sadd.s32 $0x12, s3;
	s5 =	sadd.s32 $0x1D, s3  }
0x111: {  	s7 =	sadd.s32 $0x15, s3;
	s9 =	sadd.s32 $0x19, s3;
	s26 =	sadd.s32 $0x11, s3;
	v3 =	vld.idx.msk [tilespmem:v1+s1+$0x210 ss:$0x1], $0xffff;
	vm0 =	veq.s32 v2, s23;
	vm2 =	veq.s32 v2, s5  }
0x112: {  	s10 =	sadd.s32 $0x1A, s3;
	s13 =	sadd.s32 $0x10, s3;
	s14 =	sadd.s32 $0x18, s3;
	v5 =	vld.idx.msk [tilespmem:v1+s1+$0x650 ss:$0x1], $0xffff;
	vm3 =	veq.s32 v2, s7;
	vm4 =	veq.s32 v2, s9;
	vm5 =	veq.s32 v2, s26  }
0x113: {  	s15 =	sadd.s32 $0x14, s3;
	s19 =	sadd.s32 $0x1E, s3;
	s18 =	sadd.s32 $0x16, s3;
	v10 =	vld.idx.msk [tilespmem:v1+s1+$0x670 ss:$0x1], $0xffff;
	vm1 =	veq.s32 v2, s10;
	vm14 =	veq.s32 v2, s14;
	vm15 =	veq.s32 v2, s13  }
0x114: {  	s21 =	sadd.s32 $0x1C, s3;
	s0 =	rddreg [dreg:$0x15];
	v9 =	vld.idx.msk [tilespmem:v1+s1+$0x620 ss:$0x1], $0xffff;
	vm9 =	veq.s32 v2, s18;
	vm10 =	veq.s32 v2, s19;
	vm11 =	veq.s32 v2, s15  }
0x115: {  	v12 =	vld.idx.msk [tilespmem:v1+s1+$0x230 ss:$0x1], $0xffff;
	s2 =	sor.u32 $0x240, s0;
	vm6 =	veq.s32 v2, s21;
	v8 =	vsel vm2, $0x3ECCCCCD, v0;
	v4 =	vsel vm5, $0x3ECCCCCD, v0  }
0x116: {  	v6 =	vld [tilespmem:s2+$0x0];
	s10 =	sadd.s32 $0x17, s3;
	s23 =	sadd.s32 $0x1B, s3;
	v7 =	vsel vm4, $0x3ECCCCCD, v0;
	v14 =	vsel vm9, $0x3ECCCCCD, v0;
	v15 =	vsel vm14, $0x3ECCCCCD, v0  }
0x117: {  	v13 =	vld.idx.msk [tilespmem:v1+s1+$0x200 ss:$0x1], $0xffff;
	s26 =	sadd.s32 $0x13, s3;
	vm12 =	veq.s32 v2, s10;
	vm13 =	veq.s32 v2, s23;
	v17 =	vsel vm15, $0x3ECCCCCD, v0  }
0x118: {  	v16 =	vld.idx.msk [tilespmem:v1+s1+$0x260 ss:$0x1], $0xffff;
	s3 =	sadd.s32 $0x1F, s3;
	vm14 =	veq.s32 v2, s26;
	v19 =	vsel vm10, $0x3ECCCCCD, v0;
	v20 =	vsel vm1, $0x3ECCCCCD, v0  }
0x119: {  	v18 =	vld.idx.msk [tilespmem:v1+s1+$0x610 ss:$0x1], $0xffff;
	v61 =	vsel vm6, $0x3ECCCCCD, v0;
	vm15 =	veq.s32 v2, s3;
	v11 =	vsub.f32 v3, v4  }
0x11a: {  	v24 =	vld.idx.msk [tilespmem:v1+s1+$0x630 ss:$0x1], $0xffff;
	v4 =	vsel vm0, $0x3ECCCCCD, v0;
	v21 =	vsel vm14, $0x3ECCCCCD, v0;
	v9 =	vsub.f32 v9, v20  }
0x11b: {  	v22 =	vld.idx.msk [tilespmem:v1+s1+$0x240 ss:$0x1], $0xffff;
	v23 =	vsel vm13, $0x3ECCCCCD, v0;
	v6 =	vsub.f32 v6, v61;
	v26 =	vsel vm15, $0x3ECCCCCD, v0  }
0x11c: {  	v62 =	vld.idx.msk [tilespmem:v1+s1+$0x600 ss:$0x1], $0xffff;
	v13 =	vsub.f32 v13, v17;
	v17 =	vsel vm11, $0x3ECCCCCD, v0;
	v8 =	vsub.f32 v5, v8  }
0x11d: {  	v27 =	vld.idx.msk [tilespmem:v1+s1+$0x270 ss:$0x1], $0xffff;
	v12 =	vsub.f32 v12, v21;
	v10 =	vsub.f32 v10, v26;
	v11 =	vmul.f32 $6.400000000e+01, v11  }
0x11e: {  	v28 =	vld.idx.msk [tilespmem:v1+s1+$0x660 ss:$0x1], $0xffff;
	v25 =	vmul.f32 $6.400000000e+01, v9;
	v6 =	vmul.f32 $6.400000000e+01, v6;
	v9 =	vsub.f32 v18, v7  }
0x11f: {  	v18 =	vmul.f32 $6.400000000e+01, v12;
	v12 =	vsub.f32 v16, v14;
	v14 =	vsub.f32 v24, v23  }
0x120: {  	v3 =	vsel vm3, $0x3ECCCCCD, v0;
	v17 =	vsub.f32 v22, v17;
	v7 =	vmul.f32 $6.400000000e+01, v13;
	[tilespmem:v1+s25+$0xFFFFFBA0 ss:$0x1] =	vst.idx.msk $0xffff, v11;
	v11 =	vld.idx.msk [tilespmem:v1+s1+$0x220 ss:$0x1], $0xffff  }
0x121: {  	v16 =	vsub.f32 v62, v15;
	[tilespmem:s2+$0xC000] =	vst v6;
	v6 =	vmul.f32 $6.400000000e+01, v14;
	v14 =	vmul.f32 $6.400000000e+01, v10;
	v10 =	vld.idx.msk [tilespmem:v1+s1+$0x250 ss:$0x1], $0xffff  }
0x122: {  	s5 =	sadd.s32 $0x800, s25;
	s7 =	sadd.s32 $0x800, s1;
	v63 =	vsel vm12, $0x3ECCCCCD, v0;
	v8 =	vmul.f32 $6.400000000e+01, v8;
	v13 =	vmul.f32 $6.400000000e+01, v17;
	[tilespmem:v1+s25+$0xFFFFFFB0 ss:$0x1] =	vst.idx.msk $0xffff, v25  }
0x123: {  	s9 =	sadd.s32 $0x800, s0;
	s3 =	simm.s32 $0x0;
	v15 =	vsub.f32 v27, v63;
	s2 =	smov.u32 s25;
	[tilespmem:v1+s25+$0xFFFFFBC0 ss:$0x1] =	vst.idx.msk $0xffff, v18;
	v5 =	vmul.f32 $6.400000000e+01, v16;
	v16 =	vsub.f32 v28, v19  }
.LBB2_11:
0x124: {  	s10 =	sadd.s32 s3, s8  }
0x125: {  	v17 =	vld.idx.msk [tilespmem:v1+s7+$0x210 ss:$0x1], $0xffff;
	s15 =	sor.u32 $0x240, s9;
	s3 =	sadd.s32 $0x10, s3;
	v4 =	vsub.f32 v11, v4;
	[tilespmem:v1+s2+$0xFFFFFBD0 ss:$0x1] =	vst.idx.msk $0xffff, v13;
	v11 =	vmul.f32 $6.400000000e+01, v12;
	v12 =	vmul.f32 $6.400000000e+01, v15;
	s13 =	sadd.s32 $0x10, s10  }
0x126: {  	v3 =	vsub.f32 v10, v3;
	v9 =	vmul.f32 $6.400000000e+01, v9;
	s14 =	sadd.s32 $0x12, s10;
	s18 =	sadd.s32 $0x1D, s10;
	v18 =	vld.idx.msk [tilespmem:v1+s7+$0x660 ss:$0x1], $0xffff;
	v10 =	vmul.f32 $6.400000000e+01, v16;
	[tilespmem:v1+s2+$0x0 ss:$0x1] =	vst.idx.msk $0xffff, v14;
	s19 =	sadd.s32 $0x19, s10  }
0x127: {  	s21 =	sadd.s32 $0x1C, s10;
	s23 =	sadd.s32 $0x16, s10;
	vm0 =	veq.s32 v2, s14;
	s14 =	sadd.s32 $0x15, s10;
	v14 =	vld.idx.msk [tilespmem:v1+s7+$0x650 ss:$0x1], $0xffff;
	vm2 =	veq.s32 v2, s18;
	v13 =	vmul.f32 $6.400000000e+01, v4;
	[tilespmem:v1+s2+$0xFFFFFBF0 ss:$0x1] =	vst.idx.msk $0xffff, v11  }
0x128: {  	s18 =	sadd.s32 $0x11, s10;
	vm4 =	veq.s32 v2, s19;
	s19 =	sadd.s32 $0x1A, s10;
	v15 =	vmul.f32 $6.400000000e+01, v3;
	vm3 =	veq.s32 v2, s14;
	s14 =	sadd.s32 $0x18, s10;
	v11 =	vld [tilespmem:s15+$0x0];
	[tilespmem:v1+s2+$0xFFFFFC00 ss:$0x1] =	vst.idx.msk $0xffff, v12  }
0x129: {  	s26 =	sadd.s32 $0x17, s10;
	vm5 =	veq.s32 v2, s18;
	s18 =	sadd.s32 $0x14, s10;
	vm1 =	veq.s32 v2, s19;
	v16 =	vsel vm2, $0x3ECCCCCD, v0;
	v19 =	vld.idx.msk [tilespmem:v1+s7+$0x670 ss:$0x1], $0xffff  }
0x12a: {  	p0 =	slt.u32 s3, $0x70;
	v12 =	vsel vm4, $0x3ECCCCCD, v0;
	v3 =	vsel vm5, $0x3ECCCCCD, v0;
	vm2 =	veq.s32 v2, s14;
	s14 =	sadd.s32 $0x1E, s10;
	v20 =	vld.idx.msk [tilespmem:v1+s7+$0x620 ss:$0x1], $0xffff;
	[tilespmem:v1+s2+$0xFFFFFFA0 ss:$0x1] =	vst.idx.msk $0xffff, v9  }
0x12b: {  	vm4 =	veq.s32 v2, s13;
	v4 =	vsel vm0, $0x3ECCCCCD, v0;
	v9 =	vsub.f32 v17, v3;
	v17 =	vld.idx.msk [tilespmem:v1+s7+$0x230 ss:$0x1], $0xffff;
	[tilespmem:v1+s2+$0xFFFFFFF0 ss:$0x1] =	vst.idx.msk $0xffff, v10  }
0x12c: {  	v3 =	vsel vm3, $0x3ECCCCCD, v0;
	vm3 =	veq.s32 v2, s23;
	vm5 =	veq.s32 v2, s14;
	v10 =	vld.idx.msk [tilespmem:v1+s7+$0x200 ss:$0x1], $0xffff;
	[tilespmem:v1+s2+$0xFFFFFB90 ss:$0x1] =	vst.idx.msk $0xffff, v7  }
0x12d: {  	s13 =	sadd.s32 $0x1B, s10;
	vm0 =	veq.s32 v2, s18;
	v22 =	vsel vm2, $0x3ECCCCCD, v0;
	v21 =	vsel vm3, $0x3ECCCCCD, v0;
	v7 =	vld.idx.msk [tilespmem:v1+s7+$0x260 ss:$0x1], $0xffff;
	[tilespmem:v1+s2+$0xFFFFFBB0 ss:$0x1] =	vst.idx.msk $0xffff, v13  }
0x12e: {  	vm6 =	veq.s32 v2, s21;
	s14 =	sadd.s32 $0x13, s10;
	vm2 =	veq.s32 v2, s26;
	vm3 =	veq.s32 v2, s13;
	[tilespmem:v1+s2+$0xFFFFFBE0 ss:$0x1] =	vst.idx.msk $0xffff, v15  }
0x12f: {  	v23 =	vsel vm5, $0x3ECCCCCD, v0;
	v13 =	vsel vm4, $0x3ECCCCCD, v0;
	vm4 =	veq.s32 v2, s14;
	v15 =	vld.idx.msk [tilespmem:v1+s7+$0x610 ss:$0x1], $0xffff;
	[tilespmem:v1+s2+$0xFFFFFFC0 ss:$0x1] =	vst.idx.msk $0xffff, v6  }
0x130: {  	v25 =	vsel vm1, $0x3ECCCCCD, v0;
	v26 =	vsel vm3, $0x3ECCCCCD, v0;
	v6 =	vsel vm4, $0x3ECCCCCD, v0;
	v24 =	vld.idx.msk [tilespmem:v1+s7+$0x240 ss:$0x1], $0xffff;
	[tilespmem:v1+s2+$0xFFFFFFE0 ss:$0x1] =	vst.idx.msk $0xffff, v8  }
0x131: {  	s10 =	sadd.s32 $0x1F, s10;
	v8 =	vsub.f32 v20, v25;
	v25 =	vsel vm6, $0x3ECCCCCD, v0;
	v20 =	vld.idx.msk [tilespmem:v1+s7+$0x630 ss:$0x1], $0xffff;
	[tilespmem:v1+s2+$0xFFFFFF90 ss:$0x1] =	vst.idx.msk $0xffff, v5;
	s2 =	smov.u32 s5  }
0x132: {  	vm1 =	veq.s32 v2, s10;
	v5 =	vmul.f32 $6.400000000e+01, v9;
	v9 =	vsub.f32 v11, v25;
	v27 =	vld.idx.msk [tilespmem:v1+s7+$0x600 ss:$0x1], $0xffff  }
0x133: {  	v28 =	vsel vm1, $0x3ECCCCCD, v0;
	v8 =	vmul.f32 $6.400000000e+01, v8;
	v25 =	vld.idx.msk [tilespmem:v1+s7+$0x270 ss:$0x1], $0xffff  }
0x134: {  	[tilespmem:v1+s5+$0xFFFFFBA0 ss:$0x1] =	vst.idx.msk $0xffff, v5;
	v5 =	vsub.f32 v17, v6;
	v6 =	vsel vm2, $0x3ECCCCCD, v0;
	v17 =	vmul.f32 $6.400000000e+01, v9  }
0x135: {  	v13 =	vsub.f32 v10, v13;
	v10 =	vsel vm0, $0x3ECCCCCD, v0;
	v9 =	vsub.f32 v15, v12;
	v11 =	vld.idx.msk [tilespmem:v1+s7+$0x220 ss:$0x1], $0xffff  }
.Ltmp4:
0x136: {  	v12 =	vsub.f32 v7, v21;
	v15 =	vsub.f32 v24, v10;
	v5 =	vmul.f32 $6.400000000e+01, v5;
	v10 =	vld.idx.msk [tilespmem:v1+s7+$0x250 ss:$0x1], $0xffff;
	[tilespmem:s15+$0xC000] =	vst v17;
	(pc) =	sbr.rel @p0 .LBB2_11-.Ltmp4, $4  }
0x137: {  	v19 =	vsub.f32 v19, v28;
	v7 =	vmul.f32 $6.400000000e+01, v13;
	v17 =	vsub.f32 v20, v26  }
0x138: {  	v16 =	vsub.f32 v14, v16;
	v13 =	vmul.f32 $6.400000000e+01, v15;
	v20 =	vsub.f32 v27, v22  }
0x139: {  	v14 =	vmul.f32 $6.400000000e+01, v19;
	v15 =	vsub.f32 v25, v6;
	v6 =	vmul.f32 $6.400000000e+01, v17;
	[tilespmem:v1+s5+$0xFFFFFBC0 ss:$0x1] =	vst.idx.msk $0xffff, v5  }
0x13a: {  	s9 =	sadd.s32 $0x800, s9;
	s7 =	sadd.s32 $0x800, s7;
	v5 =	vmul.f32 $6.400000000e+01, v20;
	s5 =	sadd.s32 $0x800, s5;
	[tilespmem:v1+s2+$0xFFFFFFB0 ss:$0x1] =	vst.idx.msk $0xffff, v8;
	v8 =	vmul.f32 $6.400000000e+01, v16;
	v16 =	vsub.f32 v18, v23  }
0x13b: {  	_ =	sdelay $0x3  }
0x13c: {  	[tilespmem:v1+s2+$0xFFFFFBD0 ss:$0x1] =	vst.idx.msk $0xffff, v13  }
0x13d: {  	[tilespmem:v1+s2+$0x0 ss:$0x1] =	vst.idx.msk $0xffff, v14  }
0x13e: {  	[tilespmem:v1+s2+$0xFFFFFB90 ss:$0x1] =	vst.idx.msk $0xffff, v7  }
0x13f: {  	[tilespmem:v1+s2+$0xFFFFFFC0 ss:$0x1] =	vst.idx.msk $0xffff, v6  }
0x140: {  	v2 =	vmul.f32 $6.400000000e+01, v12;
	[tilespmem:v1+s2+$0xFFFFFFE0 ss:$0x1] =	vst.idx.msk $0xffff, v8  }
0x141: {  	v12 =	vmul.f32 $6.400000000e+01, v15;
	[tilespmem:v1+s2+$0xFFFFFF90 ss:$0x1] =	vst.idx.msk $0xffff, v5  }
0x142: {  	v9 =	vmul.f32 $6.400000000e+01, v9;
	v3 =	vsub.f32 v10, v3;
	[tilespmem:v1+s2+$0xFFFFFBF0 ss:$0x1] =	vst.idx.msk $0xffff, v2  }
0x143: {  	v2 =	vsub.f32 v11, v4;
	v4 =	vmul.f32 $6.400000000e+01, v16;
	[tilespmem:v1+s2+$0xFFFFFC00 ss:$0x1] =	vst.idx.msk $0xffff, v12  }
0x144: {  	[tilespmem:v1+s2+$0xFFFFFFA0 ss:$0x1] =	vst.idx.msk $0xffff, v9;
	v3 =	vmul.f32 $6.400000000e+01, v3  }
0x145: {  	v2 =	vmul.f32 $6.400000000e+01, v2;
	[tilespmem:v1+s2+$0xFFFFFFF0 ss:$0x1] =	vst.idx.msk $0xffff, v4  }
0x146: {  	[tilespmem:v1+s2+$0xFFFFFBE0 ss:$0x1] =	vst.idx.msk $0xffff, v3  }
0x147: {  	[tilespmem:v1+s2+$0xFFFFFBB0 ss:$0x1] =	vst.idx.msk $0xffff, v2  }
0x148: {  	v2 =	vld [tilespmem:s6+$0x18280];
	_ =	sdelay $0x2  }
0x149: {  	s3 =	sadd.s32 $0xFFFFFFF0, s8  }
0x14a: {  	s15 =	sadd.s32 $0x600, s12;
	s18 =	sadd.s32 $0x1C, s3;
	v3 =	vld.idx.msk [tilespmem:v1+s1+$0x290 ss:$0x1], $0xffff  }
0x14b: {  	s5 =	sadd.s32 $0x1F, s3;
	s7 =	sadd.s32 $0x13, s3;
	s19 =	sadd.s32 $0x11, s3;
	v4 =	vld.idx.msk [tilespmem:v1+s1+$0x6F0 ss:$0x1], $0xffff;
	vm1 =	veq.s32 v2, s18  }
0x14c: {  	s21 =	sadd.s32 $0x15, s3;
	s23 =	sadd.s32 $0x16, s3;
	s26 =	sadd.s32 $0x17, s3;
	v5 =	vld.idx.msk [tilespmem:v1+s1+$0x2D0 ss:$0x1], $0xffff;
	vm0 =	veq.s32 v2, s7;
	vm3 =	veq.s32 v2, s5;
	vm4 =	veq.s32 v2, s19  }
0x14d: {  	s14 =	sadd.s32 $0x12, s3;
	s9 =	sadd.s32 $0x10, s3;
	s10 =	sadd.s32 $0x1A, s3;
	v6 =	vld.idx.msk [tilespmem:v1+s1+$0x2B0 ss:$0x1], $0xffff;
	vm2 =	veq.s32 v2, s21;
	vm8 =	veq.s32 v2, s23;
	vm9 =	veq.s32 v2, s26  }
0x14e: {  	s0 =	sor.u32 $0x290, s17;
	s17 =	sor.u32 $0x2C0, s15;
	s13 =	sadd.s32 $0x1D, s3;
	v9 =	vld.idx.msk [tilespmem:v1+s1+$0x2A0 ss:$0x1], $0xffff;
	vm10 =	veq.s32 v2, s14;
	vm11 =	veq.s32 v2, s9;
	vm12 =	veq.s32 v2, s10  }
0x14f: {  	v14 =	vld [tilespmem:s17+$0x0];
	vm6 =	veq.s32 v2, s13;
	v7 =	vsel vm0, $0x3ECCCCCD, v0;
	v8 =	vsel vm4, $0x3ECCCCCD, v0  }
0x150: {  	v12 =	vld [tilespmem:s0+$0x0];
	s18 =	sadd.s32 $0x19, s3;
	s19 =	sadd.s32 $0x14, s3;
	v10 =	vsel vm1, $0x3ECCCCCD, v0;
	v11 =	vsel vm8, $0x3ECCCCCD, v0;
	v13 =	vsel vm10, $0x3ECCCCCD, v0  }
0x151: {  	v15 =	vld.idx.msk [tilespmem:v1+s1+$0x280 ss:$0x1], $0xffff;
	s21 =	sadd.s32 $0x18, s3;
	vm5 =	veq.s32 v2, s18;
	v61 =	vsel vm3, $0x3ECCCCCD, v0;
	vm13 =	veq.s32 v2, s19  }
0x152: {  	v17 =	vld.idx.msk [tilespmem:v1+s1+$0x2C0 ss:$0x1], $0xffff;
	s23 =	sadd.s32 $0x680, s12;
	s26 =	sadd.s32 $0x1E, s3;
	v18 =	vsel vm11, $0x3ECCCCCD, v0;
	v21 =	vsel vm2, $0x3ECCCCCD, v0;
	vm14 =	veq.s32 v2, s21  }
0x153: {  	s2 =	sor.u32 $0x2D0, s23;
	vm15 =	veq.s32 v2, s26;
	v8 =	vsub.f32 v3, v8;
	v3 =	vsub.f32 v6, v7;
	v6 =	vld.idx.msk [tilespmem:v1+s1+$0x2E0 ss:$0x1], $0xffff  }
0x154: {  	v9 =	vsub.f32 v9, v13;
	v13 =	vsel vm5, $0x3ECCCCCD, v0;
	v10 =	vsub.f32 v14, v10;
	v14 =	vld [tilespmem:s2+$0x0]  }
0x155: {  	v19 =	vld.idx.msk [tilespmem:v1+s1+$0x680 ss:$0x1], $0xffff;
	v7 =	vsel vm6, $0x3ECCCCCD, v0;
	v12 =	vsub.f32 v12, v13;
	v8 =	vmul.f32 $6.400000000e+01, v8  }
0x156: {  	v62 =	vld.idx.msk [tilespmem:v1+s1+$0x6E0 ss:$0x1], $0xffff;
	v4 =	vsub.f32 v4, v61;
	v63 =	vsub.f32 v5, v21;
	v9 =	vmul.f32 $6.400000000e+01, v9  }
0x157: {  	v20 =	vsel vm13, $0x3ECCCCCD, v0;
	v13 =	vsub.f32 v15, v18;
	v15 =	vld.idx.msk [tilespmem:v1+s1+$0x6A0 ss:$0x1], $0xffff;
	v12 =	vmul.f32 $6.400000000e+01, v12;
	[tilespmem:v1+s28+$0xFFFFFBA0 ss:$0x1] =	vst.idx.msk $0xffff, v8  }
0x158: {  	v10 =	vmul.f32 $6.400000000e+01, v10;
	v8 =	vsub.f32 v17, v20;
	[tilespmem:v1+s28+$0xFFFFFBB0 ss:$0x1] =	vst.idx.msk $0xffff, v9;
	v9 =	vsub.f32 v6, v11  }
0x159: {  	v6 =	vsel vm14, $0x3ECCCCCD, v0;
	v11 =	vmul.f32 $6.400000000e+01, v4;
	[tilespmem:s0+$0xC000] =	vst v12;
	v12 =	vsub.f32 v14, v7  }
0x15a: {  	[tilespmem:s17+$0xC000] =	vst v10;
	v7 =	vmul.f32 $6.400000000e+01, v63;
	v17 =	vmul.f32 $6.400000000e+01, v8;
	v5 =	vsub.f32 v19, v6  }
0x15b: {  	s10 =	sadd.s32 $0x1B, s3;
	v10 =	vsel vm12, $0x3ECCCCCD, v0;
	v4 =	vld.idx.msk [tilespmem:v1+s1+$0x2F0 ss:$0x1], $0xffff;
	v6 =	vmul.f32 $6.400000000e+01, v13;
	v9 =	vmul.f32 $6.400000000e+01, v9;
	[tilespmem:v1+s28+$0x0 ss:$0x1] =	vst.idx.msk $0xffff, v11  }
0x15c: {  	s7 =	simm.s32 $0x0;
	s5 =	sadd.s32 $0x800, s1;
	v10 =	vsub.f32 v15, v10;
	v13 =	vsel vm15, $0x3ECCCCCD, v0;
	v8 =	vmul.f32 $6.400000000e+01, v5;
	v5 =	vld.idx.msk [tilespmem:v1+s1+$0x6B0 ss:$0x1], $0xffff;
	[tilespmem:v1+s28+$0xFFFFFBD0 ss:$0x1] =	vst.idx.msk $0xffff, v17  }
0x15d: {  	s9 =	sadd.s32 $0x800, s12;
	s3 =	smov.u32 s28;
	s17 =	sadd.s32 $0x800, s28;
	v11 =	vmul.f32 $6.400000000e+01, v12;
	v12 =	vsub.f32 v62, v13;
	[tilespmem:v1+s28+$0xFFFFFBF0 ss:$0x1] =	vst.idx.msk $0xffff, v9;
	v9 =	vsel vm9, $0x3ECCCCCD, v0  }
.LBB2_13:
0x15e: {  	s18 =	sadd.s32 s7, s8;
	v13 =	vld.idx.msk [tilespmem:v1+s5+$0x290 ss:$0x1], $0xffff;
	s13 =	sadd.s32 $0x480, s9;
	s14 =	sadd.s32 $0x600, s9;
	v3 =	vmul.f32 $6.400000000e+01, v3;
	[tilespmem:v1+s3+$0xFFFFFF90 ss:$0x1] =	vst.idx.msk $0xffff, v8;
	v8 =	vmul.f32 $6.400000000e+01, v10;
	vm0 =	veq.s32 v2, s10  }
0x15f: {  	s19 =	sor.u32 $0x2C0, s14;
	s10 =	sadd.s32 $0x1C, s18;
	s14 =	sadd.s32 $0x1F, s18;
	[tilespmem:v1+s3+$0xFFFFFB90 ss:$0x1] =	vst.idx.msk $0xffff, v6;
	v6 =	vsel vm0, $0x3ECCCCCD, v0  }
0x160: {  	s23 =	sadd.s32 $0x680, s9;
	s21 =	sadd.s32 $0x13, s18;
	v4 =	vsub.f32 v4, v9;
	v9 =	vmul.f32 $6.400000000e+01, v12;
	vm2 =	veq.s32 v2, s10;
	s10 =	sadd.s32 $0x1E, s18;
	v10 =	vld.idx.msk [tilespmem:v1+s5+$0x6F0 ss:$0x1], $0xffff;
	[tilespmem:s2+$0xC000] =	vst v11  }
0x161: {  	s13 =	sor.u32 $0x290, s13;
	s2 =	sadd.s32 $0x11, s18;
	vm0 =	veq.s32 v2, s21;
	s21 =	sadd.s32 $0x15, s18;
	vm3 =	veq.s32 v2, s14;
	v5 =	vsub.f32 v5, v6;
	v11 =	vld.idx.msk [tilespmem:v1+s5+$0x2D0 ss:$0x1], $0xffff;
	[tilespmem:v1+s3+$0xFFFFFBE0 ss:$0x1] =	vst.idx.msk $0xffff, v7  }
0x162: {  	s7 =	sadd.s32 $0x10, s7;
	s14 =	sadd.s32 $0x16, s18;
	vm4 =	veq.s32 v2, s2;
	v7 =	vsel vm0, $0x3ECCCCCD, v0;
	vm1 =	veq.s32 v2, s21;
	s2 =	sor.u32 $0x2D0, s23;
	v6 =	vld.idx.msk [tilespmem:v1+s5+$0x2B0 ss:$0x1], $0xffff;
	[tilespmem:v1+s3+$0xFFFFFBC0 ss:$0x1] =	vst.idx.msk $0xffff, v3  }
0x163: {  	s21 =	sadd.s32 $0x10, s18;
	s23 =	sadd.s32 $0x19, s18;
	v3 =	vsel vm4, $0x3ECCCCCD, v0;
	vm4 =	veq.s32 v2, s14;
	s14 =	sadd.s32 $0x17, s18;
	v5 =	vmul.f32 $6.400000000e+01, v5;
	v12 =	vld.idx.msk [tilespmem:v1+s5+$0x2A0 ss:$0x1], $0xffff  }
0x164: {  	s26 =	sadd.s32 $0x12, s18;
	v15 =	vsel vm2, $0x3ECCCCCD, v0;
	v13 =	vsub.f32 v13, v3;
	vm0 =	veq.s32 v2, s14;
	s14 =	sadd.s32 $0x1A, s18;
	v14 =	vld.idx.msk [tilespmem:v1+s5+$0x280 ss:$0x1], $0xffff;
	[tilespmem:v1+s3+$0xFFFFFFF0 ss:$0x1] =	vst.idx.msk $0xffff, v9  }
0x165: {  	s0 =	sadd.s32 $0x1D, s18;
	p0 =	slt.u32 s7, $0x70;
	vm2 =	veq.s32 v2, s26;
	s26 =	sadd.s32 $0x18, s18;
	v3 =	vmul.f32 $6.400000000e+01, v4;
	v9 =	vsel vm4, $0x3ECCCCCD, v0;
	v16 =	vld [tilespmem:s13+$0x0];
	[tilespmem:v1+s3+$0xFFFFFFB0 ss:$0x1] =	vst.idx.msk $0xffff, v8  }
0x166: {  	v4 =	vsel vm2, $0x3ECCCCCD, v0;
	vm4 =	veq.s32 v2, s21;
	vm2 =	veq.s32 v2, s14;
	v8 =	vld [tilespmem:s19+$0x0];
	[tilespmem:v1+s3+$0xFFFFFFC0 ss:$0x1] =	vst.idx.msk $0xffff, v5  }
0x167: {  	vm6 =	veq.s32 v2, s0;
	v17 =	vsel vm3, $0x3ECCCCCD, v0;
	vm5 =	veq.s32 v2, s23;
	s14 =	sadd.s32 $0x14, s18;
	v5 =	vld.idx.msk [tilespmem:v1+s5+$0x2C0 ss:$0x1], $0xffff;
	[tilespmem:v1+s3+$0xFFFFFC00 ss:$0x1] =	vst.idx.msk $0xffff, v3;
	s3 =	smov.u32 s17  }
0x168: {  	vm3 =	veq.s32 v2, s14;
	v3 =	vsub.f32 v6, v7;
	v7 =	vsel vm6, $0x3ECCCCCD, v0;
	v6 =	vld.idx.msk [tilespmem:v1+s5+$0x2E0 ss:$0x1], $0xffff  }
0x169: {  	v19 =	vsel vm5, $0x3ECCCCCD, v0;
	v18 =	vsel vm4, $0x3ECCCCCD, v0;
	v4 =	vsub.f32 v12, v4;
	v12 =	vld.idx.msk [tilespmem:v1+s5+$0x680 ss:$0x1], $0xffff  }
0x16a: {  	v21 =	vsel vm1, $0x3ECCCCCD, v0;
	vm1 =	veq.s32 v2, s26;
	v20 =	vsel vm3, $0x3ECCCCCD, v0  }
0x16b: {  	v13 =	vmul.f32 $6.400000000e+01, v13;
	v16 =	vsub.f32 v16, v19;
	v19 =	vld.idx.msk [tilespmem:v1+s5+$0x6A0 ss:$0x1], $0xffff;
	v8 =	vsub.f32 v8, v15  }
0x16c: {  	v10 =	vsub.f32 v10, v17;
	v14 =	vsub.f32 v14, v18;
	v4 =	vmul.f32 $6.400000000e+01, v4;
	v15 =	vld [tilespmem:s2+$0x0]  }
0x16d: {  	v5 =	vsub.f32 v5, v20;
	[tilespmem:v1+s17+$0xFFFFFBA0 ss:$0x1] =	vst.idx.msk $0xffff, v13;
	v13 =	vmul.f32 $6.400000000e+01, v16;
	v8 =	vmul.f32 $6.400000000e+01, v8;
	v16 =	vld.idx.msk [tilespmem:v1+s5+$0x6E0 ss:$0x1], $0xffff  }
0x16e: {  	[tilespmem:v1+s17+$0xFFFFFBB0 ss:$0x1] =	vst.idx.msk $0xffff, v4;
	v4 =	vsub.f32 v6, v9;
	v6 =	vsel vm1, $0x3ECCCCCD, v0;
	v9 =	vmul.f32 $6.400000000e+01, v10  }
.Ltmp5:
0x16f: {  	v11 =	vsub.f32 v11, v21;
	v10 =	vmul.f32 $6.400000000e+01, v5;
	v5 =	vsub.f32 v12, v6;
	[tilespmem:s19+$0xC000] =	vst v8;
	(pc) =	sbr.rel @p0 .LBB2_13-.Ltmp5, $4  }
0x170: {  	v6 =	vmul.f32 $6.400000000e+01, v14;
	v12 =	vmul.f32 $6.400000000e+01, v4;
	v4 =	vld.idx.msk [tilespmem:v1+s5+$0x2F0 ss:$0x1], $0xffff;
	[tilespmem:s13+$0xC000] =	vst v13;
	v13 =	vsel vm2, $0x3ECCCCCD, v0  }
0x171: {  	vm1 =	veq.s32 v2, s10;
	v8 =	vmul.f32 $6.400000000e+01, v5;
	v5 =	vld.idx.msk [tilespmem:v1+s5+$0x6B0 ss:$0x1], $0xffff;
	v14 =	vsub.f32 v15, v7;
	[tilespmem:v1+s17+$0x0 ss:$0x1] =	vst.idx.msk $0xffff, v9  }
0x172: {  	v7 =	vmul.f32 $6.400000000e+01, v11;
	s17 =	sadd.s32 $0x800, s17;
	[tilespmem:v1+s3+$0xFFFFFBD0 ss:$0x1] =	vst.idx.msk $0xffff, v10;
	v10 =	vsub.f32 v19, v13;
	v13 =	vsel vm1, $0x3ECCCCCD, v0  }
0x173: {  	s9 =	sadd.s32 $0x800, s9;
	s10 =	sadd.s32 $0x1B, s18;
	v9 =	vsel vm0, $0x3ECCCCCD, v0;
	s5 =	sadd.s32 $0x800, s5;
	[tilespmem:v1+s3+$0xFFFFFBF0 ss:$0x1] =	vst.idx.msk $0xffff, v12;
	v11 =	vmul.f32 $6.400000000e+01, v14;
	v12 =	vsub.f32 v16, v13  }
0x174: {  	_ =	sdelay $0x3  }
0x175: {  	[tilespmem:v1+s3+$0xFFFFFF90 ss:$0x1] =	vst.idx.msk $0xffff, v8  }
0x176: {  	vm0 =	veq.s32 v2, s10;
	[tilespmem:v1+s3+$0xFFFFFB90 ss:$0x1] =	vst.idx.msk $0xffff, v6  }
0x177: {  	v2 =	vmul.f32 $6.400000000e+01, v3;
	[tilespmem:v1+s3+$0xFFFFFBE0 ss:$0x1] =	vst.idx.msk $0xffff, v7;
	v3 =	vsel vm0, $0x3ECCCCCD, v0  }
0x178: {  	[tilespmem:s2+$0xC000] =	vst v11;
	v6 =	vmul.f32 $6.400000000e+01, v12;
	v3 =	vsub.f32 v5, v3  }
0x179: {  	v4 =	vsub.f32 v4, v9;
	v5 =	vmul.f32 $6.400000000e+01, v10;
	[tilespmem:v1+s3+$0xFFFFFBC0 ss:$0x1] =	vst.idx.msk $0xffff, v2  }
0x17a: {  	[tilespmem:v1+s3+$0xFFFFFFF0 ss:$0x1] =	vst.idx.msk $0xffff, v6;
	v2 =	vmul.f32 $6.400000000e+01, v3  }
0x17b: {  	v3 =	vmul.f32 $6.400000000e+01, v4;
	[tilespmem:v1+s3+$0xFFFFFFB0 ss:$0x1] =	vst.idx.msk $0xffff, v5  }
0x17c: {  	[tilespmem:v1+s3+$0xFFFFFFC0 ss:$0x1] =	vst.idx.msk $0xffff, v2  }
0x17d: {  	[tilespmem:v1+s3+$0xFFFFFC00 ss:$0x1] =	vst.idx.msk $0xffff, v3  }
0x17e: {  	v2 =	vld [tilespmem:s6+$0x18300];
	_ =	sdelay $0x2  }
0x17f: {  	s3 =	sadd.s32 $0xFFFFFFF0, s8;
	v3 =	vld.idx.msk [tilespmem:v1+s1+$0x310 ss:$0x1], $0xffff  }
0x180: {  	s0 =	sadd.s32 $0x1B, s3;
	s23 =	sadd.s32 $0x13, s3;
	v4 =	vld.idx.msk [tilespmem:v1+s1+$0x770 ss:$0x1], $0xffff  }
0x181: {  	s26 =	sadd.s32 $0x1F, s3;
	s5 =	sadd.s32 $0x11, s3;
	v6 =	vld.idx.msk [tilespmem:v1+s1+$0x330 ss:$0x1], $0xffff;
	s14 =	sadd.s32 $0x17, s3;
	vm1 =	veq.s32 v2, s0;
	vm0 =	veq.s32 v2, s23  }
0x182: {  	s7 =	sadd.s32 $0x1D, s3;
	vm2 =	veq.s32 v2, s26;
	vm3 =	veq.s32 v2, s5;
	vm4 =	veq.s32 v2, s14  }
0x183: {  	s10 =	sadd.s32 $0x700, s12;
	v5 =	vld.idx.msk [tilespmem:v1+s1+$0x340 ss:$0x1], $0xffff;
	s9 =	sadd.s32 $0x1A, s3;
	v7 =	vsel vm0, $0x3ECCCCCD, v0;
	vm0 =	veq.s32 v2, s7;
	v8 =	vsel vm3, $0x3ECCCCCD, v0  }
0x184: {  	s2 =	sor.u32 $0x360, s10;
	v9 =	vld.idx.msk [tilespmem:v1+s1+$0x350 ss:$0x1], $0xffff;
	vm3 =	veq.s32 v2, s9;
	s9 =	sadd.s32 $0x12, s3;
	v11 =	vsel vm2, $0x3ECCCCCD, v0;
	v17 =	vsel vm4, $0x3ECCCCCD, v0  }
0x185: {  	s13 =	sadd.s32 $0x15, s3;
	v15 =	vld [tilespmem:s2+$0x0];
	s5 =	sor.u32 $0x320, s16;
	v3 =	vsub.f32 v3, v8;
	v10 =	vsel vm3, $0x3ECCCCCD, v0;
	vm2 =	veq.s32 v2, s9  }
0x186: {  	s16 =	sadd.s32 $0x1E, s3;
	v56 =	vld [tilespmem:s5+$0x0];
	vm3 =	veq.s32 v2, s13;
	v11 =	vsub.f32 v4, v11;
	v4 =	vsub.f32 v6, v7  }
0x187: {  	s17 =	sadd.s32 $0x18, s3;
	v13 =	vsel vm2, $0x3ECCCCCD, v0;
	v14 =	vsel vm3, $0x3ECCCCCD, v0;
	vm2 =	veq.s32 v2, s16  }
0x188: {  	s18 =	sadd.s32 $0x14, s3;
	v8 =	vld.idx.msk [tilespmem:v1+s1+$0x320 ss:$0x1], $0xffff;
	vm3 =	veq.s32 v2, s17;
	v16 =	vsel vm2, $0x3ECCCCCD, v0;
	v3 =	vmul.f32 $6.400000000e+01, v3  }
0x189: {  	s19 =	sadd.s32 $0x1C, s3;
	vm2 =	veq.s32 v2, s18;
	v7 =	vsub.f32 v9, v14;
	v9 =	vld.idx.msk [tilespmem:v1+s1+$0x300 ss:$0x1], $0xffff;
	v60 =	vsel vm3, $0x3ECCCCCD, v0  }
0x18a: {  	v18 =	vld.idx.msk [tilespmem:v1+s1+$0x730 ss:$0x1], $0xffff;
	s17 =	sor.u32 $0x340, s15;
	v6 =	vsel vm2, $0x3ECCCCCD, v0;
	v58 =	vsub.f32 v15, v16;
	vm2 =	veq.s32 v2, s19  }
0x18b: {  	s21 =	sadd.s32 $0x10, s3;
	v57 =	vld [tilespmem:s17+$0x0];
	v5 =	vsub.f32 v5, v6;
	v6 =	vsub.f32 v56, v10;
	v7 =	vmul.f32 $6.400000000e+01, v7  }
0x18c: {  	v59 =	vld.idx.msk [tilespmem:v1+s1+$0x700 ss:$0x1], $0xffff;
	v10 =	vsel vm1, $0x3ECCCCCD, v0;
	[tilespmem:v1+s29+$0xFFFFFBA0 ss:$0x1] =	vst.idx.msk $0xffff, v3;
	v3 =	vmul.f32 $6.400000000e+01, v4;
	vm1 =	veq.s32 v2, s21  }
0x18d: {  	v61 =	vld.idx.msk [tilespmem:v1+s1+$0x360 ss:$0x1], $0xffff;
	v8 =	vsub.f32 v8, v13;
	v5 =	vmul.f32 $6.400000000e+01, v5;
	[tilespmem:v1+s29+$0xFFFFFBE0 ss:$0x1] =	vst.idx.msk $0xffff, v7;
	v7 =	vsel vm1, $0x3ECCCCCD, v0  }
0x18e: {  	v62 =	vld.idx.msk [tilespmem:v1+s1+$0x370 ss:$0x1], $0xffff;
	s23 =	sadd.s32 $0x16, s3;
	[tilespmem:v1+s29+$0xFFFFFBC0 ss:$0x1] =	vst.idx.msk $0xffff, v3;
	v3 =	vmul.f32 $6.400000000e+01, v6;
	v6 =	vmul.f32 $6.400000000e+01, v11;
	v7 =	vsub.f32 v9, v7  }
0x18f: {  	vm1 =	veq.s32 v2, s23;
	v9 =	vsub.f32 v18, v10;
	[tilespmem:v1+s29+$0xFFFFFBD0 ss:$0x1] =	vst.idx.msk $0xffff, v5;
	v5 =	vsel vm2, $0x3ECCCCCD, v0  }
0x190: {  	v8 =	vmul.f32 $6.400000000e+01, v8;
	[tilespmem:v1+s29+$0x0 ss:$0x1] =	vst.idx.msk $0xffff, v6;
	v10 =	vsub.f32 v57, v5;
	v63 =	vmul.f32 $6.400000000e+01, v7;
	v7 =	vld.idx.msk [tilespmem:v1+s1+$0x710 ss:$0x1], $0xffff  }
0x191: {  	s26 =	sadd.s32 $0x19, s3;
	v14 =	vsub.f32 v59, v60;
	v4 =	vmul.f32 $6.400000000e+01, v58;
	v6 =	vsel vm1, $0x3ECCCCCD, v0;
	[tilespmem:s5+$0xC000] =	vst v3;
	v5 =	vld.idx.msk [tilespmem:v1+s1+$0x750 ss:$0x1], $0xffff  }
0x192: {  	s7 =	sadd.s32 $0x800, s29;
	s3 =	smov.u32 s29;
	vm1 =	veq.s32 v2, s26;
	[tilespmem:v1+s29+$0xFFFFFBB0 ss:$0x1] =	vst.idx.msk $0xffff, v8;
	v8 =	vsub.f32 v61, v6;
	v11 =	vmul.f32 $6.400000000e+01, v10  }
0x193: {  	s9 =	sadd.s32 $0x800, s12;
	s15 =	simm.s32 $0x0;
	s5 =	sadd.s32 $0x800, s1;
	v6 =	vmul.f32 $6.400000000e+01, v9;
	v9 =	vsub.f32 v62, v17;
	[tilespmem:v1+s29+$0xFFFFFB90 ss:$0x1] =	vst.idx.msk $0xffff, v63;
	v10 =	vmul.f32 $6.400000000e+01, v14  }
.LBB2_15:
0x194: {  	s12 =	sadd.s32 s15, s8;
	v12 =	vld.idx.msk [tilespmem:v1+s5+$0x310 ss:$0x1], $0xffff;
	s0 =	sadd.s32 $0x500, s9;
	s10 =	sadd.s32 $0x600, s9;
	v13 =	vsel vm1, $0x3ECCCCCD, v0;
	[tilespmem:s17+$0xC000] =	vst v11;
	v11 =	vsel vm0, $0x3ECCCCCD, v0  }
0x195: {  	v8 =	vmul.f32 $6.400000000e+01, v8;
	v3 =	vld.idx.msk [tilespmem:v1+s5+$0x370 ss:$0x1], $0xffff;
	s16 =	sor.u32 $0x320, s0;
	s0 =	sadd.s32 $0x1A, s12;
	s13 =	sadd.s32 $0x1B, s12;
	v9 =	vmul.f32 $6.400000000e+01, v9;
	[tilespmem:v1+s3+$0xFFFFFF90 ss:$0x1] =	vst.idx.msk $0xffff, v10;
	v7 =	vsub.f32 v7, v13  }
0x196: {  	s14 =	sadd.s32 $0x13, s12;
	s17 =	sadd.s32 $0x1F, s12;
	v5 =	vsub.f32 v5, v11;
	vm1 =	veq.s32 v2, s13;
	s13 =	sadd.s32 $0x700, s9;
	v10 =	vld.idx.msk [tilespmem:v1+s5+$0x770 ss:$0x1], $0xffff;
	[tilespmem:s2+$0xC000] =	vst v4  }
0x197: {  	s18 =	sadd.s32 $0x1D, s12;
	s2 =	sadd.s32 $0x11, s12;
	vm0 =	veq.s32 v2, s14;
	s14 =	sadd.s32 $0x15, s12;
	vm2 =	veq.s32 v2, s17;
	v4 =	vld.idx.msk [tilespmem:v1+s5+$0x340 ss:$0x1], $0xffff;
	v7 =	vmul.f32 $6.400000000e+01, v7;
	[tilespmem:v1+s3+$0xFFFFFFC0 ss:$0x1] =	vst.idx.msk $0xffff, v6  }
0x198: {  	s15 =	sadd.s32 $0x10, s15;
	vm3 =	veq.s32 v2, s2;
	v11 =	vsel vm0, $0x3ECCCCCD, v0;
	vm0 =	veq.s32 v2, s18;
	s2 =	sor.u32 $0x360, s13;
	s13 =	sadd.s32 $0x1E, s12;
	v6 =	vld.idx.msk [tilespmem:v1+s5+$0x330 ss:$0x1], $0xffff;
	[tilespmem:v1+s3+$0xFFFFFC00 ss:$0x1] =	vst.idx.msk $0xffff, v9  }
0x199: {  	s17 =	sadd.s32 $0x12, s12;
	s18 =	sadd.s32 $0x17, s12;
	v5 =	vmul.f32 $6.400000000e+01, v5;
	v9 =	vsel vm3, $0x3ECCCCCD, v0;
	vm3 =	veq.s32 v2, s0;
	v13 =	vld.idx.msk [tilespmem:v1+s5+$0x350 ss:$0x1], $0xffff  }
0x19a: {  	p0 =	slt.u32 s15, $0x70;
	v15 =	vsel vm2, $0x3ECCCCCD, v0;
	s0 =	sadd.s32 $0x18, s12;
	v9 =	vsub.f32 v12, v9;
	v14 =	vsel vm3, $0x3ECCCCCD, v0;
	v12 =	vld.idx.msk [tilespmem:v1+s5+$0x320 ss:$0x1], $0xffff;
	[tilespmem:v1+s3+$0xFFFFFBF0 ss:$0x1] =	vst.idx.msk $0xffff, v8  }
0x19b: {  	vm2 =	veq.s32 v2, s17;
	vm4 =	veq.s32 v2, s18;
	vm3 =	veq.s32 v2, s14;
	s14 =	sadd.s32 $0x1C, s12;
	v8 =	vld [tilespmem:s16+$0x0]  }
0x19c: {  	v16 =	vsel vm2, $0x3ECCCCCD, v0;
	vm2 =	veq.s32 v2, s13;
	v17 =	vsel vm3, $0x3ECCCCCD, v0;
	v18 =	vld [tilespmem:s2+$0x0];
	[tilespmem:v1+s3+$0xFFFFFFA0 ss:$0x1] =	vst.idx.msk $0xffff, v7  }
0x19d: {  	s13 =	sadd.s32 $0x14, s12;
	vm3 =	veq.s32 v2, s0;
	v10 =	vsub.f32 v10, v15;
	v7 =	vsel vm2, $0x3ECCCCCD, v0;
	v19 =	vld.idx.msk [tilespmem:v1+s5+$0x700 ss:$0x1], $0xffff;
	[tilespmem:v1+s3+$0xFFFFFFE0 ss:$0x1] =	vst.idx.msk $0xffff, v5;
	s3 =	smov.u32 s7  }
0x19e: {  	vm2 =	veq.s32 v2, s13;
	v5 =	vmul.f32 $6.400000000e+01, v9;
	v9 =	vsel vm4, $0x3ECCCCCD, v0;
	v15 =	vld.idx.msk [tilespmem:v1+s5+$0x730 ss:$0x1], $0xffff  }
0x19f: {  	v6 =	vsub.f32 v6, v11;
	v11 =	vsel vm2, $0x3ECCCCCD, v0;
	v13 =	vsub.f32 v13, v17;
	v20 =	vld.idx.msk [tilespmem:v1+s5+$0x300 ss:$0x1], $0xffff  }
0x1a0: {  	s17 =	sor.u32 $0x340, s10;
	v4 =	vsub.f32 v4, v11;
	[tilespmem:v1+s7+$0xFFFFFBA0 ss:$0x1] =	vst.idx.msk $0xffff, v5;
	v5 =	vsub.f32 v8, v14;
	v8 =	vsel vm1, $0x3ECCCCCD, v0  }
0x1a1: {  	v11 =	vsub.f32 v12, v16;
	v12 =	vmul.f32 $6.400000000e+01, v13;
	v13 =	vld [tilespmem:s17+$0x0];
	v7 =	vsub.f32 v18, v7  }
0x1a2: {  	s0 =	sadd.s32 $0x10, s12;
	v17 =	vsel vm3, $0x3ECCCCCD, v0;
	v6 =	vmul.f32 $6.400000000e+01, v6;
	v14 =	vmul.f32 $6.400000000e+01, v4;
	v16 =	vld.idx.msk [tilespmem:v1+s5+$0x360 ss:$0x1], $0xffff  }
0x1a3: {  	vm2 =	veq.s32 v2, s14;
	vm1 =	veq.s32 v2, s0;
	[tilespmem:v1+s7+$0xFFFFFBE0 ss:$0x1] =	vst.idx.msk $0xffff, v12;
	v4 =	vmul.f32 $6.400000000e+01, v7  }
0x1a4: {  	v10 =	vmul.f32 $6.400000000e+01, v10;
	s0 =	sadd.s32 $0x16, s12;
	v7 =	vsel vm1, $0x3ECCCCCD, v0;
	[tilespmem:v1+s7+$0xFFFFFBC0 ss:$0x1] =	vst.idx.msk $0xffff, v6;
	v6 =	vmul.f32 $6.400000000e+01, v5;
	v5 =	vld.idx.msk [tilespmem:v1+s5+$0x750 ss:$0x1], $0xffff  }
.Ltmp6:
0x1a5: {  	v11 =	vmul.f32 $6.400000000e+01, v11;
	v12 =	vsub.f32 v20, v7;
	[tilespmem:v1+s7+$0xFFFFFBD0 ss:$0x1] =	vst.idx.msk $0xffff, v14;
	v7 =	vld.idx.msk [tilespmem:v1+s5+$0x710 ss:$0x1], $0xffff;
	v14 =	vsel vm2, $0x3ECCCCCD, v0;
	(pc) =	sbr.rel @p0 .LBB2_15-.Ltmp6, $4  }
0x1a6: {  	vm1 =	veq.s32 v2, s0;
	v15 =	vsub.f32 v15, v8;
	v13 =	vsub.f32 v13, v14;
	[tilespmem:v1+s7+$0x0 ss:$0x1] =	vst.idx.msk $0xffff, v10  }
0x1a7: {  	v8 =	vsel vm1, $0x3ECCCCCD, v0;
	v10 =	vmul.f32 $6.400000000e+01, v12;
	v12 =	vsub.f32 v19, v17;
	[tilespmem:v1+s7+$0xFFFFFBB0 ss:$0x1] =	vst.idx.msk $0xffff, v11  }
0x1a8: {  	s0 =	sadd.s32 $0x19, s12;
	v8 =	vsub.f32 v16, v8;
	[tilespmem:s16+$0xC000] =	vst v6;
	v6 =	vmul.f32 $6.400000000e+01, v15;
	v11 =	vmul.f32 $6.400000000e+01, v13  }
0x1a9: {  	s9 =	sadd.s32 $0x800, s9;
	v9 =	vsub.f32 v3, v9;
	vm1 =	veq.s32 v2, s0;
	s5 =	sadd.s32 $0x800, s5;
	s7 =	sadd.s32 $0x800, s7;
	[tilespmem:v1+s3+$0xFFFFFB90 ss:$0x1] =	vst.idx.msk $0xffff, v10;
	v10 =	vmul.f32 $6.400000000e+01, v12  }
0x1aa: {  	_ =	sdelay $0x1  }
0x1ab: {  	[tilespmem:s17+$0xC000] =	vst v11  }
0x1ac: {  	v2 =	vsel vm1, $0x3ECCCCCD, v0;
	[tilespmem:s2+$0xC000] =	vst v4  }
0x1ad: {  	v3 =	vsel vm0, $0x3ECCCCCD, v0;
	v4 =	vmul.f32 $6.400000000e+01, v8;
	[tilespmem:v1+s3+$0xFFFFFFC0 ss:$0x1] =	vst.idx.msk $0xffff, v6;
	v2 =	vsub.f32 v7, v2  }
0x1ae: {  	[tilespmem:v1+s3+$0xFFFFFF90 ss:$0x1] =	vst.idx.msk $0xffff, v10;
	v9 =	vmul.f32 $6.400000000e+01, v9;
	v3 =	vsub.f32 v5, v3  }
0x1af: {  	[tilespmem:v1+s3+$0xFFFFFBF0 ss:$0x1] =	vst.idx.msk $0xffff, v4;
	v2 =	vmul.f32 $6.400000000e+01, v2  }
0x1b0: {  	[tilespmem:v1+s3+$0xFFFFFC00 ss:$0x1] =	vst.idx.msk $0xffff, v9;
	v3 =	vmul.f32 $6.400000000e+01, v3  }
0x1b1: {  	[tilespmem:v1+s3+$0xFFFFFFA0 ss:$0x1] =	vst.idx.msk $0xffff, v2  }
0x1b2: {  	[tilespmem:v1+s3+$0xFFFFFFE0 ss:$0x1] =	vst.idx.msk $0xffff, v3  }
0x1b3: {  	s12 =	sadd.s32 $0xFFFFFFF0, s8;
	v2 =	vld [tilespmem:s6+$0x18380]  }
0x1b4: {  	s19 =	sadd.s32 $0x1E, s12;
	s13 =	sadd.s32 $0x10, s12  }
0x1b5: {  	s14 =	sadd.s32 $0x11, s12;
	s21 =	sadd.s32 $0x13, s12;
	s0 =	rddreg [dreg:$0x3]  }
0x1b6: {  	s23 =	sadd.s32 $0x14, s12;
	s26 =	sadd.s32 $0x15, s12;
	s0 =	sadd.s32 s31, s0  }
0x1b7: {  	s16 =	sadd.s32 $0xFFFFFF80, s0;
	s17 =	sadd.s32 $0xFFFFFD00, s0;
	s18 =	sadd.s32 $0xFFFFFE00, s0  }
0x1b8: {  	v4 =	vld.idx.msk [tilespmem:v1+s30+$0xFFFFFC00 ss:$0x1], $0xffff;
	s6 =	sor.u32 $0x3E0, s16;
	s5 =	sor.u32 $0x390, s17;
	s2 =	sor.u32 $0x3B0, s18;
	vm2 =	veq.s32 v2, s19;
	vm0 =	veq.s32 v2, s13;
	vm1 =	veq.s32 v2, s14  }
0x1b9: {  	v13 =	vld.idx.msk [tilespmem:v1+s30+$0xFFFFFC10 ss:$0x1], $0xffff;
	s17 =	sadd.s32 $0x17, s12;
	s16 =	sadd.s32 $0x18, s12;
	s18 =	sadd.s32 $0x19, s12;
	vm3 =	veq.s32 v2, s21;
	vm4 =	veq.s32 v2, s23;
	vm5 =	veq.s32 v2, s26  }
0x1ba: {  	s15 =	sadd.s32 $0x12, s12;
	v17 =	vld.idx.msk [tilespmem:v1+s30+$0xFFFFFC20 ss:$0x1], $0xffff;
	s19 =	sadd.s32 $0x1A, s12;
	vm7 =	veq.s32 v2, s17;
	vm8 =	veq.s32 v2, s16;
	vm9 =	veq.s32 v2, s18  }
0x1bb: {  	v21 =	vld.idx.msk [tilespmem:v1+s30+$0xFFFFFC30 ss:$0x1], $0xffff;
	s21 =	sadd.s32 $0x1B, s12;
	s23 =	sadd.s32 $0x1C, s12;
	s26 =	sadd.s32 $0x1D, s12;
	v6 =	vsel vm2, $0x3ECCCCCD, v0;
	vm2 =	veq.s32 v2, s15;
	vm10 =	veq.s32 v2, s19  }
0x1bc: {  	s7 =	sadd.s32 $0xFFFFFD80, s0;
	v3 =	vld [tilespmem:s6+$0x0];
	s13 =	sadd.s32 $0x1F, s12;
	vm11 =	veq.s32 v2, s21;
	vm12 =	veq.s32 v2, s23;
	vm13 =	veq.s32 v2, s26  }
0x1bd: {  	s9 =	sadd.s32 $0xFFFFFE80, s0;
	s7 =	sor.u32 $0x3A0, s7;
	v5 =	vld [tilespmem:s5+$0x0];
	vm14 =	veq.s32 v2, s13;
	v11 =	vsel vm0, $0x3ECCCCCD, v0;
	v12 =	vsel vm1, $0x3ECCCCCD, v0  }
0x1be: {  	s10 =	sadd.s32 $0xFFFFFF00, s0;
	s3 =	sor.u32 $0x3C0, s9;
	v7 =	vld [tilespmem:s7+$0x0];
	v15 =	vsel vm3, $0x3ECCCCCD, v0;
	v16 =	vsel vm4, $0x3ECCCCCD, v0;
	v18 =	vsel vm5, $0x3ECCCCCD, v0  }
0x1bf: {  	s9 =	sor.u32 $0x3D0, s10;
	v8 =	vld [tilespmem:s3+$0x0];
	s15 =	sadd.s32 $0x16, s12;
	v20 =	vsel vm7, $0x3ECCCCCD, v0;
	v22 =	vsel vm8, $0x3ECCCCCD, v0;
	v23 =	vsel vm9, $0x3ECCCCCD, v0  }
0x1c0: {  	v9 =	vld [tilespmem:s9+$0x0];
	vm6 =	veq.s32 v2, s15;
	v14 =	vsel vm2, $0x3ECCCCCD, v0;
	v24 =	vsel vm10, $0x3ECCCCCD, v0  }
0x1c1: {  	v26 =	vsel vm11, $0x3ECCCCCD, v0;
	v27 =	vsel vm12, $0x3ECCCCCD, v0;
	v4 =	vsub.f32 v4, v11  }
0x1c2: {  	s17 =	rddreg [dreg:$0x3];
	s12 =	sadd.s32 $0x800, s31;
	s13 =	sadd.s32 $0x0, s8;
	v28 =	vsel vm13, $0x3ECCCCCD, v0;
	v12 =	vsub.f32 v13, v12;
	v13 =	vsub.f32 v17, v14  }
0x1c3: {  	v25 =	vld.idx.msk [tilespmem:v1+s30+$0xFFFFFC40 ss:$0x1], $0xffff;
	s10 =	sor.u32 $0x3F0, s0;
	s0 =	sadd.s32 s12, s17;
	s14 =	sadd.s32 $0x14, s13;
	v19 =	vsel vm6, $0x3ECCCCCD, v0;
	v14 =	vsub.f32 v21, v15;
	v3 =	vsub.f32 v3, v6  }
0x1c4: {  	v10 =	vld [tilespmem:s10+$0x0];
	s21 =	sadd.s32 $0xFFFFFD80, s0;
	vm4 =	veq.s32 v2, s14;
	v5 =	vsub.f32 v5, v23;
	v7 =	vsub.f32 v7, v24  }
0x1c5: {  	s26 =	sadd.s32 $0xFFFFFE80, s0;
	v6 =	vld [tilespmem:s2+$0x0];
	v8 =	vsub.f32 v8, v27;
	v9 =	vsub.f32 v9, v28;
	s15 =	sor.u32 $0x3A0, s21;
	v12 =	vmul.f32 $6.400000000e+01, v12;
	s21 =	sadd.s32 $0x10, s13  }
0x1c6: {  	v23 =	vld.idx.msk [tilespmem:v1+s30+$0xFFFFFC50 ss:$0x1], $0xffff;
	s16 =	sor.u32 $0x3C0, s26;
	s26 =	sadd.s32 $0x12, s13;
	v13 =	vmul.f32 $6.400000000e+01, v13;
	vm0 =	veq.s32 v2, s21;
	v3 =	vmul.f32 $6.400000000e+01, v3  }
0x1c7: {  	v24 =	vld.idx.msk [tilespmem:v1+s30+$0xFFFFFC60 ss:$0x1], $0xffff;
	vm3 =	veq.s32 v2, s26;
	s21 =	sadd.s32 $0x16, s13;
	v5 =	vmul.f32 $6.400000000e+01, v5;
	v7 =	vmul.f32 $6.400000000e+01, v7  }
0x1c8: {  	v11 =	vld.idx.msk [tilespmem:v1+s30+$0x0 ss:$0x1], $0xffff;
	s26 =	sadd.s32 $0x18, s13;
	v8 =	vmul.f32 $6.400000000e+01, v8;
	v9 =	vmul.f32 $6.400000000e+01, v9;
	vm6 =	veq.s32 v2, s21;
	[tilespmem:v1+s4+$0x390 ss:$0x1] =	vst.idx.msk $0xffff, v12;
	s21 =	sadd.s32 $0x1B, s13  }
0x1c9: {  	s18 =	sadd.s32 $0xFFFFFF80, s0;
	v27 =	vld.idx.msk [tilespmem:v1+s30+$0xFFFFFC70 ss:$0x1], $0xffff;
	vm8 =	veq.s32 v2, s26;
	v17 =	vsel vm3, $0x3ECCCCCD, v0;
	vm11 =	veq.s32 v2, s21;
	[tilespmem:s5+$0xC000] =	vst v5  }
0x1ca: {  	s23 =	sadd.s32 $0xFFFFFE00, s0;
	v32 =	vld [tilespmem:s15+$0x0];
	v12 =	vsel vm6, $0x3ECCCCCD, v0;
	s5 =	sor.u32 $0x3E0, s18;
	[tilespmem:s3+$0xC000] =	vst v8;
	v8 =	vmul.f32 $6.400000000e+01, v14;
	v14 =	vsel vm4, $0x3ECCCCCD, v0  }
0x1cb: {  	[tilespmem:s6+$0xC000] =	vst v3;
	s6 =	sadd.s32 $0x800, s30;
	s18 =	sor.u32 $0x3B0, s23;
	s23 =	sadd.s32 $0x11, s13;
	v28 =	vsel vm11, $0x3ECCCCCD, v0;
	v6 =	vsub.f32 v6, v26;
	v5 =	vsub.f32 v23, v18;
	v15 =	vld [tilespmem:s5+$0x0]  }
0x1cc: {  	s17 =	sadd.s32 $0xFFFFFF00, s0;
	[tilespmem:s7+$0xC000] =	vst v7;
	v26 =	vsel vm14, $0x3ECCCCCD, v0;
	v7 =	vsub.f32 v24, v19;
	vm1 =	veq.s32 v2, s23;
	v18 =	vld.idx.msk [tilespmem:v1+s6+$0xFFFFFC30 ss:$0x1], $0xffff  }
0x1cd: {  	s17 =	sor.u32 $0x3D0, s17;
	s23 =	sadd.s32 $0x17, s13;
	v23 =	vsel vm0, $0x3ECCCCCD, v0;
	v10 =	vsub.f32 v10, v26;
	v21 =	vmul.f32 $6.400000000e+01, v5;
	v5 =	vld [tilespmem:s18+$0x0]  }
0x1ce: {  	vm7 =	veq.s32 v2, s23;
	[tilespmem:v1+s4+$0x3B0 ss:$0x1] =	vst.idx.msk $0xffff, v8;
	v3 =	vmul.f32 $6.400000000e+01, v6;
	v24 =	vmul.f32 $6.400000000e+01, v7;
	v7 =	vld [tilespmem:s17+$0x0]  }
0x1cf: {  	s19 =	sadd.s32 $0xFFFFFD00, s0;
	[tilespmem:s9+$0xC000] =	vst v9;
	v6 =	vsub.f32 v25, v16;
	v16 =	vmul.f32 $6.400000000e+01, v4;
	v4 =	vsub.f32 v11, v22;
	v22 =	vld.idx.msk [tilespmem:v1+s6+$0xFFFFFC50 ss:$0x1], $0xffff  }
0x1d0: {  	s26 =	sadd.s32 $0x1D, s13;
	s23 =	sadd.s32 $0x1C, s13;
	v8 =	vsel vm8, $0x3ECCCCCD, v0;
	v25 =	vsub.f32 v27, v20;
	v20 =	vsel vm1, $0x3ECCCCCD, v0;
	[tilespmem:s2+$0xC000] =	vst v3;
	v3 =	vld.idx.msk [tilespmem:v1+s6+$0xFFFFFC00 ss:$0x1], $0xffff  }
0x1d1: {  	vm13 =	veq.s32 v2, s26;
	vm12 =	veq.s32 v2, s23;
	v10 =	vmul.f32 $6.400000000e+01, v10;
	s2 =	sor.u32 $0x390, s19;
	s19 =	sadd.s32 $0x1E, s13;
	[tilespmem:v1+s4+$0x380 ss:$0x1] =	vst.idx.msk $0xffff, v16;
	v16 =	vld.idx.msk [tilespmem:v1+s6+$0xFFFFFC40 ss:$0x1], $0xffff  }
0x1d2: {  	v27 =	vsel vm13, $0x3ECCCCCD, v0;
	v30 =	vsel vm12, $0x3ECCCCCD, v0;
	[tilespmem:v1+s4+$0x3D0 ss:$0x1] =	vst.idx.msk $0xffff, v21;
	v21 =	vld.idx.msk [tilespmem:v1+s6+$0xFFFFFC60 ss:$0x1], $0xffff;
	vm15 =	veq.s32 v2, s19  }
0x1d3: {  	v11 =	vmul.f32 $6.400000000e+01, v6;
	v25 =	vmul.f32 $6.400000000e+01, v25;
	v29 =	vld [tilespmem:s2+$0x0];
	[tilespmem:s10+$0xC000] =	vst v10;
	s10 =	sadd.s32 $0x13, s13;
	s19 =	sadd.s32 $0x15, s13;
	v6 =	vsel vm15, $0x3ECCCCCD, v0  }
0x1d4: {  	s3 =	sor.u32 $0x3F0, s0;
	[tilespmem:v1+s4+$0x3E0 ss:$0x1] =	vst.idx.msk $0xffff, v24;
	v24 =	vld.idx.msk [tilespmem:v1+s6+$0xFFFFFC70 ss:$0x1], $0xffff;
	vm2 =	veq.s32 v2, s10;
	vm5 =	veq.s32 v2, s19;
	s10 =	sadd.s32 $0x19, s13;
	s19 =	sadd.s32 $0x1A, s13;
	v9 =	vsub.f32 v15, v6  }
0x1d5: {  	v10 =	vld [tilespmem:s3+$0x0];
	s13 =	sadd.s32 $0x1F, s13;
	[tilespmem:v1+s4+$0x3C0 ss:$0x1] =	vst.idx.msk $0xffff, v11;
	v11 =	vsel vm7, $0x3ECCCCCD, v0;
	vm9 =	veq.s32 v2, s10;
	vm10 =	veq.s32 v2, s19  }
0x1d6: {  	v6 =	vld [tilespmem:s16+$0x0];
	vm14 =	veq.s32 v2, s13;
	v19 =	vsel vm2, $0x3ECCCCCD, v0;
	v31 =	vmul.f32 $6.400000000e+01, v9  }
0x1d7: {  	[tilespmem:v1+s4+$0x3A0 ss:$0x1] =	vst.idx.msk $0xffff, v13;
	v15 =	vld.idx.msk [tilespmem:v1+s6+$0xFFFFFC20 ss:$0x1], $0xffff;
	v13 =	vsel vm5, $0x3ECCCCCD, v0;
	v33 =	vsel vm9, $0x3ECCCCCD, v0;
	v34 =	vsel vm10, $0x3ECCCCCD, v0  }
0x1d8: {  	s7 =	simm.s32 $0x10;
	s19 =	smov.u32 s4;
	v26 =	vsel vm14, $0x3ECCCCCD, v0;
	v9 =	vld.idx.msk [tilespmem:v1+s6+$0xFFFFFC10 ss:$0x1], $0xffff;
	[tilespmem:s5+$0xC000] =	vst v31;
	v31 =	vsub.f32 v29, v33;
	v29 =	vsub.f32 v32, v34  }
.LBB2_17:
0x1d9: {  	s9 =	smov.u32 s7  }
0x1da: {  	s9 =	sadd.s32 s9, s8;
	v5 =	vsub.f32 v5, v28  }
0x1db: {  	v4 =	vmul.f32 $6.400000000e+01, v4;
	s21 =	sadd.s32 $0x10, s9;
	v6 =	vsub.f32 v6, v30;
	v7 =	vsub.f32 v7, v27  }
0x1dc: {  	vm0 =	veq.s32 v2, s21;
	v10 =	vsub.f32 v10, v26;
	v23 =	vsub.f32 v3, v23  }
0x1dd: {  	s0 =	rddreg [dreg:$0x3];
	v32 =	vld.idx.msk [tilespmem:v1+s6+$0x0 ss:$0x1], $0xffff;
	s12 =	sadd.s32 $0x800, s12;
	v28 =	vmul.f32 $6.400000000e+01, v31;
	v9 =	vsub.f32 v9, v20;
	v15 =	vsub.f32 v15, v17  }
0x1de: {  	[tilespmem:v1+s19+$0x3F0 ss:$0x1] =	vst.idx.msk $0xffff, v25;
	s0 =	sadd.s32 s12, s0;
	v3 =	vmul.f32 $6.400000000e+01, v29;
	v13 =	vsub.f32 v22, v13;
	v12 =	vsub.f32 v21, v12  }
0x1df: {  	s6 =	sadd.s32 $0x800, s6;
	[tilespmem:v1+s19+$0x780 ss:$0x1] =	vst.idx.msk $0xffff, v4;
	s19 =	sadd.s32 $0x800, s19;
	s5 =	sadd.s32 $0xFFFFFF80, s0;
	v25 =	vsub.f32 v24, v11;
	v4 =	vmul.f32 $6.400000000e+01, v5;
	v6 =	vmul.f32 $6.400000000e+01, v6  }
0x1e0: {  	s23 =	sadd.s32 $0xFFFFFD00, s0;
	s10 =	sadd.s32 $0xFFFFFD80, s0;
	s5 =	sor.u32 $0x3E0, s5;
	[tilespmem:s2+$0xC000] =	vst v28;
	v5 =	vsub.f32 v16, v14;
	v7 =	vmul.f32 $6.400000000e+01, v7;
	v14 =	vmul.f32 $6.400000000e+01, v23  }
0x1e1: {  	s13 =	sadd.s32 $0xFFFFFE00, s0;
	v17 =	vsub.f32 v18, v19;
	v11 =	vld [tilespmem:s5+$0x0];
	[tilespmem:s15+$0xC000] =	vst v3;
	s2 =	sor.u32 $0x390, s23;
	s23 =	sadd.s32 $0x11, s9;
	v13 =	vmul.f32 $6.400000000e+01, v13;
	v12 =	vmul.f32 $6.400000000e+01, v12  }
0x1e2: {  	s14 =	sadd.s32 $0xFFFFFE80, s0;
	v24 =	vld.idx.msk [tilespmem:v1+s6+$0xFFFFFC70 ss:$0x1], $0xffff;
	v23 =	vsel vm0, $0x3ECCCCCD, v0;
	v25 =	vmul.f32 $6.400000000e+01, v25;
	vm1 =	veq.s32 v2, s23;
	[tilespmem:s18+$0xC000] =	vst v4  }
0x1e3: {  	s26 =	sadd.s32 $0xFFFFFF00, s0;
	v3 =	vld.idx.msk [tilespmem:v1+s6+$0xFFFFFC00 ss:$0x1], $0xffff;
	s15 =	sor.u32 $0x3A0, s10;
	s10 =	sadd.s32 $0x14, s9;
	v4 =	vsub.f32 v32, v8;
	[tilespmem:s16+$0xC000] =	vst v6;
	v6 =	vmul.f32 $6.400000000e+01, v10;
	v8 =	vmul.f32 $6.400000000e+01, v9  }
0x1e4: {  	v29 =	vld [tilespmem:s2+$0x0];
	s23 =	sadd.s32 $0x16, s9;
	vm5 =	veq.s32 v2, s10;
	s10 =	sadd.s32 $0x1A, s9;
	s18 =	sor.u32 $0x3B0, s13;
	v9 =	vmul.f32 $6.400000000e+01, v15;
	[tilespmem:s17+$0xC000] =	vst v7;
	v15 =	vmul.f32 $6.400000000e+01, v17  }
0x1e5: {  	v63 =	vld [tilespmem:s15+$0x0];
	s16 =	sor.u32 $0x3C0, s14;
	s17 =	sor.u32 $0x3D0, s26;
	s14 =	sadd.s32 $0x1E, s9;
	v16 =	vmul.f32 $6.400000000e+01, v5;
	[tilespmem:v1+s19+$0x380 ss:$0x1] =	vst.idx.msk $0xffff, v14;
	vm4 =	veq.s32 v2, s23;
	vm10 =	veq.s32 v2, s10  }
0x1e6: {  	s26 =	sadd.s32 $0x12, s9;
	s13 =	sadd.s32 $0x15, s9;
	s23 =	sadd.s32 $0x1C, s9;
	v20 =	vsel vm1, $0x3ECCCCCD, v0;
	[tilespmem:v1+s19+$0x3D0 ss:$0x1] =	vst.idx.msk $0xffff, v13;
	v14 =	vsel vm5, $0x3ECCCCCD, v0;
	v5 =	vld [tilespmem:s18+$0x0];
	vm2 =	veq.s32 v2, s14  }
0x1e7: {  	s21 =	sadd.s32 $0x13, s9;
	vm3 =	veq.s32 v2, s26;
	v7 =	vld [tilespmem:s17+$0x0];
	vm6 =	veq.s32 v2, s13;
	vm12 =	veq.s32 v2, s23  }
0x1e8: {  	s7 =	sadd.s32 $0x10, s7;
	[tilespmem:v1+s19+$0x3E0 ss:$0x1] =	vst.idx.msk $0xffff, v12;
	s26 =	sadd.s32 $0x17, s9;
	s13 =	sadd.s32 $0x1B, s9;
	v12 =	vsel vm4, $0x3ECCCCCD, v0;
	v22 =	vld.idx.msk [tilespmem:v1+s6+$0xFFFFFC50 ss:$0x1], $0xffff;
	v33 =	vsel vm10, $0x3ECCCCCD, v0;
	v10 =	vsel vm2, $0x3ECCCCCD, v0  }
0x1e9: {  	p0 =	slt.u32 s7, $0x70;
	v21 =	vld.idx.msk [tilespmem:v1+s6+$0xFFFFFC60 ss:$0x1], $0xffff;
	vm2 =	veq.s32 v2, s21;
	vm7 =	veq.s32 v2, s26;
	vm11 =	veq.s32 v2, s13  }
0x1ea: {  	[tilespmem:s3+$0xC000] =	vst v6;
	s3 =	sor.u32 $0x3F0, s0;
	v6 =	vld [tilespmem:s16+$0x0];
	s21 =	sadd.s32 $0x18, s9;
	s0 =	sadd.s32 $0x19, s9;
	v17 =	vsel vm3, $0x3ECCCCCD, v0;
	v13 =	vsel vm6, $0x3ECCCCCD, v0;
	v30 =	vsel vm12, $0x3ECCCCCD, v0  }
.Ltmp7:
0x1eb: {  	[tilespmem:v1+s19+$0x390 ss:$0x1] =	vst.idx.msk $0xffff, v8;
	s26 =	sadd.s32 $0x1D, s9;
	s9 =	sadd.s32 $0x1F, s9;
	v8 =	vsub.f32 v11, v10;
	v10 =	vld [tilespmem:s3+$0x0];
	vm8 =	veq.s32 v2, s21;
	vm9 =	veq.s32 v2, s0;
	(pc) =	sbr.rel @p0 .LBB2_17-.Ltmp7, $4  }
0x1ec: {  	[tilespmem:v1+s19+$0x3A0 ss:$0x1] =	vst.idx.msk $0xffff, v9;
	v9 =	vld.idx.msk [tilespmem:v1+s6+$0xFFFFFC10 ss:$0x1], $0xffff;
	vm13 =	veq.s32 v2, s26;
	vm14 =	veq.s32 v2, s9;
	v19 =	vsel vm2, $0x3ECCCCCD, v0  }
0x1ed: {  	[tilespmem:v1+s19+$0x3B0 ss:$0x1] =	vst.idx.msk $0xffff, v15;
	v15 =	vld.idx.msk [tilespmem:v1+s6+$0xFFFFFC20 ss:$0x1], $0xffff;
	v11 =	vsel vm7, $0x3ECCCCCD, v0;
	v28 =	vsel vm11, $0x3ECCCCCD, v0;
	v8 =	vmul.f32 $6.400000000e+01, v8  }
0x1ee: {  	[tilespmem:v1+s19+$0x3C0 ss:$0x1] =	vst.idx.msk $0xffff, v16;
	v18 =	vld.idx.msk [tilespmem:v1+s6+$0xFFFFFC30 ss:$0x1], $0xffff;
	v31 =	vsel vm9, $0x3ECCCCCD, v0;
	v27 =	vsel vm13, $0x3ECCCCCD, v0;
	v26 =	vsel vm14, $0x3ECCCCCD, v0  }
0x1ef: {  	v16 =	vld.idx.msk [tilespmem:v1+s6+$0xFFFFFC40 ss:$0x1], $0xffff;
	v31 =	vsub.f32 v29, v31;
	v29 =	vsub.f32 v63, v33;
	[tilespmem:s5+$0xC000] =	vst v8;
	v8 =	vsel vm8, $0x3ECCCCCD, v0  }
0x1f0: {  	_ =	sdelay $0x2  }
0x1f1: {  	v2 =	vsub.f32 v5, v28;
	v53 =	vmul.f32 $6.400000000e+01, v31  }
0x1f2: {  	v6 =	vsub.f32 v6, v30;
	[tilespmem:v1+s19+$0x3F0 ss:$0x1] =	vst.idx.msk $0xffff, v25;
	v54 =	vmul.f32 $6.400000000e+01, v29  }
0x1f3: {  	v55 =	vsub.f32 v7, v27;
	v2 =	vmul.f32 $6.400000000e+01, v2;
	[tilespmem:s2+$0xC000] =	vst v53  }
0x1f4: {  	v56 =	vsub.f32 v10, v26;
	v6 =	vmul.f32 $6.400000000e+01, v6;
	[tilespmem:s15+$0xC000] =	vst v54  }
0x1f5: {  	[tilespmem:s18+$0xC000] =	vst v2;
	v2 =	vmul.f32 $6.400000000e+01, v55  }
0x1f6: {  	v57 =	vmul.f32 $6.400000000e+01, v56;
	v59 =	vsub.f32 v15, v17;
	[tilespmem:s16+$0xC000] =	vst v6  }
0x1f7: {  	v58 =	vsub.f32 v9, v20;
	[tilespmem:s17+$0xC000] =	vst v2;
	v2 =	vsub.f32 v3, v23;
	v3 =	vmul.f32 $6.400000000e+01, v4  }
0x1f8: {  	[tilespmem:s3+$0xC000] =	vst v57;
	v5 =	vmul.f32 $6.400000000e+01, v59  }
0x1f9: {  	s0 =	sadd.s32 $0x800, s19;
	v4 =	vmul.f32 $6.400000000e+01, v58;
	[tilespmem:v1+s19+$0x780 ss:$0x1] =	vst.idx.msk $0xffff, v3;
	v3 =	vsub.f32 v18, v19  }
0x1fa: {  	v60 =	vld.idx.msk [tilespmem:v1+s6+$0x0 ss:$0x1], $0xffff;
	[tilespmem:v1+s0+$0x3A0 ss:$0x1] =	vst.idx.msk $0xffff, v5;
	v2 =	vmul.f32 $6.400000000e+01, v2  }
0x1fb: {  	v61 =	vsub.f32 v16, v14;
	[tilespmem:v1+s0+$0x390 ss:$0x1] =	vst.idx.msk $0xffff, v4;
	v3 =	vmul.f32 $6.400000000e+01, v3  }
0x1fc: {  	[tilespmem:v1+s0+$0x380 ss:$0x1] =	vst.idx.msk $0xffff, v2;
	v2 =	vsub.f32 v22, v13  }
0x1fd: {  	v62 =	vsub.f32 v21, v12;
	v7 =	vmul.f32 $6.400000000e+01, v61;
	[tilespmem:v1+s0+$0x3B0 ss:$0x1] =	vst.idx.msk $0xffff, v3  }
0x1fe: {  	v63 =	vsub.f32 v24, v11;
	v2 =	vmul.f32 $6.400000000e+01, v2;
	s6 =	rddreg [dreg:$0x7]  }
0x1ff: {  	v4 =	vmul.f32 $6.400000000e+01, v62;
	v3 =	vsub.f32 v60, v8;
	s2 =	rddreg [dreg:$0x14];
	[tilespmem:v1+s0+$0x3C0 ss:$0x1] =	vst.idx.msk $0xffff, v7  }
0x200: {  	s5 =	rddreg [dreg:$0x1];
	[tilespmem:v1+s0+$0x3D0 ss:$0x1] =	vst.idx.msk $0xffff, v2;
	v2 =	vmul.f32 $6.400000000e+01, v63  }
0x201: {  	s2 =	sor.u32 s2, s6;
	v3 =	vmul.f32 $6.400000000e+01, v3;
	s3 =	rddreg [dreg:$0x12];
	[tilespmem:v1+s0+$0x3E0 ss:$0x1] =	vst.idx.msk $0xffff, v4  }
0x202: {  	s23 =	simm.s32 $0x0;
	p0 =	sgt.u32 s11, $0x5C;
	s2 =	smul.u32 $0xC0000, s2;
	[tilespmem:v1+s0+$0x3F0 ss:$0x1] =	vst.idx.msk $0xffff, v2  }
0x203: {  	p1 =	sgt.u32 @!p0 s11, $0x2C;
	p2 =	slt.u32 @!p0 s11, $0x2D;
	s3 =	sshll.u32 s3, $0xE;
	[tilespmem:v1+s0+$0x780 ss:$0x1] =	vst.idx.msk $0xffff, v3  }
0x204: {  	p1 =	por !p1, p0;
	s2 =	sadd.s32 s3, s2;
	s7 =	rddreg [dreg:$0x13]  }
0x205: {  	s0 =	simm.s32 @!p0 $0x1;
	s21 =	rddreg [dreg:$0x11];
	s2 =	sshrl.u32 s2, $0x3  }
0x206: {  	s19 =	sadd.s32 $0xC000, s7;
	s3 =	sadd.s32 $0x4, s21;
	s2 =	sadd.s32 s5, s2  }
0x207: {  	[hbm4b:s2+s23] =	stream.linear.scatter [tilespmem:s19], [sflag:s3], $0x4000, $0x38;
	[tilespmem:$0x18800] =	vst v63  }
0x208: {  	s0 =	simm.s32 @p1 $0x0;
	p1 =	por !p2, p0;
	s2 =	simm.s32 @!p0 $0x3  }
0x209: {  	s0 =	sor.u32 @!p0 s0, s6;
	s2 =	simm.s32 @p1 $0xFFFFFFD3  }
0x20a: {  	s0 =	smul.u32 @!p0 $0xC3800, s0;
	s2 =	sadd.s32 @!p0 s11, s2  }
0x20b: {  	s2 =	sshll.u32 @!p0 s2, $0xE  }
0x20c: {  	s4 =	sadd.s32 $0x4000, s4;
	s3 =	rddreg [dreg:$0x10];
	s0 =	sadd.s32 @!p0 s2, s0  }
0x20d: {  	s1 =	sadd.s32 $0x4000, s1;
	s2 =	rddreg [dreg:$0x4];
	s0 =	sshrl.u32 @!p0 s0, $0x3  }
0x20e: {  	s11 =	sadd.s32 $0x1, s11;
	s0 =	sadd.s32 @!p0 s2, s0;
	s2 =	simm.s32 @!p0 $0x0  }
0x20f: {  	[tilespmem:s7], [sflag:s3] =	stream.linear.gather @!p0 [hbm4b:s0+s2], $0x4000, $0x38;
	[tilespmem:$0x18800] =	vst v63  }
0x210: {  	s20 =	sadd.s32 $0x4000, s20;
	s22 =	sadd.s32 $0x4000, s22;
	p0 =	sne.s32 s11, $0x60  }
.Ltmp8:
0x211: {  	s24 =	sadd.s32 $0x4000, s24;
	s26 =	rddreg [dreg:$0xc];
	(pc) =	sbr.rel @p0 .LBB2_2-.Ltmp8, $4  }
0x212: {  	s25 =	sadd.s32 $0x4000, s25;
	s28 =	sadd.s32 $0x4000, s28;
	s13 =	rddreg [dreg:$0xd]  }
0x213: {  	s29 =	sadd.s32 $0x4000, s29;
	s31 =	sadd.s32 $0x4000, s31;
	s15 =	rddreg [dreg:$0xf]  }
0x214: {  	s30 =	sadd.s32 $0x4000, s30;
	s14 =	rddreg [dreg:$0xe];
	s13 =	sadd.s32 $0x4000, s13  }
0x215: {  	s15 =	sadd.s32 $0x4000, s15;
	s14 =	sadd.s32 $0x4000, s14;
	s0 =	sadd.s32 $0x4000, s26  }
0x216: {  	s0 =	simm.s32 $0x4  }
0x217: {  	_ =	swait.ge [sflag:s0], $0x4000  }
0x218: {  	[sflag:s0] =	ssyncset.done $0x0  }
0x219: {  	s30 =	simm.s32 $0x5;
	[sflag:s0] =	ssyncadd.s32 $0xFFFFC000  }
0x21a: {  	_ =	swait.ge [sflag:s30], $0x4000  }
0x21b: {  	[sflag:s30] =	ssyncset.done $0x0  }
0x21c: {  	s1 =	simm.s32 $0x6;
	[sflag:s30] =	ssyncadd.s32 $0xFFFFC000  }
0x21d: {  	_ =	swait.ge [sflag:s1], $0x4000  }
0x21e: {  	s2 =	rddreg [dreg:$0xb]  }
0x21f: {  	s31 =	rddreg [dreg:$0xa];
	s2 =	sadd.s32 $0x1, s2  }
0x220: {  	p0 =	sne.s32 s2, s31  }
.Ltmp9:
0x221: {  	_ = 	snop;
	(pc) =	sbr.rel @p0 .LBB2_1-.Ltmp9, $3  }
0x222: {  	_ =	sdelay $0x1  }
0x223: {  	[sflag:s1] =	ssyncset.done $0x0  }
0x224: {  	[sflag:s1] =	ssyncadd.s32 $0xFFFFC000  }
0x225: {  	_ =	sfence.sel $0x180000  }
0x226: {  	[bflag:$0x0] =	sbarrier.arrive $0xFFFF  }
0x227: {  	_ =	strace $0x90000047  }
0x228: {  	s0 =	stileid.u32;
	[bflag:$0x2] =	sbarrier.arrive $0xFFFF  }
0x229: {  	p0 =	sne.s32 s0, $0x0;
	s0 =	rddreg [dreg:$0x2]  }
0x22a: {  	s0 =	sadd.s32 @!p0 $0x100000, s0  }
0x22b: {  	[sflag:s0] =	ssyncadd.tile.s32 @!p0 $0x1;
	_ =	shalt  }
.Lfunc_end2:
_tile_overlayer_lowered:
.L_overlay_start_2:
0x22c: {  	(tag) =	ssettag $0x2  }
0x22d: {  	s0 =	rddreg [dreg:$0x0];
	s2 =	stileid.u32  }
0x22e: {  	s1 =	rddreg [dreg:$0x1];
	p0 =	sne.s32 s2, $0x0  }
0x22f: {  	s3 =	rddreg [dreg:$0x2];
	[bflag:$0x3] =	sbarrier.arrive $0xFFFF;
	s2 =	simm.s32 @!p0 $0x1C07  }
0x230: {  	[timem:s3], [sflag:s2] =	dma.local @!p0 [hbm:s0], s1  }
0x231: {  	s0 =	simm.s32 @!p0 $0x7  }
0x232: {  	_ =	swait.ge @!p0 [sflag:s0], s1  }
0x233: {  	s1 =	ssub.s32 @!p0 $0x0, s1;
	[sflag:s0] =	ssyncset.done @!p0 $0x0  }
0x234: {  	[sflag:s0] =	ssyncadd.s32 @!p0 s1  }
0x235: {  	[bflag:$0x3] =	sbarrier.arrive $0xFFFF  }
0x236: {  	_ =	shalt  }

// kernel: sparse-core-data-format-call.cloned.1.call-start
scs
called_computation_lowered:
.L_overlay_start_0:
0x0: {  	s2 =	sld [smem:$0x3FD9]  }
0x1: {  	s3 =	sld [smem:$0x3FFE];
	_ =	sdelay $0x1  }
0x2: {  	s1 =	srdreg.scid  }
0x3: {  	s0 =	sand.u32 $0x1, s1  }
0x4: {  	s18 =	sshll.u32 s0, $0xA;
	s2 =	sadd.s32 s3, s2  }
0x5: {  	s2 =	sadd.s32 s2, s18  }
0x6: {  	[smem:$0x3FC6] =	sst s2  }
0x7: {  	_ = 	snop  }
0x8: {  	s2 =	sld [smem:$0x3FD0];
	(tm) =	ssettm $0x1  }
0x9: {  	s19 =	sld [smem:$0x3FFB];
	_ =	sdelay $0x3  }
0xa: {  	_ =	strace s19  }
0xb: {  	s3 =	sld [smem:$0x3FFC];
	_ =	sdelay $0x3  }
0xc: {  	_ =	strace s3  }
0xd: {  	s3 =	sld [smem:$0x3FFD];
	_ =	sdelay $0x3  }
0xe: {  	_ =	strace s3  }
0xf: {  	_ =	strace $0x8FFFFFFF  }
0x10: {  	s20 =	sld [smem:$0x3FDB];
	_ =	sdelay $0x1  }
0x11: {  	s4 =	simm.s32 $_scs_section_size  }
0x12: {  	s5 =	simm.s32 $_size__tile_overlayer_lowered;
	s6 =	simm.s32 $_tile_overlayer_lowered  }
0x13: {  	s23 =	simm.s32 $0x1BFF;
	s22 =	sshll.u32 s6, $0x1;
	s3 =	sadd.s32 s4, s20  }
0x14: {  	s7 =	simm.s32 $0x0;
	s21 =	sshll.u32 s5, $0x1;
	s5 =	sadd.s32 s22, s3  }
0x15: {  	[timem:s7], [sflag:s23] =	dma.local [hbm:s5], s21  }
0x16: {  	_ =	swait.ge [sflag:s23], s21  }
0x17: {  	s4 =	ssub.s32 $0x0, s21;
	[sflag:s23] =	ssyncset.done $0x0  }
0x18: {  	[sflag:s23] =	ssyncadd.s32 s4;
	_ =	sdelay $0x1  }
0x19: {  	s24 =	simm.s32 $0x1B8B  }
0x1a: {  	_ =	swait.ge [sflag:s24], $0x1  }
0x1b: {  	[sflag:s24] =	ssyncset.done $0x0  }
0x1c: {  	s26 =	simm.s32 $0x1B8E;
	s25 =	sld [smem:$0x3FFE];
	[sflag:s24] =	ssyncadd.s32 $0xFFFFFFFF  }
0x1d: {  	s27 =	simm.s32 $execute0_lowered;
	[smem:$0x3FD2] =	sst s26  }
0x1e: {  	s5 =	sshll.u32 s27, $0x1;
	_ =	strace $0x80000049;
	[dreg:$0x1] =	wrdreg $0xFFFFFFFF  }
0x1f: {  	s28 =	simm.s32 $_size_execute0_lowered;
	s3 =	sadd.s32 s3, s5;
	[dreg:$0x0] =	wrdreg $0x0  }
0x20: {  	s5 =	sshll.u32 s28, $0x1;
	[dreg:$0x2] =	wrdreg s3  }
0x21: {  	[dreg:$0x3] =	wrdreg s5  }
0x22: {  	[dreg:$0x4] =	wrdreg $0xC0  }
0x23: {  	_ =	task [dreg:s7], $0x5FFFF  }
0x24: {  	[dreg:$0x1] =	wrdreg $0xFFFFFFFF  }
0x25: {  	[dreg:$0x0] =	wrdreg $0x60  }
0x26: {  	[dreg:$0x2] =	wrdreg s25  }
0x27: {  	[dreg:$0x3] =	wrdreg s2  }
0x28: {  	[dreg:$0x4] =	wrdreg $0x9  }
0x29: {  	_ =	task.clear_ibuf [dreg:s7], $0x5FFFF;
	_ =	strace $0x90000049  }
0x2a: {  	s29 =	simm.s32 $0x9;
	_ =	strace $0x8000004B  }
0x2b: {  	_ =	swait.ge [sflag:s29], $0x1  }
0x2c: {  	[sflag:s29] =	ssyncadd.s32 $0xFFFFFFFF  }
0x2d: {  	_ =	strace $0x9000004B  }
0x2e: {  	_ =	sfence  }
0x2f: {  	s30 =	sld [smem:$0x0];
	_ =	sdelay $0x2  }
0x30: {  	s31 =	sshll.u32 s1, $0xD;
	s1 =	sshrl.u32 s1, $0x2  }
0x31: {  	s3 =	sand.u32 $0x4000, s31;
	s1 =	sadd.s32 s1, s30  }
0x32: {  	s0 =	sor.u32 s3, s0;
	s1 =	sshll.u32 s1, $0x11  }
0x33: {  	s0 =	sor.u32 s1, s0  }
0x34: {  	s0 =	sadd.s32 $0x8F2B, s0  }
0x35: {  	[sflag:s0] =	ssyncadd.remote.s32 $0x1  }
0x36: {  	_ =	sfence.sel $0xFFFF  }
0x37: {  	[dreg:$0x0] =	wrdreg $0xFFFFFFFF;
	(pc) =	sbr.abs _section_cstart, $3  }
0x38: {  	[dreg:$0x1] =	wrdreg $0xFFFFFFFF  }
0x39: {  	_ =	task.clear_ibuf [dreg:s7], $0x2FFFF;
	_ =	strace $0x9FFFFFFF  }
0x3a: {  	(tm) =	ssettm $0x7FFFFFFF  }
0x3b: {  	_ =	shalt  }
tec
execute0_lowered:
.L_overlay_start_1:
0x0: {  	(tag) =	ssettag $0x1  }
0x1: {  	s0 =	stileid.u32  }
0x2: {  	s2 =	srdreg.scid;
	s7 =	rddreg [dreg:$0x0]  }
0x3: {  	s6 =	simm.s32 $0x1;
	s31 =	simm.s32 $0x2;
	s16 =	simm.s32 $0x0  }
0x4: {  	s9 =	simm.s32 $0x2000;
	s15 =	simm.s32 $0x0;
	s10 =	simm.s32 $0x0  }
0x5: {  	s11 =	simm.s32 $0x0;
	s14 =	simm.s32 $0x0;
	s1 =	sshll.u32 s0, $0x7  }
0x6: {  	s3 =	sshll.u32 s0, $0x4;
	s2 =	sshll.u32 s2, $0x8;
	s1 =	sand.u32 $0x380, s1  }
0x7: {  	s7 =	sadd.s32 $0xC3B400, s7;
	s2 =	sor.u32 s3, s2;
	s5 =	ssub.s32 $0x400, s1  }
0x8: {  	s3 =	rddreg [dreg:$0x1];
	s4 =	sand.u32 $0x180, s2;
	s29 =	sand.u32 $0x380, s5  }
0x9: {  	s30 =	ssub.s32 $0x18680, s4;
	s5 =	sshrl.u32 s5, $0xA;
	p0 =	sne.s32 s29, $0x0  }
.Ltmp0:
0xa: {  	s8 =	sshrl.u32 s30, $0x9;
	s6 =	simm.s32 @!p0 $0x0;
	(pc) =	sbr.rel .LBB1_1-.Ltmp0, $4  }
0xb: {  	s2 =	rddreg [dreg:$0x2];
	s8 =	sadd.s32 $0x1, s8;
	s6 =	sadd.s32 s6, s5  }
0xc: {  	_ =	strace $0x8000004A;
	s5 =	simm.s32 $0x1;
	s6 =	smul.u32 s6, s8  }
0xd: {  	s13 =	smov.u32 s1;
	s12 =	smov.u32 s4;
	[sflag:s5] =	ssyncpa.u1 $0x0  }
0xe: {  	p0 =	por $0x0, $0x0;
	[sflag:s31] =	ssyncpa.u1 $0x0;
	s8 =	sadd.s32 $0x1, s6  }
.LBB1_4:
0xf: {  	s21 =	sshra.s32 s21, $0x2;
	s27 =	sshll.u32 s10, $0xA;
	s22 =	sshll.u32 s11, $0x3  }
0x10: {  	s23 =	sshll.u32 s10, $0x7;
	s24 =	sand.u32 $0x78, s11;
	p1 =	sgt.s32 s10, $0x18620  }
0x11: {  	s25 =	sshra.s32 s10, $0x1F;
	s26 =	sshra.s32 s11, $0x1F;
	s20 =	sadd.s32 s21, s20  }
0x12: {  	v5 =	vld [tilespmem:s18+$0xFFFFFFD0];
	[tilespmem:s19+$0x2040 ss:$0x81] =	vst.msk $0xffff, v4;
	s21 =	sand.u32 $0xFFFFE000, s27;
	s22 =	sand.u32 $0xFFFFFC00, s22;
	s28 =	sand.u32 $0x380, s23  }
0x13: {  	v58 =	vld [tilespmem:s18+$0xFFFFFFE0];
	[tilespmem:s19+$0x2850 ss:$0x81] =	vst.msk $0xffff, v3;
	s23 =	smov.u32 s10;
	s30 =	sand.u32 s25, s10;
	s25 =	smov.u32 s11  }
0x14: {  	v59 =	vld [tilespmem:s18+$0xFFFFFFF0];
	[tilespmem:s19+$0x3060 ss:$0x81] =	vst.msk $0xffff, v2;
	s31 =	sand.u32 s26, s11;
	s21 =	sadd.s32 s22, s21;
	s22 =	sor.u32 s24, s28  }
0x15: {  	v60 =	vld [tilespmem:s18+$0x0];
	[tilespmem:s19+$0x0 ss:$0x81] =	vst.msk $0xffff, v1;
	s23 =	simm.s32 @!p1 $0x18620;
	p1 =	sgt.s32 s11, $0x380;
	s21 =	sshrl.u32 s21, $0xA  }
0x16: {  	v61 =	vld [tilespmem:s18+$0x10];
	[tilespmem:s20+$0x3870 ss:$0x81] =	vst.msk $0xffff, v0;
	s19 =	ssub.s32 s23, s30;
	s25 =	simm.s32 @!p1 $0x380;
	s29 =	smulhi.u32 $0x53E2D7, s21  }
0x17: {  	v62 =	vld [tilespmem:s18+$0x20];
	s23 =	ssub.s32 s25, s31;
	s26 =	sadd.s32 $0xFFFE79E0, s19;
	s19 =	ssub.s32 $0x186A0, s19;
	[tilespmem:s20+$0x810 ss:$0x81] =	vst.msk $0xffff, v5  }
0x18: {  	v63 =	vld [tilespmem:s18+$0xFFFFFFC0];
	[tilespmem:s20+$0x1020 ss:$0x81] =	vst.msk $0xffff, v58;
	p1 =	sgt.s32 s26, $0x7F;
	s28 =	sadd.s32 $0xFFFFFC80, s23;
	s24 =	sshrl.u32 s29, $0x7  }
0x19: {  	[tilespmem:s20+$0x1830 ss:$0x81] =	vst.msk $0xffff, v59;
	s23 =	ssub.s32 $0x400, s23;
	p2 =	sgt.s32 s28, $0x7F;
	s27 =	smul.u32 $0x186A0, s24  }
0x1a: {  	s30 =	sand.u32 $0x7, s11;
	[tilespmem:s20+$0x2040 ss:$0x81] =	vst.msk $0xffff, v60;
	s19 =	simm.s32 @p1 $0x0;
	s23 =	simm.s32 @p2 $0x0  }
0x1b: {  	[tilespmem:s20+$0x2850 ss:$0x81] =	vst.msk $0xffff, v61;
	s29 =	sshrl.u32 s22, $0x3;
	s19 =	smul.u32 s23, s19;
	s18 =	ssub.s32 s21, s27  }
0x1c: {  	[tilespmem:s20+$0x3060 ss:$0x81] =	vst.msk $0xffff, v62;
	s22 =	sshll.u32 s30, $0x12;
	s21 =	sadd.s32 s3, s29;
	s18 =	sshll.u32 s18, $0x7  }
0x1d: {  	[tilespmem:s20+$0x0 ss:$0x81] =	vst.msk $0xffff, v63;
	s31 =	sor.u32 $0x400, s22;
	s19 =	sand.u32 $0x3FFFFFFF, s19;
	s18 =	sadd.s32 s18, s21  }
0x1e: {  	[hbm4b:s18+s31] =	stream.strided.scatter [tilespmem:s17], [sflag:$0x2], s19, s9, s31, $0x20;
	[tilespmem:$0x10100] =	vst v63  }
.LBB1_5:
0x1f: {  	p1 =	slt.u32 s14, $0x2  }
0x20: {  	s18 =	smov.u32 s16;
	p2 =	sgt.s32 @!p1 s16, $0x18620;
	s17 =	sshra.s32 @!p1 s16, $0x1F  }
0x21: {  	p3 =	sgt.s32 @!p1 s15, $0x380;
	s19 =	sshra.s32 @!p1 s15, $0x1F;
	p2 =	por !p2, p1  }
0x22: {  	s16 =	sand.u32 @!p1 s17, s16;
	p3 =	por !p3, p1;
	s17 =	smov.u32 s15  }
0x23: {  	s15 =	sand.u32 @!p1 s19, s15;
	s18 =	simm.s32 @p2 $0x18620;
	s17 =	simm.s32 @p3 $0x380  }
0x24: {  	s16 =	ssub.s32 @!p1 s18, s16;
	s15 =	ssub.s32 @!p1 s17, s15  }
0x25: {  	s19 =	smov.u32 s13;
	s17 =	sadd.s32 @!p1 $0xFFFE79E0, s16;
	s18 =	sadd.s32 @!p1 $0xFFFFFC80, s15  }
0x26: {  	s16 =	ssub.s32 @!p1 $0x186A0, s16;
	p2 =	sgt.s32 @!p1 s17, $0x7F;
	p3 =	sgt.s32 @!p1 s18, $0x7F  }
0x27: {  	s15 =	ssub.s32 @!p1 $0x400, s15;
	p2 =	por !p2, p1;
	p3 =	por !p3, p1  }
0x28: {  	s17 =	sadd.s32 $0x200, s12;
	s16 =	simm.s32 @!p2 $0x0;
	s15 =	simm.s32 @!p3 $0x0  }
0x29: {  	p2 =	sgt.s32 s17, $0x1869F;
	s15 =	smul.u32 @!p1 s15, s16;
	s16 =	sadd.s32 $0x400, s13  }
0x2a: {  	s19 =	smov.u32 @p2 s16  }
0x2b: {  	s17 =	smov.u32 @p2 s4;
	p2 =	sgt.s32 s19, $0x3FF  }
0x2c: {  	s19 =	smov.u32 @p2 s1;
	p2 =	sne.s32 s14, s8  }
.Ltmp1:
0x2d: {  	p0 =	por !p0, !p0;
	s18 =	simm.s32 @!p1 $0x2;
	(pc) =	sbr.rel @!p2 .LBB1_6-.Ltmp1, $4  }
0x2e: {  	s16 =	smov.u32 s10;
	s10 =	smov.u32 s12;
	s15 =	sand.u32 @!p1 $0x3FFFFFFF, s15  }
0x2f: {  	s12 =	smov.u32 s17;
	_ =	swait.ge @!p1 [sflag:s18], s15;
	s20 =	ssub.s32 @!p1 $0x0, s15  }
0x30: {  	s15 =	smov.u32 s11;
	s14 =	sadd.s32 $0x1, s14;
	[sflag:s18] =	ssyncset.done @!p1 $0x0  }
0x31: {  	s11 =	smov.u32 s13;
	s13 =	smov.u32 s19;
	[sflag:s18] =	ssyncadd.s32 @!p1 s20  }
.LBB1_1:
0x32: {  	p1 =	sge.u32 s14, s6  }
0x33: {  	s17 =	sshrl.u32 @!p1 s13, $0x3  }
0x34: {  	s18 =	sshll.u32 @!p1 s12, $0x3;
	s17 =	smul.u32 @!p1 $0xC3800, s17  }
0x35: {  	s19 =	sshll.u32 @!p1 s13, $0x7;
	s18 =	sand.u32 @!p1 $0xFFFFFC00, s18  }
0x36: {  	s17 =	sadd.s32 @!p1 s17, s18;
	s18 =	sand.u32 @!p1 $0x380, s19  }
0x37: {  	s19 =	sand.u32 @!p1 $0x7F, s12;
	s17 =	sor.u32 @!p1 s18, s17  }
0x38: {  	s18 =	sor.u32 @!p1 s19, s17  }
0x39: {  	s19 =	smulhi.u32 @!p1 $0xA79C7B17, s18;
	_ =	sdelay $0x1  }
0x3a: {  	s17 =	smulhi.u32 @!p1 $0xA79C7B17, s17;
	s19 =	sshrl.u32 @!p1 s19, $0x10  }
0x3b: {  	s19 =	smul.u32 @!p1 $0x18700, s19  }
0x3c: {  	s31 =	sadd.s32 $0xFFFFFFFF, s14;
	s20 =	sxor.u32 @!p1 $0xFFFFFFFF, s14;
	s17 =	sshrl.u32 @!p1 s17, $0x10  }
0x3d: {  	s20 =	sshll.u32 @!p1 s20, $0xE;
	s17 =	sand.u32 @!p1 $0x3FF, s17;
	s18 =	ssub.s32 @!p1 s18, s19  }
0x3e: {  	s17 =	smul.u32 @!p1 $0x30E0, s17;
	s19 =	sshrl.u32 @!p1 s18, $0x3;
	s18 =	sand.u32 @!p1 $0x7, s18  }
0x3f: {  	s20 =	sand.u32 @!p1 $0x4000, s20;
	s19 =	sadd.s32 @!p1 s7, s19;
	s18 =	sshll.u32 @!p1 s18, $0x12  }
0x40: {  	s17 =	sadd.s32 @!p1 s17, s19;
	s18 =	sor.u32 @!p1 $0x400, s18;
	s19 =	simm.s32 @!p1 $0xC3800  }
0x41: {  	[tilespmem:s20], [sflag:$0x1] =	stream.strided.gather @!p1 [hbm4b:s17+s18], $0x4000, s19, s18, $0x38;
	[tilespmem:$0x10100] =	vst v63  }
0x42: {  	p1 =	sge.u32 s31, s6  }
.Ltmp2:
0x43: {  	_ = 	snop;
	(pc) =	sbr.rel @p1 .LBB1_5-.Ltmp2, $1  }
0x44: {  	_ =	sdelay $0x3  }
0x45: {  	s17 =	simm.s32 $0x1  }
0x46: {  	_ =	swait.ge [sflag:s5], $0x4000;
	s17 =	simm.s32 @!p0 $0x0  }
0x47: {  	[sflag:s5] =	ssyncset.done $0x0;
	s18 =	sshll.u32 s17, $0xE  }
0x48: {  	[sflag:s5] =	ssyncadd.s32 $0xFFFFC000;
	s18 =	sor.u32 $0x40, s18  }
0x49: {  	s17 =	smul.u32 $0x10200, s17;
	v0 =	vld [tilespmem:s18+$0x30]  }
0x4a: {  	v1 =	vld [tilespmem:s18+$0xFFFFFFD0]  }
0x4b: {  	s17 =	sshrl.u32 s17, $0x2;
	v5 =	vld [tilespmem:s18+$0xFFFFFFE0]  }
0x4c: {  	v6 =	vld [tilespmem:s18+$0xFFFFFFF0];
	s20 =	sor.u32 $0x8000, s17  }
0x4d: {  	s31 =	sand.u32 $0x1, s14;
	v4 =	vld [tilespmem:s18+$0x0];
	s19 =	sadd.s32 $0x0, s20  }
0x4e: {  	v3 =	vld [tilespmem:s18+$0x10];
	s17 =	smul.u32 $0x10200, s31;
	[tilespmem:s19+$0x3870 ss:$0x81] =	vst.msk $0xffff, v0  }
0x4f: {  	v2 =	vld [tilespmem:s18+$0x20];
	[tilespmem:s19+$0x810 ss:$0x81] =	vst.msk $0xffff, v1  }
0x50: {  	s17 =	sshrl.u32 s17, $0x2;
	v1 =	vld [tilespmem:s18+$0xFFFFFFC0];
	[tilespmem:s19+$0x1020 ss:$0x81] =	vst.msk $0xffff, v5;
	s18 =	sadd.s32 $0x80, s18  }
0x51: {  	s21 =	simm.s32 $0x4;
	s22 =	simm.s32 $0x8;
	s17 =	sor.u32 $0x8000, s17;
	[tilespmem:s19+$0x1830 ss:$0x81] =	vst.msk $0xffff, v6;
	v0 =	vld [tilespmem:s18+$0x30]  }
.LBB1_3:
0x52: {  	p1 =	sne.s32 s22, $0x1FC;
	v5 =	vld [tilespmem:s18+$0xFFFFFFD0];
	[tilespmem:s19+$0x2040 ss:$0x81] =	vst.msk $0xffff, v4  }
0x53: {  	v6 =	vld [tilespmem:s18+$0xFFFFFFE0];
	[tilespmem:s19+$0x2850 ss:$0x81] =	vst.msk $0xffff, v3  }
0x54: {  	s23 =	sshra.s32 s21, $0x2;
	s21 =	smov.u32 s22;
	v7 =	vld [tilespmem:s18+$0xFFFFFFF0];
	[tilespmem:s19+$0x3060 ss:$0x81] =	vst.msk $0xffff, v2  }
.Ltmp3:
0x55: {  	v4 =	vld [tilespmem:s18+$0x0];
	[tilespmem:s19+$0x0 ss:$0x81] =	vst.msk $0xffff, v1;
	s19 =	sadd.s32 s23, s20;
	(pc) =	sbr.rel @p1 .LBB1_3-.Ltmp3, $4  }
0x56: {  	v3 =	vld [tilespmem:s18+$0x10];
	[tilespmem:s19+$0x3870 ss:$0x81] =	vst.msk $0xffff, v0  }
0x57: {  	[tilespmem:s19+$0x810 ss:$0x81] =	vst.msk $0xffff, v5;
	v2 =	vld [tilespmem:s18+$0x20]  }
0x58: {  	v1 =	vld [tilespmem:s18+$0xFFFFFFC0];
	[tilespmem:s19+$0x1020 ss:$0x81] =	vst.msk $0xffff, v6;
	s18 =	sadd.s32 $0x80, s18  }
0x59: {  	s22 =	sadd.s32 $0x4, s22;
	v0 =	vld [tilespmem:s18+$0x30];
	[tilespmem:s19+$0x1830 ss:$0x81] =	vst.msk $0xffff, v7  }
.Ltmp4:
0x5a: {  	_ = 	snop;
	(pc) =	sbr.rel .LBB1_4-.Ltmp4, $1  }
0x5b: {  	_ =	sdelay $0x3  }
.LBB1_6:
0x5c: {  	_ =	sfence.sel $0x180000  }
0x5d: {  	s1 =	simm.s32 $0x1;
	[bflag:$0x0] =	sbarrier.arrive $0xFFFF  }
0x5e: {  	s31 =	simm.s32 $0x2;
	[sflag:s1] =	ssyncpa.u1 $0x1  }
0x5f: {  	[sflag:s31] =	ssyncpa.u1 $0x1  }
0x60: {  	p0 =	sne.s32 s0, $0x0;
	_ =	strace $0x9000004A  }
0x61: {  	s0 =	sadd.s32 @!p0 $0x100000, s2;
	[bflag:$0x2] =	sbarrier.arrive $0xFFFF  }
0x62: {  	[sflag:s0] =	ssyncadd.tile.s32 @!p0 $0x1;
	_ =	shalt  }
.Lfunc_end1:
_tile_overlayer_lowered:
.L_overlay_start_2:
0x63: {  	(tag) =	ssettag $0x2  }
0x64: {  	s0 =	rddreg [dreg:$0x0];
	s2 =	stileid.u32  }
0x65: {  	s1 =	rddreg [dreg:$0x1];
	p0 =	sne.s32 s2, $0x0  }
0x66: {  	s3 =	rddreg [dreg:$0x2];
	[bflag:$0x3] =	sbarrier.arrive $0xFFFF;
	s2 =	simm.s32 @!p0 $0x1C01  }
0x67: {  	[timem:s3], [sflag:s2] =	dma.local @!p0 [hbm:s0], s1  }
0x68: {  	s0 =	simm.s32 @!p0 $0x1  }
0x69: {  	_ =	swait.ge @!p0 [sflag:s0], s1  }
0x6a: {  	s1 =	ssub.s32 @!p0 $0x0, s1;
	[sflag:s0] =	ssyncset.done @!p0 $0x0  }
0x6b: {  	[sflag:s0] =	ssyncadd.s32 @!p0 s1  }
0x6c: {  	[bflag:$0x3] =	sbarrier.arrive $0xFFFF  }
0x6d: {  	_ =	shalt  }

</sc_bundles>
